<compile_context>
chip_gen: v7x
topology: tpu7x:2x2x1
jax: 0.10.2.dev20260603
libtpu: 0.0.44.dev20260713+nightly
codegen_flags: <defaults>
</compile_context>

<pallas_src>
import functools
import math

import jax
import jax.numpy as jnp
from jax import lax
from jax.experimental import pallas as pl
from jax.experimental.pallas import tpu as pltpu
from jax.experimental.pallas import tpu_sc as plsc

_N_JOINTS = 55
_EXP_DIM = 100
_EW = 104
_CW = 64
_FREE_JOINTS = (0, 12, 15, 16, 17, 22, 23, 24)
_NJ = len(_FREE_JOINTS)

_COS_C = tuple((-1.0) ** k / math.factorial(2 * k) for k in range(8))
_SINC_C = tuple((-1.0) ** k / math.factorial(2 * k + 1) for k in range(7))
_VERC_C = tuple((-1.0) ** k / math.factorial(2 * k + 2) for k in range(7))


def _horner(u, coeffs):
    acc = jnp.full((16,), coeffs[-1], jnp.float32)
    for c in coeffs[-2::-1]:
        acc = acc * u + c
    return acc


def _sc_body(nc, bpw,
             combo_hbm, exp_hbm, ids_hbm,
             out_mats, out_cam, out_exp, out_light,
             idx_v, combo_v, exp_v, mats_v,
             sem_cb, sem_e):
    wid = lax.axis_index("s") * nc + lax.axis_index("c")
    base = wid * bpw

    pltpu.sync_copy(ids_hbm.at[pl.ds(base, bpw)], idx_v)
    g_combo = pltpu.async_copy(combo_hbm.at[idx_v], combo_v, sem_cb)
    g_exp = pltpu.async_copy(exp_hbm.at[idx_v], exp_v, sem_e)

    g_combo.wait()
    lanes = lax.iota(jnp.int32, 16)

    def group(g, carry):
        frames = g * 16 + lanes
        for k in range(_NJ):
            x = plsc.load_gather(combo_v, [frames, jnp.full((16,), 3 * k, jnp.int32)])
            y = plsc.load_gather(combo_v, [frames, jnp.full((16,), 3 * k + 1, jnp.int32)])
            z = plsc.load_gather(combo_v, [frames, jnp.full((16,), 3 * k + 2, jnp.int32)])
            u = x * x + y * y + z * z
            c = _horner(u, _COS_C)
            a = _horner(u, _SINC_C)
            v = _horner(u, _VERC_C)
            ax, ay, az = a * x, a * y, a * z
            vx, vy, vz = v * x, v * y, v * z
            ent = (
                c + vx * x, vx * y - az, vx * z + ay,
                vx * y + az, c + vy * y, vy * z - ax,
                vx * z - ay, vy * z + ax, c + vz * z,
            )
            for e, val in enumerate(ent):
                mats_v[k * 9 + e, pl.ds(g * 16, 16)] = val
        return carry

    lax.fori_loop(0, bpw // 16, group, 0)
    pltpu.sync_copy(mats_v, out_mats.at[wid])

    pltpu.sync_copy(combo_v.at[:, pl.ds(24, 8)],
                    out_cam.at[pl.ds(base, bpw)])
    pltpu.sync_copy(combo_v.at[:, pl.ds(32, 32)],
                    out_light.at[pl.ds(base, bpw)])
    g_exp.wait()
    pltpu.sync_copy(exp_v, out_exp.at[pl.ds(base, bpw)])


def _tc_merge_body(fp_ref, mats_ref, out_ref):
    out_ref[...] = fp_ref[...]
    for k, j in enumerate(_FREE_JOINTS):
        for e in range(9):
            out_ref[e, j, :] = mats_ref[0, k * 9 + e, :]


def kernel(pose_table, exp_table, cam_table, light_table, full_pose, frame_ids):
    b = frame_ids.shape[0]
    n_frames = pose_table.shape[0]
    info = plsc.get_sparse_core_info()
    nc, ns = info.num_cores, info.num_subcores
    nw = nc * ns
    bpw = b // nw

    zeros5 = jnp.zeros((n_frames, 5), jnp.float32)
    combo = jnp.concatenate(
        [pose_table[:, _FREE_JOINTS, :].reshape(n_frames, 3 * _NJ),
         cam_table, zeros5,
         light_table.reshape(n_frames, 27), zeros5],
        axis=1)
    exp2d = jnp.pad(exp_table, ((0, 0), (0, _EW - _EXP_DIM)))

    mesh = plsc.VectorSubcoreMesh(core_axis_name="c", subcore_axis_name="s")
    run = functools.partial(
        pl.kernel,
        out_type=(
            jax.ShapeDtypeStruct((nw, 72, bpw), jnp.float32),
            jax.ShapeDtypeStruct((b, 8), jnp.float32),
            jax.ShapeDtypeStruct((b, _EW), jnp.float32),
            jax.ShapeDtypeStruct((b, 32), jnp.float32),
        ),
        mesh=mesh,
        compiler_params=pltpu.CompilerParams(
            needs_layout_passes=False, use_tc_tiling_on_sc=False),
        scratch_types=(
            pltpu.VMEM((bpw,), jnp.int32),
            pltpu.VMEM((bpw, _CW), jnp.float32),
            pltpu.VMEM((bpw, _EW), jnp.float32),
            pltpu.VMEM((72, bpw), jnp.float32),
            pltpu.SemaphoreType.DMA,
            pltpu.SemaphoreType.DMA,
        ),
    )(functools.partial(_sc_body, nc, bpw))

    mats, cam, exp, light = run(combo, exp2d, frame_ids.astype(jnp.int32))

    fp_t = jnp.transpose(full_pose, (2, 3, 1, 0)).reshape(9, _N_JOINTS, b)
    out_t = pl.pallas_call(
        _tc_merge_body,
        grid=(nw,),
        in_specs=[
            pl.BlockSpec((9, _N_JOINTS, bpw), lambda i: (0, 0, i)),
            pl.BlockSpec((1, 72, bpw), lambda i: (i, 0, 0)),
        ],
        out_specs=pl.BlockSpec((9, _N_JOINTS, bpw), lambda i: (0, 0, i)),
        out_shape=jax.ShapeDtypeStruct((9, _N_JOINTS, b), jnp.float32),
    )(fp_t, mats)
    out_pose = jnp.transpose(
        out_t.reshape(3, 3, _N_JOINTS, b), (3, 2, 0, 1))

    return (out_pose, cam[:, :3], exp[:, :_EXP_DIM],
            light[:, :27].reshape(b, 9, 3))

# --- scband reference (transcript-rebuilt; emitter-appended) ---
"""Pipeline reference for scband-pose-model-43087111914133 (READ-ONLY COPY).

The authoritative reference and input builder live on the scoring server;
editing this copy changes nothing except your own understanding.
"""

import jax, jax.numpy as jnp
import numpy as np

N_FRAMES = 100000
B = 4096
N_JOINTS = 55
EXP_DIM = 100
FIX_IDX = np.array(list(range(1, 12)) + [13, 14, 18, 19, 20, 21] + list(range(25, 55)), dtype=np.int32)


def batch_axis2matrix(aa):
    # aa: [N, 3] axis-angle -> [N, 3, 3] rotation matrices (Rodrigues)
    angle = jnp.linalg.norm(aa, axis=-1, keepdims=True)
    angle = jnp.maximum(angle, 1e-8)
    axis = aa / angle
    x = axis[:, 0]
    y = axis[:, 1]
    z = axis[:, 2]
    zeros = jnp.zeros_like(x)
    K = jnp.stack([zeros, -z, y, z, zeros, -x, -y, x, zeros], axis=-1).reshape(-1, 3, 3)
    ang = angle[..., None]
    I = jnp.eye(3, dtype=aa.dtype)[None, :, :]
    return I + jnp.sin(ang) * K + (1.0 - jnp.cos(ang)) * jnp.matmul(K, K)


def setup_inputs(seed: int = 0) -> dict:
    key = jax.random.key(seed)
    ks = jax.random.split(key, 6)
    frame_ids = jax.random.randint(ks[0], (B,), 0, N_FRAMES, dtype=jnp.int64 if jax.config.jax_enable_x64 else jnp.int32)
    full_pose = jax.random.normal(ks[1], (B, N_JOINTS, 3, 3), dtype=jnp.float32)
    # learned per-frame parameter tables (registered nn.Parameters in the torch module)
    pose_table = jax.random.normal(ks[2], (N_FRAMES, N_JOINTS, 3), dtype=jnp.float32) * 0.1 + 1e-5
    exp_table = jax.random.normal(ks[3], (N_FRAMES, EXP_DIM), dtype=jnp.float32) * 0.01
    cam_table = jax.random.normal(ks[4], (N_FRAMES, 3), dtype=jnp.float32)
    light_table = jax.random.normal(ks[5], (N_FRAMES, 9, 3), dtype=jnp.float32) * 0.01
    return {
        'pose_table': pose_table,
        'exp_table': exp_table,
        'cam_table': cam_table,
        'light_table': light_table,
        'full_pose': full_pose,
        'frame_ids': frame_ids,
    }


def reference(pose_table, exp_table, cam_table, light_table, full_pose, frame_ids):
    b = frame_ids.shape[0]
    # per-frame parameter gather (the getattr(self, f'{name}_pose_{frame_id}') lookups)
    batch_pose = jnp.take(pose_table, frame_ids, axis=0)  # [B, 55, 3]
    mats = batch_axis2matrix(batch_pose.reshape(-1, 3)).reshape(b, N_JOINTS, 3, 3)
    fix = jnp.asarray(FIX_IDX)
    # batch['full_pose'][:, fix_idx] = batch['init_full_pose'][:, fix_idx]
    out_pose = mats.at[:, fix].set(full_pose[:, fix])
    cam = jnp.take(cam_table, frame_ids, axis=0)      # optimize_cam=True
    exp = jnp.take(exp_table, frame_ids, axis=0)      # opt_exp=True
    light = jnp.take(light_table, frame_ids, axis=0)  # use_light=True
    return out_pose, cam, exp, light

if __name__ == "__main__":
    import jax
    _d = setup_inputs()
    print(jax.jit(kernel)(*tuple(_d.values())))

</pallas_src>

<mosaic_0001>
#map = affine_map<(d0, d1) -> (0, 0)>
#map1 = affine_map<(d0, d1) -> (0)>
#map2 = affine_map<(d0, d1) -> (0, 0, 0)>
module attributes {stable_mosaic.version = 14 : i64} {
  func.func @_sc_body(%arg0: i32, %arg1: i32, %arg2: memref<100000x64xf32, #tpu.memory_space<hbm>>, %arg3: memref<100000x104xf32, #tpu.memory_space<hbm>>, %arg4: memref<4096xi32, #tpu.memory_space<hbm>>, %arg5: memref<32x72x128xf32, #tpu.memory_space<hbm>>, %arg6: memref<4096x8xf32, #tpu.memory_space<hbm>>, %arg7: memref<4096x104xf32, #tpu.memory_space<hbm>>, %arg8: memref<4096x32xf32, #tpu.memory_space<hbm>>, %arg9: memref<128xi32, #tpu.memory_space<vmem>>, %arg10: memref<128x64xf32, #tpu.memory_space<vmem>>, %arg11: memref<128x104xf32, #tpu.memory_space<vmem>>, %arg12: memref<72x128xf32, #tpu.memory_space<vmem>>, %arg13: memref<!tpu.dma_semaphore, #tpu.memory_space<semaphore_mem>>, %arg14: memref<!tpu.dma_semaphore, #tpu.memory_space<semaphore_mem>>) attributes {dimension_semantics = [#tpu.dimension_semantics<core_parallel>, #tpu.dimension_semantics<subcore_parallel>], iteration_bounds = array<i64: 2, 16>, scalar_prefetch = 0 : i64, scratch_operands = 6 : i64, tpu.core_type = #tpu.core_type<sc_vector_subcore>, window_params = [{transform_indices = #map}, {transform_indices = #map}, {transform_indices = #map1}, {transform_indices = #map2}, {transform_indices = #map}, {transform_indices = #map}, {transform_indices = #map}]} {
    %mul3A = arith.constant 2 : i32
    %mul3A_0 = arith.muli %arg1, %mul3A : i32
    %add3A = arith.addi %mul3A_0, %arg0 : i32
    %mul3A_1 = arith.constant 128 : i32
    %mul3A_2 = arith.muli %add3A, %mul3A_1 : i32
    "tpu.region"() ({
      %run_scoped3A = tpu.sem_alloc : memref<!tpu.dma_semaphore, #tpu.memory_space<semaphore_mem>>
      %dma_start3A_18 = tpu.memref_slice %arg4[%mul3A_2] : memref<4096xi32, #tpu.memory_space<hbm>> -> memref<128xi32, #tpu.memory_space<hbm>>
      %dma_start3A_19 = tpu.memref_slice %arg4[%mul3A_2] : memref<4096xi32, #tpu.memory_space<hbm>> -> memref<128xi32, #tpu.memory_space<hbm>>
      tpu.enqueue_dma source(%dma_start3A_19 : memref<128xi32, #tpu.memory_space<hbm>>) target(%arg9 : memref<128xi32, #tpu.memory_space<vmem>>) target_semaphore(%run_scoped3A : memref<!tpu.dma_semaphore, #tpu.memory_space<semaphore_mem>>)
      %dma_wait3A_20 = tpu.memref_slice %arg4[%mul3A_2] : memref<4096xi32, #tpu.memory_space<hbm>> -> memref<128xi32, #tpu.memory_space<hbm>>
      %dma_wait3A_21 = tpu.memref_slice %arg4[%mul3A_2] : memref<4096xi32, #tpu.memory_space<hbm>> -> memref<128xi32, #tpu.memory_space<hbm>>
      tpu.wait_dma2 semaphore(%run_scoped3A : memref<!tpu.dma_semaphore, #tpu.memory_space<semaphore_mem>>) src(%dma_wait3A_21 : memref<128xi32, #tpu.memory_space<hbm>>) dst(%arg9 : memref<128xi32, #tpu.memory_space<vmem>>)
      tpu.yield
    }) : () -> ()
    %dma_start3A = arith.constant 0 : i32
    %dma_start3A_3 = arith.constant 0 : i32
    %dma_start3A_4 = tpu.memref_slice %arg2[%dma_start3A, %dma_start3A_3] : memref<100000x64xf32, #tpu.memory_space<hbm>> -> memref<100000x64xf32, #tpu.memory_space<hbm>>
    tpu.enqueue_indirect_dma source(%dma_start3A_4 : memref<100000x64xf32, #tpu.memory_space<hbm>>) target(%arg10 : memref<128x64xf32, #tpu.memory_space<vmem>>) offsets(%arg9 : memref<128xi32, #tpu.memory_space<vmem>>) semaphore(%arg13 : memref<!tpu.dma_semaphore, #tpu.memory_space<semaphore_mem>>)
    %dma_start3A_5 = arith.constant 0 : i32
    %dma_start3A_6 = arith.constant 0 : i32
    %dma_start3A_7 = tpu.memref_slice %arg3[%dma_start3A_5, %dma_start3A_6] : memref<100000x104xf32, #tpu.memory_space<hbm>> -> memref<100000x104xf32, #tpu.memory_space<hbm>>
    tpu.enqueue_indirect_dma source(%dma_start3A_7 : memref<100000x104xf32, #tpu.memory_space<hbm>>) target(%arg11 : memref<128x104xf32, #tpu.memory_space<vmem>>) offsets(%arg9 : memref<128xi32, #tpu.memory_space<vmem>>) semaphore(%arg14 : memref<!tpu.dma_semaphore, #tpu.memory_space<semaphore_mem>>)
    %dma_wait3A = arith.constant 0 : i32
    %dma_wait3A_8 = arith.constant 0 : i32
    %dma_wait3A_9 = tpu.memref_slice %arg2[%dma_wait3A, %dma_wait3A_8] : memref<100000x64xf32, #tpu.memory_space<hbm>> -> memref<100000x64xf32, #tpu.memory_space<hbm>>
    tpu.wait_indirect_dma semaphore(%arg13 : memref<!tpu.dma_semaphore, #tpu.memory_space<semaphore_mem>>) src(%dma_wait3A_9 : memref<100000x64xf32, #tpu.memory_space<hbm>>) dst(%arg10 : memref<128x64xf32, #tpu.memory_space<vmem>>)
    %iota3A = tpu.iota {dimensions = array<i32: 0>} : vector<16xi32>
    %scan3A = arith.constant 0 : i32
    %scan3A_10 = arith.constant 0 : i32
    %scan3A_11 = arith.constant 8 : i32
    %scan3A_12 = arith.addi %scan3A_10, %scan3A_11 : i32
    %scan3A_13 = arith.constant 1 : i32
    scf.for %scan3A_18 = %scan3A_10 to %scan3A_12 step %scan3A_13  : i32 {
      %mul3A_19 = arith.constant 16 : i32
      %mul3A_20 = arith.muli %scan3A_18, %mul3A_19 : i32
      %add3A_21 = vector.broadcast %mul3A_20 : i32 to vector<16xi32>
      %add3A_22 = arith.addi %add3A_21, %iota3A : vector<16xi32>
      %broadcast_in_dim3A = arith.constant 0 : i32
      %broadcast_in_dim3A_23 = vector.broadcast %broadcast_in_dim3A : i32 to vector<16xi32>
      %gather3A = tpu.vector_load_idx %arg10[%add3A_22, %broadcast_in_dim3A_23] : memref<128x64xf32, #tpu.memory_space<vmem>>[vector<16xi32>, vector<16xi32>], vector<16xf32>,
      %broadcast_in_dim3A_24 = arith.constant 1 : i32
      %broadcast_in_dim3A_25 = vector.broadcast %broadcast_in_dim3A_24 : i32 to vector<16xi32>
      %gather3A_26 = tpu.vector_load_idx %arg10[%add3A_22, %broadcast_in_dim3A_25] : memref<128x64xf32, #tpu.memory_space<vmem>>[vector<16xi32>, vector<16xi32>], vector<16xf32>,
      %broadcast_in_dim3A_27 = arith.constant 2 : i32
      %broadcast_in_dim3A_28 = vector.broadcast %broadcast_in_dim3A_27 : i32 to vector<16xi32>
      %gather3A_29 = tpu.vector_load_idx %arg10[%add3A_22, %broadcast_in_dim3A_28] : memref<128x64xf32, #tpu.memory_space<vmem>>[vector<16xi32>, vector<16xi32>], vector<16xf32>,
      %mul3A_30 = arith.mulf %gather3A, %gather3A : vector<16xf32>
      %mul3A_31 = arith.mulf %gather3A_26, %gather3A_26 : vector<16xf32>
      %add3A_32 = arith.addf %mul3A_30, %mul3A_31 : vector<16xf32>
      %mul3A_33 = arith.mulf %gather3A_29, %gather3A_29 : vector<16xf32>
      %add3A_34 = arith.addf %add3A_32, %mul3A_33 : vector<16xf32>
      %broadcast_in_dim3A_35 = arith.constant -1.14707454E-11 : f32
      %broadcast_in_dim3A_36 = vector.broadcast %broadcast_in_dim3A_35 : f32 to vector<16xf32>
      %mul3A_37 = arith.mulf %broadcast_in_dim3A_36, %add3A_34 : vector<16xf32>
      %add3A_38 = arith.constant 2.08767559E-9 : f32
      %add3A_39 = vector.broadcast %add3A_38 : f32 to vector<16xf32>
      %add3A_40 = arith.addf %mul3A_37, %add3A_39 : vector<16xf32>
      %mul3A_41 = arith.mulf %add3A_40, %add3A_34 : vector<16xf32>
      %add3A_42 = arith.constant -2.755732E-7 : f32
      %add3A_43 = vector.broadcast %add3A_42 : f32 to vector<16xf32>
      %add3A_44 = arith.addf %mul3A_41, %add3A_43 : vector<16xf32>
      %mul3A_45 = arith.mulf %add3A_44, %add3A_34 : vector<16xf32>
      %add3A_46 = arith.constant 2.48015876E-5 : f32
      %add3A_47 = vector.broadcast %add3A_46 : f32 to vector<16xf32>
      %add3A_48 = arith.addf %mul3A_45, %add3A_47 : vector<16xf32>
      %mul3A_49 = arith.mulf %add3A_48, %add3A_34 : vector<16xf32>
      %add3A_50 = arith.constant -0.00138888892 : f32
      %add3A_51 = vector.broadcast %add3A_50 : f32 to vector<16xf32>
      %add3A_52 = arith.addf %mul3A_49, %add3A_51 : vector<16xf32>
      %mul3A_53 = arith.mulf %add3A_52, %add3A_34 : vector<16xf32>
      %add3A_54 = arith.constant 0.0416666679 : f32
      %add3A_55 = vector.broadcast %add3A_54 : f32 to vector<16xf32>
      %add3A_56 = arith.addf %mul3A_53, %add3A_55 : vector<16xf32>
      %mul3A_57 = arith.mulf %add3A_56, %add3A_34 : vector<16xf32>
      %add3A_58 = arith.constant -5.000000e-01 : f32
      %add3A_59 = vector.broadcast %add3A_58 : f32 to vector<16xf32>
      %add3A_60 = arith.addf %mul3A_57, %add3A_59 : vector<16xf32>
      %mul3A_61 = arith.mulf %add3A_60, %add3A_34 : vector<16xf32>
      %add3A_62 = arith.constant 1.000000e+00 : f32
      %add3A_63 = vector.broadcast %add3A_62 : f32 to vector<16xf32>
      %add3A_64 = arith.addf %mul3A_61, %add3A_63 : vector<16xf32>
      %broadcast_in_dim3A_65 = arith.constant 1.60590444E-10 : f32
      %broadcast_in_dim3A_66 = vector.broadcast %broadcast_in_dim3A_65 : f32 to vector<16xf32>
      %mul3A_67 = arith.mulf %broadcast_in_dim3A_66, %add3A_34 : vector<16xf32>
      %add3A_68 = arith.constant -2.50521079E-8 : f32
      %add3A_69 = vector.broadcast %add3A_68 : f32 to vector<16xf32>
      %add3A_70 = arith.addf %mul3A_67, %add3A_69 : vector<16xf32>
      %mul3A_71 = arith.mulf %add3A_70, %add3A_34 : vector<16xf32>
      %add3A_72 = arith.constant 2.75573188E-6 : f32
      %add3A_73 = vector.broadcast %add3A_72 : f32 to vector<16xf32>
      %add3A_74 = arith.addf %mul3A_71, %add3A_73 : vector<16xf32>
      %mul3A_75 = arith.mulf %add3A_74, %add3A_34 : vector<16xf32>
      %add3A_76 = arith.constant -1.98412701E-4 : f32
      %add3A_77 = vector.broadcast %add3A_76 : f32 to vector<16xf32>
      %add3A_78 = arith.addf %mul3A_75, %add3A_77 : vector<16xf32>
      %mul3A_79 = arith.mulf %add3A_78, %add3A_34 : vector<16xf32>
      %add3A_80 = arith.constant 0.00833333377 : f32
      %add3A_81 = vector.broadcast %add3A_80 : f32 to vector<16xf32>
      %add3A_82 = arith.addf %mul3A_79, %add3A_81 : vector<16xf32>
      %mul3A_83 = arith.mulf %add3A_82, %add3A_34 : vector<16xf32>
      %add3A_84 = arith.constant -0.166666672 : f32
      %add3A_85 = vector.broadcast %add3A_84 : f32 to vector<16xf32>
      %add3A_86 = arith.addf %mul3A_83, %add3A_85 : vector<16xf32>
      %mul3A_87 = arith.mulf %add3A_86, %add3A_34 : vector<16xf32>
      %add3A_88 = arith.constant 1.000000e+00 : f32
      %add3A_89 = vector.broadcast %add3A_88 : f32 to vector<16xf32>
      %add3A_90 = arith.addf %mul3A_87, %add3A_89 : vector<16xf32>
      %broadcast_in_dim3A_91 = arith.constant 1.14707454E-11 : f32
      %broadcast_in_dim3A_92 = vector.broadcast %broadcast_in_dim3A_91 : f32 to vector<16xf32>
      %mul3A_93 = arith.mulf %broadcast_in_dim3A_92, %add3A_34 : vector<16xf32>
      %add3A_94 = arith.constant -2.08767559E-9 : f32
      %add3A_95 = vector.broadcast %add3A_94 : f32 to vector<16xf32>
      %add3A_96 = arith.addf %mul3A_93, %add3A_95 : vector<16xf32>
      %mul3A_97 = arith.mulf %add3A_96, %add3A_34 : vector<16xf32>
      %add3A_98 = arith.constant 2.755732E-7 : f32
      %add3A_99 = vector.broadcast %add3A_98 : f32 to vector<16xf32>
      %add3A_100 = arith.addf %mul3A_97, %add3A_99 : vector<16xf32>
      %mul3A_101 = arith.mulf %add3A_100, %add3A_34 : vector<16xf32>
      %add3A_102 = arith.constant -2.48015876E-5 : f32
      %add3A_103 = vector.broadcast %add3A_102 : f32 to vector<16xf32>
      %add3A_104 = arith.addf %mul3A_101, %add3A_103 : vector<16xf32>
      %mul3A_105 = arith.mulf %add3A_104, %add3A_34 : vector<16xf32>
      %add3A_106 = arith.constant 0.00138888892 : f32
      %add3A_107 = vector.broadcast %add3A_106 : f32 to vector<16xf32>
      %add3A_108 = arith.addf %mul3A_105, %add3A_107 : vector<16xf32>
      %mul3A_109 = arith.mulf %add3A_108, %add3A_34 : vector<16xf32>
      %add3A_110 = arith.constant -0.0416666679 : f32
      %add3A_111 = vector.broadcast %add3A_110 : f32 to vector<16xf32>
      %add3A_112 = arith.addf %mul3A_109, %add3A_111 : vector<16xf32>
      %mul3A_113 = arith.mulf %add3A_112, %add3A_34 : vector<16xf32>
      %add3A_114 = arith.constant 5.000000e-01 : f32
      %add3A_115 = vector.broadcast %add3A_114 : f32 to vector<16xf32>
      %add3A_116 = arith.addf %mul3A_113, %add3A_115 : vector<16xf32>
      %mul3A_117 = arith.mulf %add3A_90, %gather3A : vector<16xf32>
      %mul3A_118 = arith.mulf %add3A_90, %gather3A_26 : vector<16xf32>
      %mul3A_119 = arith.mulf %add3A_90, %gather3A_29 : vector<16xf32>
      %mul3A_120 = arith.mulf %add3A_116, %gather3A : vector<16xf32>
      %mul3A_121 = arith.mulf %add3A_116, %gather3A_26 : vector<16xf32>
      %mul3A_122 = arith.mulf %add3A_116, %gather3A_29 : vector<16xf32>
      %mul3A_123 = arith.mulf %mul3A_120, %gather3A : vector<16xf32>
      %add3A_124 = arith.addf %add3A_64, %mul3A_123 : vector<16xf32>
      %mul3A_125 = arith.mulf %mul3A_120, %gather3A_26 : vector<16xf32>
      %sub3A = arith.subf %mul3A_125, %mul3A_119 : vector<16xf32>
      %mul3A_126 = arith.mulf %mul3A_120, %gather3A_29 : vector<16xf32>
      %add3A_127 = arith.addf %mul3A_126, %mul3A_118 : vector<16xf32>
      %mul3A_128 = arith.mulf %mul3A_120, %gather3A_26 : vector<16xf32>
      %add3A_129 = arith.addf %mul3A_128, %mul3A_119 : vector<16xf32>
      %mul3A_130 = arith.mulf %mul3A_121, %gather3A_26 : vector<16xf32>
      %add3A_131 = arith.addf %add3A_64, %mul3A_130 : vector<16xf32>
      %mul3A_132 = arith.mulf %mul3A_121, %gather3A_29 : vector<16xf32>
      %sub3A_133 = arith.subf %mul3A_132, %mul3A_117 : vector<16xf32>
      %mul3A_134 = arith.mulf %mul3A_120, %gather3A_29 : vector<16xf32>
      %sub3A_135 = arith.subf %mul3A_134, %mul3A_118 : vector<16xf32>
      %mul3A_136 = arith.mulf %mul3A_121, %gather3A_29 : vector<16xf32>
      %add3A_137 = arith.addf %mul3A_136, %mul3A_117 : vector<16xf32>
      %mul3A_138 = arith.mulf %mul3A_122, %gather3A_29 : vector<16xf32>
      %add3A_139 = arith.addf %add3A_64, %mul3A_138 : vector<16xf32>
      %mul3A_140 = arith.constant 16 : i32
      %mul3A_141 = arith.muli %scan3A_18, %mul3A_140 : i32
      %swap3A = arith.constant 0 : i32
      %swap3A_142 = arith.index_cast %swap3A : i32 to index
      %swap3A_143 = arith.index_cast %mul3A_141 : i32 to index
      %swap3A_144 = tpu.vector_load %arg12[%swap3A_142, %swap3A_143] {strides = array<i32>} : memref<72x128xf32, #tpu.memory_space<vmem>>, vector<16xf32>,
      tpu.vector_store %arg12[%swap3A_142, %swap3A_143], %add3A_124 {strides = array<i32>} : memref<72x128xf32, #tpu.memory_space<vmem>>, vector<16xf32>,
      %mul3A_145 = arith.constant 16 : i32
      %mul3A_146 = arith.muli %scan3A_18, %mul3A_145 : i32
      %swap3A_147 = arith.constant 1 : i32
      %swap3A_148 = arith.index_cast %swap3A_147 : i32 to index
      %swap3A_149 = arith.index_cast %mul3A_146 : i32 to index
      %swap3A_150 = tpu.vector_load %arg12[%swap3A_148, %swap3A_149] {strides = array<i32>} : memref<72x128xf32, #tpu.memory_space<vmem>>, vector<16xf32>,
      tpu.vector_store %arg12[%swap3A_148, %swap3A_149], %sub3A {strides = array<i32>} : memref<72x128xf32, #tpu.memory_space<vmem>>, vector<16xf32>,
      %mul3A_151 = arith.constant 16 : i32
      %mul3A_152 = arith.muli %scan3A_18, %mul3A_151 : i32
      %swap3A_153 = arith.constant 2 : i32
      %swap3A_154 = arith.index_cast %swap3A_153 : i32 to index
      %swap3A_155 = arith.index_cast %mul3A_152 : i32 to index
      %swap3A_156 = tpu.vector_load %arg12[%swap3A_154, %swap3A_155] {strides = array<i32>} : memref<72x128xf32, #tpu.memory_space<vmem>>, vector<16xf32>,
      tpu.vector_store %arg12[%swap3A_154, %swap3A_155], %add3A_127 {strides = array<i32>} : memref<72x128xf32, #tpu.memory_space<vmem>>, vector<16xf32>,
      %mul3A_157 = arith.constant 16 : i32
      %mul3A_158 = arith.muli %scan3A_18, %mul3A_157 : i32
      %swap3A_159 = arith.constant 3 : i32
      %swap3A_160 = arith.index_cast %swap3A_159 : i32 to index
      %swap3A_161 = arith.index_cast %mul3A_158 : i32 to index
      %swap3A_162 = tpu.vector_load %arg12[%swap3A_160, %swap3A_161] {strides = array<i32>} : memref<72x128xf32, #tpu.memory_space<vmem>>, vector<16xf32>,
      tpu.vector_store %arg12[%swap3A_160, %swap3A_161], %add3A_129 {strides = array<i32>} : memref<72x128xf32, #tpu.memory_space<vmem>>, vector<16xf32>,
      %mul3A_163 = arith.constant 16 : i32
      %mul3A_164 = arith.muli %scan3A_18, %mul3A_163 : i32
      %swap3A_165 = arith.constant 4 : i32
      %swap3A_166 = arith.index_cast %swap3A_165 : i32 to index
      %swap3A_167 = arith.index_cast %mul3A_164 : i32 to index
      %swap3A_168 = tpu.vector_load %arg12[%swap3A_166, %swap3A_167] {strides = array<i32>} : memref<72x128xf32, #tpu.memory_space<vmem>>, vector<16xf32>,
      tpu.vector_store %arg12[%swap3A_166, %swap3A_167], %add3A_131 {strides = array<i32>} : memref<72x128xf32, #tpu.memory_space<vmem>>, vector<16xf32>,
      %mul3A_169 = arith.constant 16 : i32
      %mul3A_170 = arith.muli %scan3A_18, %mul3A_169 : i32
      %swap3A_171 = arith.constant 5 : i32
      %swap3A_172 = arith.index_cast %swap3A_171 : i32 to index
      %swap3A_173 = arith.index_cast %mul3A_170 : i32 to index
      %swap3A_174 = tpu.vector_load %arg12[%swap3A_172, %swap3A_173] {strides = array<i32>} : memref<72x128xf32, #tpu.memory_space<vmem>>, vector<16xf32>,
      tpu.vector_store %arg12[%swap3A_172, %swap3A_173], %sub3A_133 {strides = array<i32>} : memref<72x128xf32, #tpu.memory_space<vmem>>, vector<16xf32>,
      %mul3A_175 = arith.constant 16 : i32
      %mul3A_176 = arith.muli %scan3A_18, %mul3A_175 : i32
      %swap3A_177 = arith.constant 6 : i32
      %swap3A_178 = arith.index_cast %swap3A_177 : i32 to index
      %swap3A_179 = arith.index_cast %mul3A_176 : i32 to index
      %swap3A_180 = tpu.vector_load %arg12[%swap3A_178, %swap3A_179] {strides = array<i32>} : memref<72x128xf32, #tpu.memory_space<vmem>>, vector<16xf32>,
      tpu.vector_store %arg12[%swap3A_178, %swap3A_179], %sub3A_135 {strides = array<i32>} : memref<72x128xf32, #tpu.memory_space<vmem>>, vector<16xf32>,
      %mul3A_181 = arith.constant 16 : i32
      %mul3A_182 = arith.muli %scan3A_18, %mul3A_181 : i32
      %swap3A_183 = arith.constant 7 : i32
      %swap3A_184 = arith.index_cast %swap3A_183 : i32 to index
      %swap3A_185 = arith.index_cast %mul3A_182 : i32 to index
      %swap3A_186 = tpu.vector_load %arg12[%swap3A_184, %swap3A_185] {strides = array<i32>} : memref<72x128xf32, #tpu.memory_space<vmem>>, vector<16xf32>,
      tpu.vector_store %arg12[%swap3A_184, %swap3A_185], %add3A_137 {strides = array<i32>} : memref<72x128xf32, #tpu.memory_space<vmem>>, vector<16xf32>,
      %mul3A_187 = arith.constant 16 : i32
      %mul3A_188 = arith.muli %scan3A_18, %mul3A_187 : i32
      %swap3A_189 = arith.constant 8 : i32
      %swap3A_190 = arith.index_cast %swap3A_189 : i32 to index
      %swap3A_191 = arith.index_cast %mul3A_188 : i32 to index
      %swap3A_192 = tpu.vector_load %arg12[%swap3A_190, %swap3A_191] {strides = array<i32>} : memref<72x128xf32, #tpu.memory_space<vmem>>, vector<16xf32>,
      tpu.vector_store %arg12[%swap3A_190, %swap3A_191], %add3A_139 {strides = array<i32>} : memref<72x128xf32, #tpu.memory_space<vmem>>, vector<16xf32>,
      %broadcast_in_dim3A_193 = arith.constant 3 : i32
      %broadcast_in_dim3A_194 = vector.broadcast %broadcast_in_dim3A_193 : i32 to vector<16xi32>
      %gather3A_195 = tpu.vector_load_idx %arg10[%add3A_22, %broadcast_in_dim3A_194] : memref<128x64xf32, #tpu.memory_space<vmem>>[vector<16xi32>, vector<16xi32>], vector<16xf32>,
      %broadcast_in_dim3A_196 = arith.constant 4 : i32
      %broadcast_in_dim3A_197 = vector.broadcast %broadcast_in_dim3A_196 : i32 to vector<16xi32>
      %gather3A_198 = tpu.vector_load_idx %arg10[%add3A_22, %broadcast_in_dim3A_197] : memref<128x64xf32, #tpu.memory_space<vmem>>[vector<16xi32>, vector<16xi32>], vector<16xf32>,
      %broadcast_in_dim3A_199 = arith.constant 5 : i32
      %broadcast_in_dim3A_200 = vector.broadcast %broadcast_in_dim3A_199 : i32 to vector<16xi32>
      %gather3A_201 = tpu.vector_load_idx %arg10[%add3A_22, %broadcast_in_dim3A_200] : memref<128x64xf32, #tpu.memory_space<vmem>>[vector<16xi32>, vector<16xi32>], vector<16xf32>,
      %mul3A_202 = arith.mulf %gather3A_195, %gather3A_195 : vector<16xf32>
      %mul3A_203 = arith.mulf %gather3A_198, %gather3A_198 : vector<16xf32>
      %add3A_204 = arith.addf %mul3A_202, %mul3A_203 : vector<16xf32>
      %mul3A_205 = arith.mulf %gather3A_201, %gather3A_201 : vector<16xf32>
      %add3A_206 = arith.addf %add3A_204, %mul3A_205 : vector<16xf32>
      %broadcast_in_dim3A_207 = arith.constant -1.14707454E-11 : f32
      %broadcast_in_dim3A_208 = vector.broadcast %broadcast_in_dim3A_207 : f32 to vector<16xf32>
      %mul3A_209 = arith.mulf %broadcast_in_dim3A_208, %add3A_206 : vector<16xf32>
      %add3A_210 = arith.constant 2.08767559E-9 : f32
      %add3A_211 = vector.broadcast %add3A_210 : f32 to vector<16xf32>
      %add3A_212 = arith.addf %mul3A_209, %add3A_211 : vector<16xf32>
      %mul3A_213 = arith.mulf %add3A_212, %add3A_206 : vector<16xf32>
      %add3A_214 = arith.constant -2.755732E-7 : f32
      %add3A_215 = vector.broadcast %add3A_214 : f32 to vector<16xf32>
      %add3A_216 = arith.addf %mul3A_213, %add3A_215 : vector<16xf32>
      %mul3A_217 = arith.mulf %add3A_216, %add3A_206 : vector<16xf32>
      %add3A_218 = arith.constant 2.48015876E-5 : f32
      %add3A_219 = vector.broadcast %add3A_218 : f32 to vector<16xf32>
      %add3A_220 = arith.addf %mul3A_217, %add3A_219 : vector<16xf32>
      %mul3A_221 = arith.mulf %add3A_220, %add3A_206 : vector<16xf32>
      %add3A_222 = arith.constant -0.00138888892 : f32
      %add3A_223 = vector.broadcast %add3A_222 : f32 to vector<16xf32>
      %add3A_224 = arith.addf %mul3A_221, %add3A_223 : vector<16xf32>
      %mul3A_225 = arith.mulf %add3A_224, %add3A_206 : vector<16xf32>
      %add3A_226 = arith.constant 0.0416666679 : f32
      %add3A_227 = vector.broadcast %add3A_226 : f32 to vector<16xf32>
      %add3A_228 = arith.addf %mul3A_225, %add3A_227 : vector<16xf32>
      %mul3A_229 = arith.mulf %add3A_228, %add3A_206 : vector<16xf32>
      %add3A_230 = arith.constant -5.000000e-01 : f32
      %add3A_231 = vector.broadcast %add3A_230 : f32 to vector<16xf32>
      %add3A_232 = arith.addf %mul3A_229, %add3A_231 : vector<16xf32>
      %mul3A_233 = arith.mulf %add3A_232, %add3A_206 : vector<16xf32>
      %add3A_234 = arith.constant 1.000000e+00 : f32
      %add3A_235 = vector.broadcast %add3A_234 : f32 to vector<16xf32>
      %add3A_236 = arith.addf %mul3A_233, %add3A_235 : vector<16xf32>
      %broadcast_in_dim3A_237 = arith.constant 1.60590444E-10 : f32
      %broadcast_in_dim3A_238 = vector.broadcast %broadcast_in_dim3A_237 : f32 to vector<16xf32>
      %mul3A_239 = arith.mulf %broadcast_in_dim3A_238, %add3A_206 : vector<16xf32>
      %add3A_240 = arith.constant -2.50521079E-8 : f32
      %add3A_241 = vector.broadcast %add3A_240 : f32 to vector<16xf32>
      %add3A_242 = arith.addf %mul3A_239, %add3A_241 : vector<16xf32>
      %mul3A_243 = arith.mulf %add3A_242, %add3A_206 : vector<16xf32>
      %add3A_244 = arith.constant 2.75573188E-6 : f32
      %add3A_245 = vector.broadcast %add3A_244 : f32 to vector<16xf32>
      %add3A_246 = arith.addf %mul3A_243, %add3A_245 : vector<16xf32>
      %mul3A_247 = arith.mulf %add3A_246, %add3A_206 : vector<16xf32>
      %add3A_248 = arith.constant -1.98412701E-4 : f32
      %add3A_249 = vector.broadcast %add3A_248 : f32 to vector<16xf32>
      %add3A_250 = arith.addf %mul3A_247, %add3A_249 : vector<16xf32>
      %mul3A_251 = arith.mulf %add3A_250, %add3A_206 : vector<16xf32>
      %add3A_252 = arith.constant 0.00833333377 : f32
      %add3A_253 = vector.broadcast %add3A_252 : f32 to vector<16xf32>
      %add3A_254 = arith.addf %mul3A_251, %add3A_253 : vector<16xf32>
      %mul3A_255 = arith.mulf %add3A_254, %add3A_206 : vector<16xf32>
      %add3A_256 = arith.constant -0.166666672 : f32
      %add3A_257 = vector.broadcast %add3A_256 : f32 to vector<16xf32>
      %add3A_258 = arith.addf %mul3A_255, %add3A_257 : vector<16xf32>
      %mul3A_259 = arith.mulf %add3A_258, %add3A_206 : vector<16xf32>
      %add3A_260 = arith.constant 1.000000e+00 : f32
      %add3A_261 = vector.broadcast %add3A_260 : f32 to vector<16xf32>
      %add3A_262 = arith.addf %mul3A_259, %add3A_261 : vector<16xf32>
      %broadcast_in_dim3A_263 = arith.constant 1.14707454E-11 : f32
      %broadcast_in_dim3A_264 = vector.broadcast %broadcast_in_dim3A_263 : f32 to vector<16xf32>
      %mul3A_265 = arith.mulf %broadcast_in_dim3A_264, %add3A_206 : vector<16xf32>
      %add3A_266 = arith.constant -2.08767559E-9 : f32
      %add3A_267 = vector.broadcast %add3A_266 : f32 to vector<16xf32>
      %add3A_268 = arith.addf %mul3A_265, %add3A_267 : vector<16xf32>
      %mul3A_269 = arith.mulf %add3A_268, %add3A_206 : vector<16xf32>
      %add3A_270 = arith.constant 2.755732E-7 : f32
      %add3A_271 = vector.broadcast %add3A_270 : f32 to vector<16xf32>
      %add3A_272 = arith.addf %mul3A_269, %add3A_271 : vector<16xf32>
      %mul3A_273 = arith.mulf %add3A_272, %add3A_206 : vector<16xf32>
      %add3A_274 = arith.constant -2.48015876E-5 : f32
      %add3A_275 = vector.broadcast %add3A_274 : f32 to vector<16xf32>
      %add3A_276 = arith.addf %mul3A_273, %add3A_275 : vector<16xf32>
      %mul3A_277 = arith.mulf %add3A_276, %add3A_206 : vector<16xf32>
      %add3A_278 = arith.constant 0.00138888892 : f32
      %add3A_279 = vector.broadcast %add3A_278 : f32 to vector<16xf32>
      %add3A_280 = arith.addf %mul3A_277, %add3A_279 : vector<16xf32>
      %mul3A_281 = arith.mulf %add3A_280, %add3A_206 : vector<16xf32>
      %add3A_282 = arith.constant -0.0416666679 : f32
      %add3A_283 = vector.broadcast %add3A_282 : f32 to vector<16xf32>
      %add3A_284 = arith.addf %mul3A_281, %add3A_283 : vector<16xf32>
      %mul3A_285 = arith.mulf %add3A_284, %add3A_206 : vector<16xf32>
      %add3A_286 = arith.constant 5.000000e-01 : f32
      %add3A_287 = vector.broadcast %add3A_286 : f32 to vector<16xf32>
      %add3A_288 = arith.addf %mul3A_285, %add3A_287 : vector<16xf32>
      %mul3A_289 = arith.mulf %add3A_262, %gather3A_195 : vector<16xf32>
      %mul3A_290 = arith.mulf %add3A_262, %gather3A_198 : vector<16xf32>
      %mul3A_291 = arith.mulf %add3A_262, %gather3A_201 : vector<16xf32>
      %mul3A_292 = arith.mulf %add3A_288, %gather3A_195 : vector<16xf32>
      %mul3A_293 = arith.mulf %add3A_288, %gather3A_198 : vector<16xf32>
      %mul3A_294 = arith.mulf %add3A_288, %gather3A_201 : vector<16xf32>
      %mul3A_295 = arith.mulf %mul3A_292, %gather3A_195 : vector<16xf32>
      %add3A_296 = arith.addf %add3A_236, %mul3A_295 : vector<16xf32>
      %mul3A_297 = arith.mulf %mul3A_292, %gather3A_198 : vector<16xf32>
      %sub3A_298 = arith.subf %mul3A_297, %mul3A_291 : vector<16xf32>
      %mul3A_299 = arith.mulf %mul3A_292, %gather3A_201 : vector<16xf32>
      %add3A_300 = arith.addf %mul3A_299, %mul3A_290 : vector<16xf32>
      %mul3A_301 = arith.mulf %mul3A_292, %gather3A_198 : vector<16xf32>
      %add3A_302 = arith.addf %mul3A_301, %mul3A_291 : vector<16xf32>
      %mul3A_303 = arith.mulf %mul3A_293, %gather3A_198 : vector<16xf32>
      %add3A_304 = arith.addf %add3A_236, %mul3A_303 : vector<16xf32>
      %mul3A_305 = arith.mulf %mul3A_293, %gather3A_201 : vector<16xf32>
      %sub3A_306 = arith.subf %mul3A_305, %mul3A_289 : vector<16xf32>
      %mul3A_307 = arith.mulf %mul3A_292, %gather3A_201 : vector<16xf32>
      %sub3A_308 = arith.subf %mul3A_307, %mul3A_290 : vector<16xf32>
      %mul3A_309 = arith.mulf %mul3A_293, %gather3A_201 : vector<16xf32>
      %add3A_310 = arith.addf %mul3A_309, %mul3A_289 : vector<16xf32>
      %mul3A_311 = arith.mulf %mul3A_294, %gather3A_201 : vector<16xf32>
      %add3A_312 = arith.addf %add3A_236, %mul3A_311 : vector<16xf32>
      %mul3A_313 = arith.constant 16 : i32
      %mul3A_314 = arith.muli %scan3A_18, %mul3A_313 : i32
      %swap3A_315 = arith.constant 9 : i32
      %swap3A_316 = arith.index_cast %swap3A_315 : i32 to index
      %swap3A_317 = arith.index_cast %mul3A_314 : i32 to index
      %swap3A_318 = tpu.vector_load %arg12[%swap3A_316, %swap3A_317] {strides = array<i32>} : memref<72x128xf32, #tpu.memory_space<vmem>>, vector<16xf32>,
      tpu.vector_store %arg12[%swap3A_316, %swap3A_317], %add3A_296 {strides = array<i32>} : memref<72x128xf32, #tpu.memory_space<vmem>>, vector<16xf32>,
      %mul3A_319 = arith.constant 16 : i32
      %mul3A_320 = arith.muli %scan3A_18, %mul3A_319 : i32
      %swap3A_321 = arith.constant 10 : i32
      %swap3A_322 = arith.index_cast %swap3A_321 : i32 to index
      %swap3A_323 = arith.index_cast %mul3A_320 : i32 to index
      %swap3A_324 = tpu.vector_load %arg12[%swap3A_322, %swap3A_323] {strides = array<i32>} : memref<72x128xf32, #tpu.memory_space<vmem>>, vector<16xf32>,
      tpu.vector_store %arg12[%swap3A_322, %swap3A_323], %sub3A_298 {strides = array<i32>} : memref<72x128xf32, #tpu.memory_space<vmem>>, vector<16xf32>,
      %mul3A_325 = arith.constant 16 : i32
      %mul3A_326 = arith.muli %scan3A_18, %mul3A_325 : i32
      %swap3A_327 = arith.constant 11 : i32
      %swap3A_328 = arith.index_cast %swap3A_327 : i32 to index
      %swap3A_329 = arith.index_cast %mul3A_326 : i32 to index
      %swap3A_330 = tpu.vector_load %arg12[%swap3A_328, %swap3A_329] {strides = array<i32>} : memref<72x128xf32, #tpu.memory_space<vmem>>, vector<16xf32>,
      tpu.vector_store %arg12[%swap3A_328, %swap3A_329], %add3A_300 {strides = array<i32>} : memref<72x128xf32, #tpu.memory_space<vmem>>, vector<16xf32>,
      %mul3A_331 = arith.constant 16 : i32
      %mul3A_332 = arith.muli %scan3A_18, %mul3A_331 : i32
      %swap3A_333 = arith.constant 12 : i32
      %swap3A_334 = arith.index_cast %swap3A_333 : i32 to index
      %swap3A_335 = arith.index_cast %mul3A_332 : i32 to index
      %swap3A_336 = tpu.vector_load %arg12[%swap3A_334, %swap3A_335] {strides = array<i32>} : memref<72x128xf32, #tpu.memory_space<vmem>>, vector<16xf32>,
      tpu.vector_store %arg12[%swap3A_334, %swap3A_335], %add3A_302 {strides = array<i32>} : memref<72x128xf32, #tpu.memory_space<vmem>>, vector<16xf32>,
      %mul3A_337 = arith.constant 16 : i32
      %mul3A_338 = arith.muli %scan3A_18, %mul3A_337 : i32
      %swap3A_339 = arith.constant 13 : i32
      %swap3A_340 = arith.index_cast %swap3A_339 : i32 to index
      %swap3A_341 = arith.index_cast %mul3A_338 : i32 to index
      %swap3A_342 = tpu.vector_load %arg12[%swap3A_340, %swap3A_341] {strides = array<i32>} : memref<72x128xf32, #tpu.memory_space<vmem>>, vector<16xf32>,
      tpu.vector_store %arg12[%swap3A_340, %swap3A_341], %add3A_304 {strides = array<i32>} : memref<72x128xf32, #tpu.memory_space<vmem>>, vector<16xf32>,
      %mul3A_343 = arith.constant 16 : i32
      %mul3A_344 = arith.muli %scan3A_18, %mul3A_343 : i32
      %swap3A_345 = arith.constant 14 : i32
      %swap3A_346 = arith.index_cast %swap3A_345 : i32 to index
      %swap3A_347 = arith.index_cast %mul3A_344 : i32 to index
      %swap3A_348 = tpu.vector_load %arg12[%swap3A_346, %swap3A_347] {strides = array<i32>} : memref<72x128xf32, #tpu.memory_space<vmem>>, vector<16xf32>,
      tpu.vector_store %arg12[%swap3A_346, %swap3A_347], %sub3A_306 {strides = array<i32>} : memref<72x128xf32, #tpu.memory_space<vmem>>, vector<16xf32>,
      %mul3A_349 = arith.constant 16 : i32
      %mul3A_350 = arith.muli %scan3A_18, %mul3A_349 : i32
      %swap3A_351 = arith.constant 15 : i32
      %swap3A_352 = arith.index_cast %swap3A_351 : i32 to index
      %swap3A_353 = arith.index_cast %mul3A_350 : i32 to index
      %swap3A_354 = tpu.vector_load %arg12[%swap3A_352, %swap3A_353] {strides = array<i32>} : memref<72x128xf32, #tpu.memory_space<vmem>>, vector<16xf32>,
      tpu.vector_store %arg12[%swap3A_352, %swap3A_353], %sub3A_308 {strides = array<i32>} : memref<72x128xf32, #tpu.memory_space<vmem>>, vector<16xf32>,
      %mul3A_355 = arith.constant 16 : i32
      %mul3A_356 = arith.muli %scan3A_18, %mul3A_355 : i32
      %swap3A_357 = arith.constant 16 : i32
      %swap3A_358 = arith.index_cast %swap3A_357 : i32 to index
      %swap3A_359 = arith.index_cast %mul3A_356 : i32 to index
      %swap3A_360 = tpu.vector_load %arg12[%swap3A_358, %swap3A_359] {strides = array<i32>} : memref<72x128xf32, #tpu.memory_space<vmem>>, vector<16xf32>,
      tpu.vector_store %arg12[%swap3A_358, %swap3A_359], %add3A_310 {strides = array<i32>} : memref<72x128xf32, #tpu.memory_space<vmem>>, vector<16xf32>,
      %mul3A_361 = arith.constant 16 : i32
      %mul3A_362 = arith.muli %scan3A_18, %mul3A_361 : i32
      %swap3A_363 = arith.constant 17 : i32
      %swap3A_364 = arith.index_cast %swap3A_363 : i32 to index
      %swap3A_365 = arith.index_cast %mul3A_362 : i32 to index
      %swap3A_366 = tpu.vector_load %arg12[%swap3A_364, %swap3A_365] {strides = array<i32>} : memref<72x128xf32, #tpu.memory_space<vmem>>, vector<16xf32>,
      tpu.vector_store %arg12[%swap3A_364, %swap3A_365], %add3A_312 {strides = array<i32>} : memref<72x128xf32, #tpu.memory_space<vmem>>, vector<16xf32>,
      %broadcast_in_dim3A_367 = arith.constant 6 : i32
      %broadcast_in_dim3A_368 = vector.broadcast %broadcast_in_dim3A_367 : i32 to vector<16xi32>
      %gather3A_369 = tpu.vector_load_idx %arg10[%add3A_22, %broadcast_in_dim3A_368] : memref<128x64xf32, #tpu.memory_space<vmem>>[vector<16xi32>, vector<16xi32>], vector<16xf32>,
      %broadcast_in_dim3A_370 = arith.constant 7 : i32
      %broadcast_in_dim3A_371 = vector.broadcast %broadcast_in_dim3A_370 : i32 to vector<16xi32>
      %gather3A_372 = tpu.vector_load_idx %arg10[%add3A_22, %broadcast_in_dim3A_371] : memref<128x64xf32, #tpu.memory_space<vmem>>[vector<16xi32>, vector<16xi32>], vector<16xf32>,
      %broadcast_in_dim3A_373 = arith.constant 8 : i32
      %broadcast_in_dim3A_374 = vector.broadcast %broadcast_in_dim3A_373 : i32 to vector<16xi32>
      %gather3A_375 = tpu.vector_load_idx %arg10[%add3A_22, %broadcast_in_dim3A_374] : memref<128x64xf32, #tpu.memory_space<vmem>>[vector<16xi32>, vector<16xi32>], vector<16xf32>,
      %mul3A_376 = arith.mulf %gather3A_369, %gather3A_369 : vector<16xf32>
      %mul3A_377 = arith.mulf %gather3A_372, %gather3A_372 : vector<16xf32>
      %add3A_378 = arith.addf %mul3A_376, %mul3A_377 : vector<16xf32>
      %mul3A_379 = arith.mulf %gather3A_375, %gather3A_375 : vector<16xf32>
      %add3A_380 = arith.addf %add3A_378, %mul3A_379 : vector<16xf32>
      %broadcast_in_dim3A_381 = arith.constant -1.14707454E-11 : f32
      %broadcast_in_dim3A_382 = vector.broadcast %broadcast_in_dim3A_381 : f32 to vector<16xf32>
      %mul3A_383 = arith.mulf %broadcast_in_dim3A_382, %add3A_380 : vector<16xf32>
      %add3A_384 = arith.constant 2.08767559E-9 : f32
      %add3A_385 = vector.broadcast %add3A_384 : f32 to vector<16xf32>
      %add3A_386 = arith.addf %mul3A_383, %add3A_385 : vector<16xf32>
      %mul3A_387 = arith.mulf %add3A_386, %add3A_380 : vector<16xf32>
      %add3A_388 = arith.constant -2.755732E-7 : f32
      %add3A_389 = vector.broadcast %add3A_388 : f32 to vector<16xf32>
      %add3A_390 = arith.addf %mul3A_387, %add3A_389 : vector<16xf32>
      %mul3A_391 = arith.mulf %add3A_390, %add3A_380 : vector<16xf32>
      %add3A_392 = arith.constant 2.48015876E-5 : f32
      %add3A_393 = vector.broadcast %add3A_392 : f32 to vector<16xf32>
      %add3A_394 = arith.addf %mul3A_391, %add3A_393 : vector<16xf32>
      %mul3A_395 = arith.mulf %add3A_394, %add3A_380 : vector<16xf32>
      %add3A_396 = arith.constant -0.00138888892 : f32
      %add3A_397 = vector.broadcast %add3A_396 : f32 to vector<16xf32>
      %add3A_398 = arith.addf %mul3A_395, %add3A_397 : vector<16xf32>
      %mul3A_399 = arith.mulf %add3A_398, %add3A_380 : vector<16xf32>
      %add3A_400 = arith.constant 0.0416666679 : f32
      %add3A_401 = vector.broadcast %add3A_400 : f32 to vector<16xf32>
      %add3A_402 = arith.addf %mul3A_399, %add3A_401 : vector<16xf32>
      %mul3A_403 = arith.mulf %add3A_402, %add3A_380 : vector<16xf32>
      %add3A_404 = arith.constant -5.000000e-01 : f32
      %add3A_405 = vector.broadcast %add3A_404 : f32 to vector<16xf32>
      %add3A_406 = arith.addf %mul3A_403, %add3A_405 : vector<16xf32>
      %mul3A_407 = arith.mulf %add3A_406, %add3A_380 : vector<16xf32>
      %add3A_408 = arith.constant 1.000000e+00 : f32
      %add3A_409 = vector.broadcast %add3A_408 : f32 to vector<16xf32>
      %add3A_410 = arith.addf %mul3A_407, %add3A_409 : vector<16xf32>
      %broadcast_in_dim3A_411 = arith.constant 1.60590444E-10 : f32
      %broadcast_in_dim3A_412 = vector.broadcast %broadcast_in_dim3A_411 : f32 to vector<16xf32>
      %mul3A_413 = arith.mulf %broadcast_in_dim3A_412, %add3A_380 : vector<16xf32>
      %add3A_414 = arith.constant -2.50521079E-8 : f32
      %add3A_415 = vector.broadcast %add3A_414 : f32 to vector<16xf32>
      %add3A_416 = arith.addf %mul3A_413, %add3A_415 : vector<16xf32>
      %mul3A_417 = arith.mulf %add3A_416, %add3A_380 : vector<16xf32>
      %add3A_418 = arith.constant 2.75573188E-6 : f32
      %add3A_419 = vector.broadcast %add3A_418 : f32 to vector<16xf32>
      %add3A_420 = arith.addf %mul3A_417, %add3A_419 : vector<16xf32>
      %mul3A_421 = arith.mulf %add3A_420, %add3A_380 : vector<16xf32>
      %add3A_422 = arith.constant -1.98412701E-4 : f32
      %add3A_423 = vector.broadcast %add3A_422 : f32 to vector<16xf32>
      %add3A_424 = arith.addf %mul3A_421, %add3A_423 : vector<16xf32>
      %mul3A_425 = arith.mulf %add3A_424, %add3A_380 : vector<16xf32>
      %add3A_426 = arith.constant 0.00833333377 : f32
      %add3A_427 = vector.broadcast %add3A_426 : f32 to vector<16xf32>
      %add3A_428 = arith.addf %mul3A_425, %add3A_427 : vector<16xf32>
      %mul3A_429 = arith.mulf %add3A_428, %add3A_380 : vector<16xf32>
      %add3A_430 = arith.constant -0.166666672 : f32
      %add3A_431 = vector.broadcast %add3A_430 : f32 to vector<16xf32>
      %add3A_432 = arith.addf %mul3A_429, %add3A_431 : vector<16xf32>
      %mul3A_433 = arith.mulf %add3A_432, %add3A_380 : vector<16xf32>
      %add3A_434 = arith.constant 1.000000e+00 : f32
      %add3A_435 = vector.broadcast %add3A_434 : f32 to vector<16xf32>
      %add3A_436 = arith.addf %mul3A_433, %add3A_435 : vector<16xf32>
      %broadcast_in_dim3A_437 = arith.constant 1.14707454E-11 : f32
      %broadcast_in_dim3A_438 = vector.broadcast %broadcast_in_dim3A_437 : f32 to vector<16xf32>
      %mul3A_439 = arith.mulf %broadcast_in_dim3A_438, %add3A_380 : vector<16xf32>
      %add3A_440 = arith.constant -2.08767559E-9 : f32
      %add3A_441 = vector.broadcast %add3A_440 : f32 to vector<16xf32>
      %add3A_442 = arith.addf %mul3A_439, %add3A_441 : vector<16xf32>
      %mul3A_443 = arith.mulf %add3A_442, %add3A_380 : vector<16xf32>
      %add3A_444 = arith.constant 2.755732E-7 : f32
      %add3A_445 = vector.broadcast %add3A_444 : f32 to vector<16xf32>
      %add3A_446 = arith.addf %mul3A_443, %add3A_445 : vector<16xf32>
      %mul3A_447 = arith.mulf %add3A_446, %add3A_380 : vector<16xf32>
      %add3A_448 = arith.constant -2.48015876E-5 : f32
      %add3A_449 = vector.broadcast %add3A_448 : f32 to vector<16xf32>
      %add3A_450 = arith.addf %mul3A_447, %add3A_449 : vector<16xf32>
      %mul3A_451 = arith.mulf %add3A_450, %add3A_380 : vector<16xf32>
      %add3A_452 = arith.constant 0.00138888892 : f32
      %add3A_453 = vector.broadcast %add3A_452 : f32 to vector<16xf32>
      %add3A_454 = arith.addf %mul3A_451, %add3A_453 : vector<16xf32>
      %mul3A_455 = arith.mulf %add3A_454, %add3A_380 : vector<16xf32>
      %add3A_456 = arith.constant -0.0416666679 : f32
      %add3A_457 = vector.broadcast %add3A_456 : f32 to vector<16xf32>
      %add3A_458 = arith.addf %mul3A_455, %add3A_457 : vector<16xf32>
      %mul3A_459 = arith.mulf %add3A_458, %add3A_380 : vector<16xf32>
      %add3A_460 = arith.constant 5.000000e-01 : f32
      %add3A_461 = vector.broadcast %add3A_460 : f32 to vector<16xf32>
      %add3A_462 = arith.addf %mul3A_459, %add3A_461 : vector<16xf32>
      %mul3A_463 = arith.mulf %add3A_436, %gather3A_369 : vector<16xf32>
      %mul3A_464 = arith.mulf %add3A_436, %gather3A_372 : vector<16xf32>
      %mul3A_465 = arith.mulf %add3A_436, %gather3A_375 : vector<16xf32>
      %mul3A_466 = arith.mulf %add3A_462, %gather3A_369 : vector<16xf32>
      %mul3A_467 = arith.mulf %add3A_462, %gather3A_372 : vector<16xf32>
      %mul3A_468 = arith.mulf %add3A_462, %gather3A_375 : vector<16xf32>
      %mul3A_469 = arith.mulf %mul3A_466, %gather3A_369 : vector<16xf32>
      %add3A_470 = arith.addf %add3A_410, %mul3A_469 : vector<16xf32>
      %mul3A_471 = arith.mulf %mul3A_466, %gather3A_372 : vector<16xf32>
      %sub3A_472 = arith.subf %mul3A_471, %mul3A_465 : vector<16xf32>
      %mul3A_473 = arith.mulf %mul3A_466, %gather3A_375 : vector<16xf32>
      %add3A_474 = arith.addf %mul3A_473, %mul3A_464 : vector<16xf32>
      %mul3A_475 = arith.mulf %mul3A_466, %gather3A_372 : vector<16xf32>
      %add3A_476 = arith.addf %mul3A_475, %mul3A_465 : vector<16xf32>
      %mul3A_477 = arith.mulf %mul3A_467, %gather3A_372 : vector<16xf32>
      %add3A_478 = arith.addf %add3A_410, %mul3A_477 : vector<16xf32>
      %mul3A_479 = arith.mulf %mul3A_467, %gather3A_375 : vector<16xf32>
      %sub3A_480 = arith.subf %mul3A_479, %mul3A_463 : vector<16xf32>
      %mul3A_481 = arith.mulf %mul3A_466, %gather3A_375 : vector<16xf32>
      %sub3A_482 = arith.subf %mul3A_481, %mul3A_464 : vector<16xf32>
      %mul3A_483 = arith.mulf %mul3A_467, %gather3A_375 : vector<16xf32>
      %add3A_484 = arith.addf %mul3A_483, %mul3A_463 : vector<16xf32>
      %mul3A_485 = arith.mulf %mul3A_468, %gather3A_375 : vector<16xf32>
      %add3A_486 = arith.addf %add3A_410, %mul3A_485 : vector<16xf32>
      %mul3A_487 = arith.constant 16 : i32
      %mul3A_488 = arith.muli %scan3A_18, %mul3A_487 : i32
      %swap3A_489 = arith.constant 18 : i32
      %swap3A_490 = arith.index_cast %swap3A_489 : i32 to index
      %swap3A_491 = arith.index_cast %mul3A_488 : i32 to index
      %swap3A_492 = tpu.vector_load %arg12[%swap3A_490, %swap3A_491] {strides = array<i32>} : memref<72x128xf32, #tpu.memory_space<vmem>>, vector<16xf32>,
      tpu.vector_store %arg12[%swap3A_490, %swap3A_491], %add3A_470 {strides = array<i32>} : memref<72x128xf32, #tpu.memory_space<vmem>>, vector<16xf32>,
      %mul3A_493 = arith.constant 16 : i32
      %mul3A_494 = arith.muli %scan3A_18, %mul3A_493 : i32
      %swap3A_495 = arith.constant 19 : i32
      %swap3A_496 = arith.index_cast %swap3A_495 : i32 to index
      %swap3A_497 = arith.index_cast %mul3A_494 : i32 to index
      %swap3A_498 = tpu.vector_load %arg12[%swap3A_496, %swap3A_497] {strides = array<i32>} : memref<72x128xf32, #tpu.memory_space<vmem>>, vector<16xf32>,
      tpu.vector_store %arg12[%swap3A_496, %swap3A_497], %sub3A_472 {strides = array<i32>} : memref<72x128xf32, #tpu.memory_space<vmem>>, vector<16xf32>,
      %mul3A_499 = arith.constant 16 : i32
      %mul3A_500 = arith.muli %scan3A_18, %mul3A_499 : i32
      %swap3A_501 = arith.constant 20 : i32
      %swap3A_502 = arith.index_cast %swap3A_501 : i32 to index
      %swap3A_503 = arith.index_cast %mul3A_500 : i32 to index
      %swap3A_504 = tpu.vector_load %arg12[%swap3A_502, %swap3A_503] {strides = array<i32>} : memref<72x128xf32, #tpu.memory_space<vmem>>, vector<16xf32>,
      tpu.vector_store %arg12[%swap3A_502, %swap3A_503], %add3A_474 {strides = array<i32>} : memref<72x128xf32, #tpu.memory_space<vmem>>, vector<16xf32>,
      %mul3A_505 = arith.constant 16 : i32
      %mul3A_506 = arith.muli %scan3A_18, %mul3A_505 : i32
      %swap3A_507 = arith.constant 21 : i32
      %swap3A_508 = arith.index_cast %swap3A_507 : i32 to index
      %swap3A_509 = arith.index_cast %mul3A_506 : i32 to index
      %swap3A_510 = tpu.vector_load %arg12[%swap3A_508, %swap3A_509] {strides = array<i32>} : memref<72x128xf32, #tpu.memory_space<vmem>>, vector<16xf32>,
      tpu.vector_store %arg12[%swap3A_508, %swap3A_509], %add3A_476 {strides = array<i32>} : memref<72x128xf32, #tpu.memory_space<vmem>>, vector<16xf32>,
      %mul3A_511 = arith.constant 16 : i32
      %mul3A_512 = arith.muli %scan3A_18, %mul3A_511 : i32
      %swap3A_513 = arith.constant 22 : i32
      %swap3A_514 = arith.index_cast %swap3A_513 : i32 to index
      %swap3A_515 = arith.index_cast %mul3A_512 : i32 to index
      %swap3A_516 = tpu.vector_load %arg12[%swap3A_514, %swap3A_515] {strides = array<i32>} : memref<72x128xf32, #tpu.memory_space<vmem>>, vector<16xf32>,
      tpu.vector_store %arg12[%swap3A_514, %swap3A_515], %add3A_478 {strides = array<i32>} : memref<72x128xf32, #tpu.memory_space<vmem>>, vector<16xf32>,
      %mul3A_517 = arith.constant 16 : i32
      %mul3A_518 = arith.muli %scan3A_18, %mul3A_517 : i32
      %swap3A_519 = arith.constant 23 : i32
      %swap3A_520 = arith.index_cast %swap3A_519 : i32 to index
      %swap3A_521 = arith.index_cast %mul3A_518 : i32 to index
      %swap3A_522 = tpu.vector_load %arg12[%swap3A_520, %swap3A_521] {strides = array<i32>} : memref<72x128xf32, #tpu.memory_space<vmem>>, vector<16xf32>,
      tpu.vector_store %arg12[%swap3A_520, %swap3A_521], %sub3A_480 {strides = array<i32>} : memref<72x128xf32, #tpu.memory_space<vmem>>, vector<16xf32>,
      %mul3A_523 = arith.constant 16 : i32
      %mul3A_524 = arith.muli %scan3A_18, %mul3A_523 : i32
      %swap3A_525 = arith.constant 24 : i32
      %swap3A_526 = arith.index_cast %swap3A_525 : i32 to index
      %swap3A_527 = arith.index_cast %mul3A_524 : i32 to index
      %swap3A_528 = tpu.vector_load %arg12[%swap3A_526, %swap3A_527] {strides = array<i32>} : memref<72x128xf32, #tpu.memory_space<vmem>>, vector<16xf32>,
      tpu.vector_store %arg12[%swap3A_526, %swap3A_527], %sub3A_482 {strides = array<i32>} : memref<72x128xf32, #tpu.memory_space<vmem>>, vector<16xf32>,
      %mul3A_529 = arith.constant 16 : i32
      %mul3A_530 = arith.muli %scan3A_18, %mul3A_529 : i32
      %swap3A_531 = arith.constant 25 : i32
      %swap3A_532 = arith.index_cast %swap3A_531 : i32 to index
      %swap3A_533 = arith.index_cast %mul3A_530 : i32 to index
      %swap3A_534 = tpu.vector_load %arg12[%swap3A_532, %swap3A_533] {strides = array<i32>} : memref<72x128xf32, #tpu.memory_space<vmem>>, vector<16xf32>,
      tpu.vector_store %arg12[%swap3A_532, %swap3A_533], %add3A_484 {strides = array<i32>} : memref<72x128xf32, #tpu.memory_space<vmem>>, vector<16xf32>,
      %mul3A_535 = arith.constant 16 : i32
      %mul3A_536 = arith.muli %scan3A_18, %mul3A_535 : i32
      %swap3A_537 = arith.constant 26 : i32
      %swap3A_538 = arith.index_cast %swap3A_537 : i32 to index
      %swap3A_539 = arith.index_cast %mul3A_536 : i32 to index
      %swap3A_540 = tpu.vector_load %arg12[%swap3A_538, %swap3A_539] {strides = array<i32>} : memref<72x128xf32, #tpu.memory_space<vmem>>, vector<16xf32>,
      tpu.vector_store %arg12[%swap3A_538, %swap3A_539], %add3A_486 {strides = array<i32>} : memref<72x128xf32, #tpu.memory_space<vmem>>, vector<16xf32>,
      %broadcast_in_dim3A_541 = arith.constant 9 : i32
      %broadcast_in_dim3A_542 = vector.broadcast %broadcast_in_dim3A_541 : i32 to vector<16xi32>
      %gather3A_543 = tpu.vector_load_idx %arg10[%add3A_22, %broadcast_in_dim3A_542] : memref<128x64xf32, #tpu.memory_space<vmem>>[vector<16xi32>, vector<16xi32>], vector<16xf32>,
      %broadcast_in_dim3A_544 = arith.constant 10 : i32
      %broadcast_in_dim3A_545 = vector.broadcast %broadcast_in_dim3A_544 : i32 to vector<16xi32>
      %gather3A_546 = tpu.vector_load_idx %arg10[%add3A_22, %broadcast_in_dim3A_545] : memref<128x64xf32, #tpu.memory_space<vmem>>[vector<16xi32>, vector<16xi32>], vector<16xf32>,
      %broadcast_in_dim3A_547 = arith.constant 11 : i32
      %broadcast_in_dim3A_548 = vector.broadcast %broadcast_in_dim3A_547 : i32 to vector<16xi32>
      %gather3A_549 = tpu.vector_load_idx %arg10[%add3A_22, %broadcast_in_dim3A_548] : memref<128x64xf32, #tpu.memory_space<vmem>>[vector<16xi32>, vector<16xi32>], vector<16xf32>,
      %mul3A_550 = arith.mulf %gather3A_543, %gather3A_543 : vector<16xf32>
      %mul3A_551 = arith.mulf %gather3A_546, %gather3A_546 : vector<16xf32>
      %add3A_552 = arith.addf %mul3A_550, %mul3A_551 : vector<16xf32>
      %mul3A_553 = arith.mulf %gather3A_549, %gather3A_549 : vector<16xf32>
      %add3A_554 = arith.addf %add3A_552, %mul3A_553 : vector<16xf32>
      %broadcast_in_dim3A_555 = arith.constant -1.14707454E-11 : f32
      %broadcast_in_dim3A_556 = vector.broadcast %broadcast_in_dim3A_555 : f32 to vector<16xf32>
      %mul3A_557 = arith.mulf %broadcast_in_dim3A_556, %add3A_554 : vector<16xf32>
      %add3A_558 = arith.constant 2.08767559E-9 : f32
      %add3A_559 = vector.broadcast %add3A_558 : f32 to vector<16xf32>
      %add3A_560 = arith.addf %mul3A_557, %add3A_559 : vector<16xf32>
      %mul3A_561 = arith.mulf %add3A_560, %add3A_554 : vector<16xf32>
      %add3A_562 = arith.constant -2.755732E-7 : f32
      %add3A_563 = vector.broadcast %add3A_562 : f32 to vector<16xf32>
      %add3A_564 = arith.addf %mul3A_561, %add3A_563 : vector<16xf32>
      %mul3A_565 = arith.mulf %add3A_564, %add3A_554 : vector<16xf32>
      %add3A_566 = arith.constant 2.48015876E-5 : f32
      %add3A_567 = vector.broadcast %add3A_566 : f32 to vector<16xf32>
      %add3A_568 = arith.addf %mul3A_565, %add3A_567 : vector<16xf32>
      %mul3A_569 = arith.mulf %add3A_568, %add3A_554 : vector<16xf32>
      %add3A_570 = arith.constant -0.00138888892 : f32
      %add3A_571 = vector.broadcast %add3A_570 : f32 to vector<16xf32>
      %add3A_572 = arith.addf %mul3A_569, %add3A_571 : vector<16xf32>
      %mul3A_573 = arith.mulf %add3A_572, %add3A_554 : vector<16xf32>
      %add3A_574 = arith.constant 0.0416666679 : f32
      %add3A_575 = vector.broadcast %add3A_574 : f32 to vector<16xf32>
      %add3A_576 = arith.addf %mul3A_573, %add3A_575 : vector<16xf32>
      %mul3A_577 = arith.mulf %add3A_576, %add3A_554 : vector<16xf32>
      %add3A_578 = arith.constant -5.000000e-01 : f32
      %add3A_579 = vector.broadcast %add3A_578 : f32 to vector<16xf32>
      %add3A_580 = arith.addf %mul3A_577, %add3A_579 : vector<16xf32>
      %mul3A_581 = arith.mulf %add3A_580, %add3A_554 : vector<16xf32>
      %add3A_582 = arith.constant 1.000000e+00 : f32
      %add3A_583 = vector.broadcast %add3A_582 : f32 to vector<16xf32>
      %add3A_584 = arith.addf %mul3A_581, %add3A_583 : vector<16xf32>
      %broadcast_in_dim3A_585 = arith.constant 1.60590444E-10 : f32
      %broadcast_in_dim3A_586 = vector.broadcast %broadcast_in_dim3A_585 : f32 to vector<16xf32>
      %mul3A_587 = arith.mulf %broadcast_in_dim3A_586, %add3A_554 : vector<16xf32>
      %add3A_588 = arith.constant -2.50521079E-8 : f32
      %add3A_589 = vector.broadcast %add3A_588 : f32 to vector<16xf32>
      %add3A_590 = arith.addf %mul3A_587, %add3A_589 : vector<16xf32>
      %mul3A_591 = arith.mulf %add3A_590, %add3A_554 : vector<16xf32>
      %add3A_592 = arith.constant 2.75573188E-6 : f32
      %add3A_593 = vector.broadcast %add3A_592 : f32 to vector<16xf32>
      %add3A_594 = arith.addf %mul3A_591, %add3A_593 : vector<16xf32>
      %mul3A_595 = arith.mulf %add3A_594, %add3A_554 : vector<16xf32>
      %add3A_596 = arith.constant -1.98412701E-4 : f32
      %add3A_597 = vector.broadcast %add3A_596 : f32 to vector<16xf32>
      %add3A_598 = arith.addf %mul3A_595, %add3A_597 : vector<16xf32>
      %mul3A_599 = arith.mulf %add3A_598, %add3A_554 : vector<16xf32>
      %add3A_600 = arith.constant 0.00833333377 : f32
      %add3A_601 = vector.broadcast %add3A_600 : f32 to vector<16xf32>
      %add3A_602 = arith.addf %mul3A_599, %add3A_601 : vector<16xf32>
      %mul3A_603 = arith.mulf %add3A_602, %add3A_554 : vector<16xf32>
      %add3A_604 = arith.constant -0.166666672 : f32
      %add3A_605 = vector.broadcast %add3A_604 : f32 to vector<16xf32>
      %add3A_606 = arith.addf %mul3A_603, %add3A_605 : vector<16xf32>
      %mul3A_607 = arith.mulf %add3A_606, %add3A_554 : vector<16xf32>
      %add3A_608 = arith.constant 1.000000e+00 : f32
      %add3A_609 = vector.broadcast %add3A_608 : f32 to vector<16xf32>
      %add3A_610 = arith.addf %mul3A_607, %add3A_609 : vector<16xf32>
      %broadcast_in_dim3A_611 = arith.constant 1.14707454E-11 : f32
      %broadcast_in_dim3A_612 = vector.broadcast %broadcast_in_dim3A_611 : f32 to vector<16xf32>
      %mul3A_613 = arith.mulf %broadcast_in_dim3A_612, %add3A_554 : vector<16xf32>
      %add3A_614 = arith.constant -2.08767559E-9 : f32
      %add3A_615 = vector.broadcast %add3A_614 : f32 to vector<16xf32>
      %add3A_616 = arith.addf %mul3A_613, %add3A_615 : vector<16xf32>
      %mul3A_617 = arith.mulf %add3A_616, %add3A_554 : vector<16xf32>
      %add3A_618 = arith.constant 2.755732E-7 : f32
      %add3A_619 = vector.broadcast %add3A_618 : f32 to vector<16xf32>
      %add3A_620 = arith.addf %mul3A_617, %add3A_619 : vector<16xf32>
      %mul3A_621 = arith.mulf %add3A_620, %add3A_554 : vector<16xf32>
      %add3A_622 = arith.constant -2.48015876E-5 : f32
      %add3A_623 = vector.broadcast %add3A_622 : f32 to vector<16xf32>
      %add3A_624 = arith.addf %mul3A_621, %add3A_623 : vector<16xf32>
      %mul3A_625 = arith.mulf %add3A_624, %add3A_554 : vector<16xf32>
      %add3A_626 = arith.constant 0.00138888892 : f32
      %add3A_627 = vector.broadcast %add3A_626 : f32 to vector<16xf32>
      %add3A_628 = arith.addf %mul3A_625, %add3A_627 : vector<16xf32>
      %mul3A_629 = arith.mulf %add3A_628, %add3A_554 : vector<16xf32>
      %add3A_630 = arith.constant -0.0416666679 : f32
      %add3A_631 = vector.broadcast %add3A_630 : f32 to vector<16xf32>
      %add3A_632 = arith.addf %mul3A_629, %add3A_631 : vector<16xf32>
      %mul3A_633 = arith.mulf %add3A_632, %add3A_554 : vector<16xf32>
      %add3A_634 = arith.constant 5.000000e-01 : f32
      %add3A_635 = vector.broadcast %add3A_634 : f32 to vector<16xf32>
      %add3A_636 = arith.addf %mul3A_633, %add3A_635 : vector<16xf32>
      %mul3A_637 = arith.mulf %add3A_610, %gather3A_543 : vector<16xf32>
      %mul3A_638 = arith.mulf %add3A_610, %gather3A_546 : vector<16xf32>
      %mul3A_639 = arith.mulf %add3A_610, %gather3A_549 : vector<16xf32>
      %mul3A_640 = arith.mulf %add3A_636, %gather3A_543 : vector<16xf32>
      %mul3A_641 = arith.mulf %add3A_636, %gather3A_546 : vector<16xf32>
      %mul3A_642 = arith.mulf %add3A_636, %gather3A_549 : vector<16xf32>
      %mul3A_643 = arith.mulf %mul3A_640, %gather3A_543 : vector<16xf32>
      %add3A_644 = arith.addf %add3A_584, %mul3A_643 : vector<16xf32>
      %mul3A_645 = arith.mulf %mul3A_640, %gather3A_546 : vector<16xf32>
      %sub3A_646 = arith.subf %mul3A_645, %mul3A_639 : vector<16xf32>
      %mul3A_647 = arith.mulf %mul3A_640, %gather3A_549 : vector<16xf32>
      %add3A_648 = arith.addf %mul3A_647, %mul3A_638 : vector<16xf32>
      %mul3A_649 = arith.mulf %mul3A_640, %gather3A_546 : vector<16xf32>
      %add3A_650 = arith.addf %mul3A_649, %mul3A_639 : vector<16xf32>
      %mul3A_651 = arith.mulf %mul3A_641, %gather3A_546 : vector<16xf32>
      %add3A_652 = arith.addf %add3A_584, %mul3A_651 : vector<16xf32>
      %mul3A_653 = arith.mulf %mul3A_641, %gather3A_549 : vector<16xf32>
      %sub3A_654 = arith.subf %mul3A_653, %mul3A_637 : vector<16xf32>
      %mul3A_655 = arith.mulf %mul3A_640, %gather3A_549 : vector<16xf32>
      %sub3A_656 = arith.subf %mul3A_655, %mul3A_638 : vector<16xf32>
      %mul3A_657 = arith.mulf %mul3A_641, %gather3A_549 : vector<16xf32>
      %add3A_658 = arith.addf %mul3A_657, %mul3A_637 : vector<16xf32>
      %mul3A_659 = arith.mulf %mul3A_642, %gather3A_549 : vector<16xf32>
      %add3A_660 = arith.addf %add3A_584, %mul3A_659 : vector<16xf32>
      %mul3A_661 = arith.constant 16 : i32
      %mul3A_662 = arith.muli %scan3A_18, %mul3A_661 : i32
      %swap3A_663 = arith.constant 27 : i32
      %swap3A_664 = arith.index_cast %swap3A_663 : i32 to index
      %swap3A_665 = arith.index_cast %mul3A_662 : i32 to index
      %swap3A_666 = tpu.vector_load %arg12[%swap3A_664, %swap3A_665] {strides = array<i32>} : memref<72x128xf32, #tpu.memory_space<vmem>>, vector<16xf32>,
      tpu.vector_store %arg12[%swap3A_664, %swap3A_665], %add3A_644 {strides = array<i32>} : memref<72x128xf32, #tpu.memory_space<vmem>>, vector<16xf32>,
      %mul3A_667 = arith.constant 16 : i32
      %mul3A_668 = arith.muli %scan3A_18, %mul3A_667 : i32
      %swap3A_669 = arith.constant 28 : i32
      %swap3A_670 = arith.index_cast %swap3A_669 : i32 to index
      %swap3A_671 = arith.index_cast %mul3A_668 : i32 to index
      %swap3A_672 = tpu.vector_load %arg12[%swap3A_670, %swap3A_671] {strides = array<i32>} : memref<72x128xf32, #tpu.memory_space<vmem>>, vector<16xf32>,
      tpu.vector_store %arg12[%swap3A_670, %swap3A_671], %sub3A_646 {strides = array<i32>} : memref<72x128xf32, #tpu.memory_space<vmem>>, vector<16xf32>,
      %mul3A_673 = arith.constant 16 : i32
      %mul3A_674 = arith.muli %scan3A_18, %mul3A_673 : i32
      %swap3A_675 = arith.constant 29 : i32
      %swap3A_676 = arith.index_cast %swap3A_675 : i32 to index
      %swap3A_677 = arith.index_cast %mul3A_674 : i32 to index
      %swap3A_678 = tpu.vector_load %arg12[%swap3A_676, %swap3A_677] {strides = array<i32>} : memref<72x128xf32, #tpu.memory_space<vmem>>, vector<16xf32>,
      tpu.vector_store %arg12[%swap3A_676, %swap3A_677], %add3A_648 {strides = array<i32>} : memref<72x128xf32, #tpu.memory_space<vmem>>, vector<16xf32>,
      %mul3A_679 = arith.constant 16 : i32
      %mul3A_680 = arith.muli %scan3A_18, %mul3A_679 : i32
      %swap3A_681 = arith.constant 30 : i32
      %swap3A_682 = arith.index_cast %swap3A_681 : i32 to index
      %swap3A_683 = arith.index_cast %mul3A_680 : i32 to index
      %swap3A_684 = tpu.vector_load %arg12[%swap3A_682, %swap3A_683] {strides = array<i32>} : memref<72x128xf32, #tpu.memory_space<vmem>>, vector<16xf32>,
      tpu.vector_store %arg12[%swap3A_682, %swap3A_683], %add3A_650 {strides = array<i32>} : memref<72x128xf32, #tpu.memory_space<vmem>>, vector<16xf32>,
      %mul3A_685 = arith.constant 16 : i32
      %mul3A_686 = arith.muli %scan3A_18, %mul3A_685 : i32
      %swap3A_687 = arith.constant 31 : i32
      %swap3A_688 = arith.index_cast %swap3A_687 : i32 to index
      %swap3A_689 = arith.index_cast %mul3A_686 : i32 to index
      %swap3A_690 = tpu.vector_load %arg12[%swap3A_688, %swap3A_689] {strides = array<i32>} : memref<72x128xf32, #tpu.memory_space<vmem>>, vector<16xf32>,
      tpu.vector_store %arg12[%swap3A_688, %swap3A_689], %add3A_652 {strides = array<i32>} : memref<72x128xf32, #tpu.memory_space<vmem>>, vector<16xf32>,
      %mul3A_691 = arith.constant 16 : i32
      %mul3A_692 = arith.muli %scan3A_18, %mul3A_691 : i32
      %swap3A_693 = arith.constant 32 : i32
      %swap3A_694 = arith.index_cast %swap3A_693 : i32 to index
      %swap3A_695 = arith.index_cast %mul3A_692 : i32 to index
      %swap3A_696 = tpu.vector_load %arg12[%swap3A_694, %swap3A_695] {strides = array<i32>} : memref<72x128xf32, #tpu.memory_space<vmem>>, vector<16xf32>,
      tpu.vector_store %arg12[%swap3A_694, %swap3A_695], %sub3A_654 {strides = array<i32>} : memref<72x128xf32, #tpu.memory_space<vmem>>, vector<16xf32>,
      %mul3A_697 = arith.constant 16 : i32
      %mul3A_698 = arith.muli %scan3A_18, %mul3A_697 : i32
      %swap3A_699 = arith.constant 33 : i32
      %swap3A_700 = arith.index_cast %swap3A_699 : i32 to index
      %swap3A_701 = arith.index_cast %mul3A_698 : i32 to index
      %swap3A_702 = tpu.vector_load %arg12[%swap3A_700, %swap3A_701] {strides = array<i32>} : memref<72x128xf32, #tpu.memory_space<vmem>>, vector<16xf32>,
      tpu.vector_store %arg12[%swap3A_700, %swap3A_701], %sub3A_656 {strides = array<i32>} : memref<72x128xf32, #tpu.memory_space<vmem>>, vector<16xf32>,
      %mul3A_703 = arith.constant 16 : i32
      %mul3A_704 = arith.muli %scan3A_18, %mul3A_703 : i32
      %swap3A_705 = arith.constant 34 : i32
      %swap3A_706 = arith.index_cast %swap3A_705 : i32 to index
      %swap3A_707 = arith.index_cast %mul3A_704 : i32 to index
      %swap3A_708 = tpu.vector_load %arg12[%swap3A_706, %swap3A_707] {strides = array<i32>} : memref<72x128xf32, #tpu.memory_space<vmem>>, vector<16xf32>,
      tpu.vector_store %arg12[%swap3A_706, %swap3A_707], %add3A_658 {strides = array<i32>} : memref<72x128xf32, #tpu.memory_space<vmem>>, vector<16xf32>,
      %mul3A_709 = arith.constant 16 : i32
      %mul3A_710 = arith.muli %scan3A_18, %mul3A_709 : i32
      %swap3A_711 = arith.constant 35 : i32
      %swap3A_712 = arith.index_cast %swap3A_711 : i32 to index
      %swap3A_713 = arith.index_cast %mul3A_710 : i32 to index
      %swap3A_714 = tpu.vector_load %arg12[%swap3A_712, %swap3A_713] {strides = array<i32>} : memref<72x128xf32, #tpu.memory_space<vmem>>, vector<16xf32>,
      tpu.vector_store %arg12[%swap3A_712, %swap3A_713], %add3A_660 {strides = array<i32>} : memref<72x128xf32, #tpu.memory_space<vmem>>, vector<16xf32>,
      %broadcast_in_dim3A_715 = arith.constant 12 : i32
      %broadcast_in_dim3A_716 = vector.broadcast %broadcast_in_dim3A_715 : i32 to vector<16xi32>
      %gather3A_717 = tpu.vector_load_idx %arg10[%add3A_22, %broadcast_in_dim3A_716] : memref<128x64xf32, #tpu.memory_space<vmem>>[vector<16xi32>, vector<16xi32>], vector<16xf32>,
      %broadcast_in_dim3A_718 = arith.constant 13 : i32
      %broadcast_in_dim3A_719 = vector.broadcast %broadcast_in_dim3A_718 : i32 to vector<16xi32>
      %gather3A_720 = tpu.vector_load_idx %arg10[%add3A_22, %broadcast_in_dim3A_719] : memref<128x64xf32, #tpu.memory_space<vmem>>[vector<16xi32>, vector<16xi32>], vector<16xf32>,
      %broadcast_in_dim3A_721 = arith.constant 14 : i32
      %broadcast_in_dim3A_722 = vector.broadcast %broadcast_in_dim3A_721 : i32 to vector<16xi32>
      %gather3A_723 = tpu.vector_load_idx %arg10[%add3A_22, %broadcast_in_dim3A_722] : memref<128x64xf32, #tpu.memory_space<vmem>>[vector<16xi32>, vector<16xi32>], vector<16xf32>,
      %mul3A_724 = arith.mulf %gather3A_717, %gather3A_717 : vector<16xf32>
      %mul3A_725 = arith.mulf %gather3A_720, %gather3A_720 : vector<16xf32>
      %add3A_726 = arith.addf %mul3A_724, %mul3A_725 : vector<16xf32>
      %mul3A_727 = arith.mulf %gather3A_723, %gather3A_723 : vector<16xf32>
      %add3A_728 = arith.addf %add3A_726, %mul3A_727 : vector<16xf32>
      %broadcast_in_dim3A_729 = arith.constant -1.14707454E-11 : f32
      %broadcast_in_dim3A_730 = vector.broadcast %broadcast_in_dim3A_729 : f32 to vector<16xf32>
      %mul3A_731 = arith.mulf %broadcast_in_dim3A_730, %add3A_728 : vector<16xf32>
      %add3A_732 = arith.constant 2.08767559E-9 : f32
      %add3A_733 = vector.broadcast %add3A_732 : f32 to vector<16xf32>
      %add3A_734 = arith.addf %mul3A_731, %add3A_733 : vector<16xf32>
      %mul3A_735 = arith.mulf %add3A_734, %add3A_728 : vector<16xf32>
      %add3A_736 = arith.constant -2.755732E-7 : f32
      %add3A_737 = vector.broadcast %add3A_736 : f32 to vector<16xf32>
      %add3A_738 = arith.addf %mul3A_735, %add3A_737 : vector<16xf32>
      %mul3A_739 = arith.mulf %add3A_738, %add3A_728 : vector<16xf32>
      %add3A_740 = arith.constant 2.48015876E-5 : f32
      %add3A_741 = vector.broadcast %add3A_740 : f32 to vector<16xf32>
      %add3A_742 = arith.addf %mul3A_739, %add3A_741 : vector<16xf32>
      %mul3A_743 = arith.mulf %add3A_742, %add3A_728 : vector<16xf32>
      %add3A_744 = arith.constant -0.00138888892 : f32
      %add3A_745 = vector.broadcast %add3A_744 : f32 to vector<16xf32>
      %add3A_746 = arith.addf %mul3A_743, %add3A_745 : vector<16xf32>
      %mul3A_747 = arith.mulf %add3A_746, %add3A_728 : vector<16xf32>
      %add3A_748 = arith.constant 0.0416666679 : f32
      %add3A_749 = vector.broadcast %add3A_748 : f32 to vector<16xf32>
      %add3A_750 = arith.addf %mul3A_747, %add3A_749 : vector<16xf32>
      %mul3A_751 = arith.mulf %add3A_750, %add3A_728 : vector<16xf32>
      %add3A_752 = arith.constant -5.000000e-01 : f32
      %add3A_753 = vector.broadcast %add3A_752 : f32 to vector<16xf32>
      %add3A_754 = arith.addf %mul3A_751, %add3A_753 : vector<16xf32>
      %mul3A_755 = arith.mulf %add3A_754, %add3A_728 : vector<16xf32>
      %add3A_756 = arith.constant 1.000000e+00 : f32
      %add3A_757 = vector.broadcast %add3A_756 : f32 to vector<16xf32>
      %add3A_758 = arith.addf %mul3A_755, %add3A_757 : vector<16xf32>
      %broadcast_in_dim3A_759 = arith.constant 1.60590444E-10 : f32
      %broadcast_in_dim3A_760 = vector.broadcast %broadcast_in_dim3A_759 : f32 to vector<16xf32>
      %mul3A_761 = arith.mulf %broadcast_in_dim3A_760, %add3A_728 : vector<16xf32>
      %add3A_762 = arith.constant -2.50521079E-8 : f32
      %add3A_763 = vector.broadcast %add3A_762 : f32 to vector<16xf32>
      %add3A_764 = arith.addf %mul3A_761, %add3A_763 : vector<16xf32>
      %mul3A_765 = arith.mulf %add3A_764, %add3A_728 : vector<16xf32>
      %add3A_766 = arith.constant 2.75573188E-6 : f32
      %add3A_767 = vector.broadcast %add3A_766 : f32 to vector<16xf32>
      %add3A_768 = arith.addf %mul3A_765, %add3A_767 : vector<16xf32>
      %mul3A_769 = arith.mulf %add3A_768, %add3A_728 : vector<16xf32>
      %add3A_770 = arith.constant -1.98412701E-4 : f32
      %add3A_771 = vector.broadcast %add3A_770 : f32 to vector<16xf32>
      %add3A_772 = arith.addf %mul3A_769, %add3A_771 : vector<16xf32>
      %mul3A_773 = arith.mulf %add3A_772, %add3A_728 : vector<16xf32>
      %add3A_774 = arith.constant 0.00833333377 : f32
      %add3A_775 = vector.broadcast %add3A_774 : f32 to vector<16xf32>
      %add3A_776 = arith.addf %mul3A_773, %add3A_775 : vector<16xf32>
      %mul3A_777 = arith.mulf %add3A_776, %add3A_728 : vector<16xf32>
      %add3A_778 = arith.constant -0.166666672 : f32
      %add3A_779 = vector.broadcast %add3A_778 : f32 to vector<16xf32>
      %add3A_780 = arith.addf %mul3A_777, %add3A_779 : vector<16xf32>
      %mul3A_781 = arith.mulf %add3A_780, %add3A_728 : vector<16xf32>
      %add3A_782 = arith.constant 1.000000e+00 : f32
      %add3A_783 = vector.broadcast %add3A_782 : f32 to vector<16xf32>
      %add3A_784 = arith.addf %mul3A_781, %add3A_783 : vector<16xf32>
      %broadcast_in_dim3A_785 = arith.constant 1.14707454E-11 : f32
      %broadcast_in_dim3A_786 = vector.broadcast %broadcast_in_dim3A_785 : f32 to vector<16xf32>
      %mul3A_787 = arith.mulf %broadcast_in_dim3A_786, %add3A_728 : vector<16xf32>
      %add3A_788 = arith.constant -2.08767559E-9 : f32
      %add3A_789 = vector.broadcast %add3A_788 : f32 to vector<16xf32>
      %add3A_790 = arith.addf %mul3A_787, %add3A_789 : vector<16xf32>
      %mul3A_791 = arith.mulf %add3A_790, %add3A_728 : vector<16xf32>
      %add3A_792 = arith.constant 2.755732E-7 : f32
      %add3A_793 = vector.broadcast %add3A_792 : f32 to vector<16xf32>
      %add3A_794 = arith.addf %mul3A_791, %add3A_793 : vector<16xf32>
      %mul3A_795 = arith.mulf %add3A_794, %add3A_728 : vector<16xf32>
      %add3A_796 = arith.constant -2.48015876E-5 : f32
      %add3A_797 = vector.broadcast %add3A_796 : f32 to vector<16xf32>
      %add3A_798 = arith.addf %mul3A_795, %add3A_797 : vector<16xf32>
      %mul3A_799 = arith.mulf %add3A_798, %add3A_728 : vector<16xf32>
      %add3A_800 = arith.constant 0.00138888892 : f32
      %add3A_801 = vector.broadcast %add3A_800 : f32 to vector<16xf32>
      %add3A_802 = arith.addf %mul3A_799, %add3A_801 : vector<16xf32>
      %mul3A_803 = arith.mulf %add3A_802, %add3A_728 : vector<16xf32>
      %add3A_804 = arith.constant -0.0416666679 : f32
      %add3A_805 = vector.broadcast %add3A_804 : f32 to vector<16xf32>
      %add3A_806 = arith.addf %mul3A_803, %add3A_805 : vector<16xf32>
      %mul3A_807 = arith.mulf %add3A_806, %add3A_728 : vector<16xf32>
      %add3A_808 = arith.constant 5.000000e-01 : f32
      %add3A_809 = vector.broadcast %add3A_808 : f32 to vector<16xf32>
      %add3A_810 = arith.addf %mul3A_807, %add3A_809 : vector<16xf32>
      %mul3A_811 = arith.mulf %add3A_784, %gather3A_717 : vector<16xf32>
      %mul3A_812 = arith.mulf %add3A_784, %gather3A_720 : vector<16xf32>
      %mul3A_813 = arith.mulf %add3A_784, %gather3A_723 : vector<16xf32>
      %mul3A_814 = arith.mulf %add3A_810, %gather3A_717 : vector<16xf32>
      %mul3A_815 = arith.mulf %add3A_810, %gather3A_720 : vector<16xf32>
      %mul3A_816 = arith.mulf %add3A_810, %gather3A_723 : vector<16xf32>
      %mul3A_817 = arith.mulf %mul3A_814, %gather3A_717 : vector<16xf32>
      %add3A_818 = arith.addf %add3A_758, %mul3A_817 : vector<16xf32>
      %mul3A_819 = arith.mulf %mul3A_814, %gather3A_720 : vector<16xf32>
      %sub3A_820 = arith.subf %mul3A_819, %mul3A_813 : vector<16xf32>
      %mul3A_821 = arith.mulf %mul3A_814, %gather3A_723 : vector<16xf32>
      %add3A_822 = arith.addf %mul3A_821, %mul3A_812 : vector<16xf32>
      %mul3A_823 = arith.mulf %mul3A_814, %gather3A_720 : vector<16xf32>
      %add3A_824 = arith.addf %mul3A_823, %mul3A_813 : vector<16xf32>
      %mul3A_825 = arith.mulf %mul3A_815, %gather3A_720 : vector<16xf32>
      %add3A_826 = arith.addf %add3A_758, %mul3A_825 : vector<16xf32>
      %mul3A_827 = arith.mulf %mul3A_815, %gather3A_723 : vector<16xf32>
      %sub3A_828 = arith.subf %mul3A_827, %mul3A_811 : vector<16xf32>
      %mul3A_829 = arith.mulf %mul3A_814, %gather3A_723 : vector<16xf32>
      %sub3A_830 = arith.subf %mul3A_829, %mul3A_812 : vector<16xf32>
      %mul3A_831 = arith.mulf %mul3A_815, %gather3A_723 : vector<16xf32>
      %add3A_832 = arith.addf %mul3A_831, %mul3A_811 : vector<16xf32>
      %mul3A_833 = arith.mulf %mul3A_816, %gather3A_723 : vector<16xf32>
      %add3A_834 = arith.addf %add3A_758, %mul3A_833 : vector<16xf32>
      %mul3A_835 = arith.constant 16 : i32
      %mul3A_836 = arith.muli %scan3A_18, %mul3A_835 : i32
      %swap3A_837 = arith.constant 36 : i32
      %swap3A_838 = arith.index_cast %swap3A_837 : i32 to index
      %swap3A_839 = arith.index_cast %mul3A_836 : i32 to index
      %swap3A_840 = tpu.vector_load %arg12[%swap3A_838, %swap3A_839] {strides = array<i32>} : memref<72x128xf32, #tpu.memory_space<vmem>>, vector<16xf32>,
      tpu.vector_store %arg12[%swap3A_838, %swap3A_839], %add3A_818 {strides = array<i32>} : memref<72x128xf32, #tpu.memory_space<vmem>>, vector<16xf32>,
      %mul3A_841 = arith.constant 16 : i32
      %mul3A_842 = arith.muli %scan3A_18, %mul3A_841 : i32
      %swap3A_843 = arith.constant 37 : i32
      %swap3A_844 = arith.index_cast %swap3A_843 : i32 to index
      %swap3A_845 = arith.index_cast %mul3A_842 : i32 to index
      %swap3A_846 = tpu.vector_load %arg12[%swap3A_844, %swap3A_845] {strides = array<i32>} : memref<72x128xf32, #tpu.memory_space<vmem>>, vector<16xf32>,
      tpu.vector_store %arg12[%swap3A_844, %swap3A_845], %sub3A_820 {strides = array<i32>} : memref<72x128xf32, #tpu.memory_space<vmem>>, vector<16xf32>,
      %mul3A_847 = arith.constant 16 : i32
      %mul3A_848 = arith.muli %scan3A_18, %mul3A_847 : i32
      %swap3A_849 = arith.constant 38 : i32
      %swap3A_850 = arith.index_cast %swap3A_849 : i32 to index
      %swap3A_851 = arith.index_cast %mul3A_848 : i32 to index
      %swap3A_852 = tpu.vector_load %arg12[%swap3A_850, %swap3A_851] {strides = array<i32>} : memref<72x128xf32, #tpu.memory_space<vmem>>, vector<16xf32>,
      tpu.vector_store %arg12[%swap3A_850, %swap3A_851], %add3A_822 {strides = array<i32>} : memref<72x128xf32, #tpu.memory_space<vmem>>, vector<16xf32>,
      %mul3A_853 = arith.constant 16 : i32
      %mul3A_854 = arith.muli %scan3A_18, %mul3A_853 : i32
      %swap3A_855 = arith.constant 39 : i32
      %swap3A_856 = arith.index_cast %swap3A_855 : i32 to index
      %swap3A_857 = arith.index_cast %mul3A_854 : i32 to index
      %swap3A_858 = tpu.vector_load %arg12[%swap3A_856, %swap3A_857] {strides = array<i32>} : memref<72x128xf32, #tpu.memory_space<vmem>>, vector<16xf32>,
      tpu.vector_store %arg12[%swap3A_856, %swap3A_857], %add3A_824 {strides = array<i32>} : memref<72x128xf32, #tpu.memory_space<vmem>>, vector<16xf32>,
      %mul3A_859 = arith.constant 16 : i32
      %mul3A_860 = arith.muli %scan3A_18, %mul3A_859 : i32
      %swap3A_861 = arith.constant 40 : i32
      %swap3A_862 = arith.index_cast %swap3A_861 : i32 to index
      %swap3A_863 = arith.index_cast %mul3A_860 : i32 to index
      %swap3A_864 = tpu.vector_load %arg12[%swap3A_862, %swap3A_863] {strides = array<i32>} : memref<72x128xf32, #tpu.memory_space<vmem>>, vector<16xf32>,
      tpu.vector_store %arg12[%swap3A_862, %swap3A_863], %add3A_826 {strides = array<i32>} : memref<72x128xf32, #tpu.memory_space<vmem>>, vector<16xf32>,
      %mul3A_865 = arith.constant 16 : i32
      %mul3A_866 = arith.muli %scan3A_18, %mul3A_865 : i32
      %swap3A_867 = arith.constant 41 : i32
      %swap3A_868 = arith.index_cast %swap3A_867 : i32 to index
      %swap3A_869 = arith.index_cast %mul3A_866 : i32 to index
      %swap3A_870 = tpu.vector_load %arg12[%swap3A_868, %swap3A_869] {strides = array<i32>} : memref<72x128xf32, #tpu.memory_space<vmem>>, vector<16xf32>,
      tpu.vector_store %arg12[%swap3A_868, %swap3A_869], %sub3A_828 {strides = array<i32>} : memref<72x128xf32, #tpu.memory_space<vmem>>, vector<16xf32>,
      %mul3A_871 = arith.constant 16 : i32
      %mul3A_872 = arith.muli %scan3A_18, %mul3A_871 : i32
      %swap3A_873 = arith.constant 42 : i32
      %swap3A_874 = arith.index_cast %swap3A_873 : i32 to index
      %swap3A_875 = arith.index_cast %mul3A_872 : i32 to index
      %swap3A_876 = tpu.vector_load %arg12[%swap3A_874, %swap3A_875] {strides = array<i32>} : memref<72x128xf32, #tpu.memory_space<vmem>>, vector<16xf32>,
      tpu.vector_store %arg12[%swap3A_874, %swap3A_875], %sub3A_830 {strides = array<i32>} : memref<72x128xf32, #tpu.memory_space<vmem>>, vector<16xf32>,
      %mul3A_877 = arith.constant 16 : i32
      %mul3A_878 = arith.muli %scan3A_18, %mul3A_877 : i32
      %swap3A_879 = arith.constant 43 : i32
      %swap3A_880 = arith.index_cast %swap3A_879 : i32 to index
      %swap3A_881 = arith.index_cast %mul3A_878 : i32 to index
      %swap3A_882 = tpu.vector_load %arg12[%swap3A_880, %swap3A_881] {strides = array<i32>} : memref<72x128xf32, #tpu.memory_space<vmem>>, vector<16xf32>,
      tpu.vector_store %arg12[%swap3A_880, %swap3A_881], %add3A_832 {strides = array<i32>} : memref<72x128xf32, #tpu.memory_space<vmem>>, vector<16xf32>,
      %mul3A_883 = arith.constant 16 : i32
      %mul3A_884 = arith.muli %scan3A_18, %mul3A_883 : i32
      %swap3A_885 = arith.constant 44 : i32
      %swap3A_886 = arith.index_cast %swap3A_885 : i32 to index
      %swap3A_887 = arith.index_cast %mul3A_884 : i32 to index
      %swap3A_888 = tpu.vector_load %arg12[%swap3A_886, %swap3A_887] {strides = array<i32>} : memref<72x128xf32, #tpu.memory_space<vmem>>, vector<16xf32>,
      tpu.vector_store %arg12[%swap3A_886, %swap3A_887], %add3A_834 {strides = array<i32>} : memref<72x128xf32, #tpu.memory_space<vmem>>, vector<16xf32>,
      %broadcast_in_dim3A_889 = arith.constant 15 : i32
      %broadcast_in_dim3A_890 = vector.broadcast %broadcast_in_dim3A_889 : i32 to vector<16xi32>
      %gather3A_891 = tpu.vector_load_idx %arg10[%add3A_22, %broadcast_in_dim3A_890] : memref<128x64xf32, #tpu.memory_space<vmem>>[vector<16xi32>, vector<16xi32>], vector<16xf32>,
      %broadcast_in_dim3A_892 = arith.constant 16 : i32
      %broadcast_in_dim3A_893 = vector.broadcast %broadcast_in_dim3A_892 : i32 to vector<16xi32>
      %gather3A_894 = tpu.vector_load_idx %arg10[%add3A_22, %broadcast_in_dim3A_893] : memref<128x64xf32, #tpu.memory_space<vmem>>[vector<16xi32>, vector<16xi32>], vector<16xf32>,
      %broadcast_in_dim3A_895 = arith.constant 17 : i32
      %broadcast_in_dim3A_896 = vector.broadcast %broadcast_in_dim3A_895 : i32 to vector<16xi32>
      %gather3A_897 = tpu.vector_load_idx %arg10[%add3A_22, %broadcast_in_dim3A_896] : memref<128x64xf32, #tpu.memory_space<vmem>>[vector<16xi32>, vector<16xi32>], vector<16xf32>,
      %mul3A_898 = arith.mulf %gather3A_891, %gather3A_891 : vector<16xf32>
      %mul3A_899 = arith.mulf %gather3A_894, %gather3A_894 : vector<16xf32>
      %add3A_900 = arith.addf %mul3A_898, %mul3A_899 : vector<16xf32>
      %mul3A_901 = arith.mulf %gather3A_897, %gather3A_897 : vector<16xf32>
      %add3A_902 = arith.addf %add3A_900, %mul3A_901 : vector<16xf32>
      %broadcast_in_dim3A_903 = arith.constant -1.14707454E-11 : f32
      %broadcast_in_dim3A_904 = vector.broadcast %broadcast_in_dim3A_903 : f32 to vector<16xf32>
      %mul3A_905 = arith.mulf %broadcast_in_dim3A_904, %add3A_902 : vector<16xf32>
      %add3A_906 = arith.constant 2.08767559E-9 : f32
      %add3A_907 = vector.broadcast %add3A_906 : f32 to vector<16xf32>
      %add3A_908 = arith.addf %mul3A_905, %add3A_907 : vector<16xf32>
      %mul3A_909 = arith.mulf %add3A_908, %add3A_902 : vector<16xf32>
      %add3A_910 = arith.constant -2.755732E-7 : f32
      %add3A_911 = vector.broadcast %add3A_910 : f32 to vector<16xf32>
      %add3A_912 = arith.addf %mul3A_909, %add3A_911 : vector<16xf32>
      %mul3A_913 = arith.mulf %add3A_912, %add3A_902 : vector<16xf32>
      %add3A_914 = arith.constant 2.48015876E-5 : f32
      %add3A_915 = vector.broadcast %add3A_914 : f32 to vector<16xf32>
      %add3A_916 = arith.addf %mul3A_913, %add3A_915 : vector<16xf32>
      %mul3A_917 = arith.mulf %add3A_916, %add3A_902 : vector<16xf32>
      %add3A_918 = arith.constant -0.00138888892 : f32
      %add3A_919 = vector.broadcast %add3A_918 : f32 to vector<16xf32>
      %add3A_920 = arith.addf %mul3A_917, %add3A_919 : vector<16xf32>
      %mul3A_921 = arith.mulf %add3A_920, %add3A_902 : vector<16xf32>
      %add3A_922 = arith.constant 0.0416666679 : f32
      %add3A_923 = vector.broadcast %add3A_922 : f32 to vector<16xf32>
      %add3A_924 = arith.addf %mul3A_921, %add3A_923 : vector<16xf32>
      %mul3A_925 = arith.mulf %add3A_924, %add3A_902 : vector<16xf32>
      %add3A_926 = arith.constant -5.000000e-01 : f32
      %add3A_927 = vector.broadcast %add3A_926 : f32 to vector<16xf32>
      %add3A_928 = arith.addf %mul3A_925, %add3A_927 : vector<16xf32>
      %mul3A_929 = arith.mulf %add3A_928, %add3A_902 : vector<16xf32>
      %add3A_930 = arith.constant 1.000000e+00 : f32
      %add3A_931 = vector.broadcast %add3A_930 : f32 to vector<16xf32>
      %add3A_932 = arith.addf %mul3A_929, %add3A_931 : vector<16xf32>
      %broadcast_in_dim3A_933 = arith.constant 1.60590444E-10 : f32
      %broadcast_in_dim3A_934 = vector.broadcast %broadcast_in_dim3A_933 : f32 to vector<16xf32>
      %mul3A_935 = arith.mulf %broadcast_in_dim3A_934, %add3A_902 : vector<16xf32>
      %add3A_936 = arith.constant -2.50521079E-8 : f32
      %add3A_937 = vector.broadcast %add3A_936 : f32 to vector<16xf32>
      %add3A_938 = arith.addf %mul3A_935, %add3A_937 : vector<16xf32>
      %mul3A_939 = arith.mulf %add3A_938, %add3A_902 : vector<16xf32>
      %add3A_940 = arith.constant 2.75573188E-6 : f32
      %add3A_941 = vector.broadcast %add3A_940 : f32 to vector<16xf32>
      %add3A_942 = arith.addf %mul3A_939, %add3A_941 : vector<16xf32>
      %mul3A_943 = arith.mulf %add3A_942, %add3A_902 : vector<16xf32>
      %add3A_944 = arith.constant -1.98412701E-4 : f32
      %add3A_945 = vector.broadcast %add3A_944 : f32 to vector<16xf32>
      %add3A_946 = arith.addf %mul3A_943, %add3A_945 : vector<16xf32>
      %mul3A_947 = arith.mulf %add3A_946, %add3A_902 : vector<16xf32>
      %add3A_948 = arith.constant 0.00833333377 : f32
      %add3A_949 = vector.broadcast %add3A_948 : f32 to vector<16xf32>
      %add3A_950 = arith.addf %mul3A_947, %add3A_949 : vector<16xf32>
      %mul3A_951 = arith.mulf %add3A_950, %add3A_902 : vector<16xf32>
      %add3A_952 = arith.constant -0.166666672 : f32
      %add3A_953 = vector.broadcast %add3A_952 : f32 to vector<16xf32>
      %add3A_954 = arith.addf %mul3A_951, %add3A_953 : vector<16xf32>
      %mul3A_955 = arith.mulf %add3A_954, %add3A_902 : vector<16xf32>
      %add3A_956 = arith.constant 1.000000e+00 : f32
      %add3A_957 = vector.broadcast %add3A_956 : f32 to vector<16xf32>
      %add3A_958 = arith.addf %mul3A_955, %add3A_957 : vector<16xf32>
      %broadcast_in_dim3A_959 = arith.constant 1.14707454E-11 : f32
      %broadcast_in_dim3A_960 = vector.broadcast %broadcast_in_dim3A_959 : f32 to vector<16xf32>
      %mul3A_961 = arith.mulf %broadcast_in_dim3A_960, %add3A_902 : vector<16xf32>
      %add3A_962 = arith.constant -2.08767559E-9 : f32
      %add3A_963 = vector.broadcast %add3A_962 : f32 to vector<16xf32>
      %add3A_964 = arith.addf %mul3A_961, %add3A_963 : vector<16xf32>
      %mul3A_965 = arith.mulf %add3A_964, %add3A_902 : vector<16xf32>
      %add3A_966 = arith.constant 2.755732E-7 : f32
      %add3A_967 = vector.broadcast %add3A_966 : f32 to vector<16xf32>
      %add3A_968 = arith.addf %mul3A_965, %add3A_967 : vector<16xf32>
      %mul3A_969 = arith.mulf %add3A_968, %add3A_902 : vector<16xf32>
      %add3A_970 = arith.constant -2.48015876E-5 : f32
      %add3A_971 = vector.broadcast %add3A_970 : f32 to vector<16xf32>
      %add3A_972 = arith.addf %mul3A_969, %add3A_971 : vector<16xf32>
      %mul3A_973 = arith.mulf %add3A_972, %add3A_902 : vector<16xf32>
      %add3A_974 = arith.constant 0.00138888892 : f32
      %add3A_975 = vector.broadcast %add3A_974 : f32 to vector<16xf32>
      %add3A_976 = arith.addf %mul3A_973, %add3A_975 : vector<16xf32>
      %mul3A_977 = arith.mulf %add3A_976, %add3A_902 : vector<16xf32>
      %add3A_978 = arith.constant -0.0416666679 : f32
      %add3A_979 = vector.broadcast %add3A_978 : f32 to vector<16xf32>
      %add3A_980 = arith.addf %mul3A_977, %add3A_979 : vector<16xf32>
      %mul3A_981 = arith.mulf %add3A_980, %add3A_902 : vector<16xf32>
      %add3A_982 = arith.constant 5.000000e-01 : f32
      %add3A_983 = vector.broadcast %add3A_982 : f32 to vector<16xf32>
      %add3A_984 = arith.addf %mul3A_981, %add3A_983 : vector<16xf32>
      %mul3A_985 = arith.mulf %add3A_958, %gather3A_891 : vector<16xf32>
      %mul3A_986 = arith.mulf %add3A_958, %gather3A_894 : vector<16xf32>
      %mul3A_987 = arith.mulf %add3A_958, %gather3A_897 : vector<16xf32>
      %mul3A_988 = arith.mulf %add3A_984, %gather3A_891 : vector<16xf32>
      %mul3A_989 = arith.mulf %add3A_984, %gather3A_894 : vector<16xf32>
      %mul3A_990 = arith.mulf %add3A_984, %gather3A_897 : vector<16xf32>
      %mul3A_991 = arith.mulf %mul3A_988, %gather3A_891 : vector<16xf32>
      %add3A_992 = arith.addf %add3A_932, %mul3A_991 : vector<16xf32>
      %mul3A_993 = arith.mulf %mul3A_988, %gather3A_894 : vector<16xf32>
      %sub3A_994 = arith.subf %mul3A_993, %mul3A_987 : vector<16xf32>
      %mul3A_995 = arith.mulf %mul3A_988, %gather3A_897 : vector<16xf32>
      %add3A_996 = arith.addf %mul3A_995, %mul3A_986 : vector<16xf32>
      %mul3A_997 = arith.mulf %mul3A_988, %gather3A_894 : vector<16xf32>
      %add3A_998 = arith.addf %mul3A_997, %mul3A_987 : vector<16xf32>
      %mul3A_999 = arith.mulf %mul3A_989, %gather3A_894 : vector<16xf32>
      %add3A_1000 = arith.addf %add3A_932, %mul3A_999 : vector<16xf32>
      %mul3A_1001 = arith.mulf %mul3A_989, %gather3A_897 : vector<16xf32>
      %sub3A_1002 = arith.subf %mul3A_1001, %mul3A_985 : vector<16xf32>
      %mul3A_1003 = arith.mulf %mul3A_988, %gather3A_897 : vector<16xf32>
      %sub3A_1004 = arith.subf %mul3A_1003, %mul3A_986 : vector<16xf32>
      %mul3A_1005 = arith.mulf %mul3A_989, %gather3A_897 : vector<16xf32>
      %add3A_1006 = arith.addf %mul3A_1005, %mul3A_985 : vector<16xf32>
      %mul3A_1007 = arith.mulf %mul3A_990, %gather3A_897 : vector<16xf32>
      %add3A_1008 = arith.addf %add3A_932, %mul3A_1007 : vector<16xf32>
      %mul3A_1009 = arith.constant 16 : i32
      %mul3A_1010 = arith.muli %scan3A_18, %mul3A_1009 : i32
      %swap3A_1011 = arith.constant 45 : i32
      %swap3A_1012 = arith.index_cast %swap3A_1011 : i32 to index
      %swap3A_1013 = arith.index_cast %mul3A_1010 : i32 to index
      %swap3A_1014 = tpu.vector_load %arg12[%swap3A_1012, %swap3A_1013] {strides = array<i32>} : memref<72x128xf32, #tpu.memory_space<vmem>>, vector<16xf32>,
      tpu.vector_store %arg12[%swap3A_1012, %swap3A_1013], %add3A_992 {strides = array<i32>} : memref<72x128xf32, #tpu.memory_space<vmem>>, vector<16xf32>,
      %mul3A_1015 = arith.constant 16 : i32
      %mul3A_1016 = arith.muli %scan3A_18, %mul3A_1015 : i32
      %swap3A_1017 = arith.constant 46 : i32
      %swap3A_1018 = arith.index_cast %swap3A_1017 : i32 to index
      %swap3A_1019 = arith.index_cast %mul3A_1016 : i32 to index
      %swap3A_1020 = tpu.vector_load %arg12[%swap3A_1018, %swap3A_1019] {strides = array<i32>} : memref<72x128xf32, #tpu.memory_space<vmem>>, vector<16xf32>,
      tpu.vector_store %arg12[%swap3A_1018, %swap3A_1019], %sub3A_994 {strides = array<i32>} : memref<72x128xf32, #tpu.memory_space<vmem>>, vector<16xf32>,
      %mul3A_1021 = arith.constant 16 : i32
      %mul3A_1022 = arith.muli %scan3A_18, %mul3A_1021 : i32
      %swap3A_1023 = arith.constant 47 : i32
      %swap3A_1024 = arith.index_cast %swap3A_1023 : i32 to index
      %swap3A_1025 = arith.index_cast %mul3A_1022 : i32 to index
      %swap3A_1026 = tpu.vector_load %arg12[%swap3A_1024, %swap3A_1025] {strides = array<i32>} : memref<72x128xf32, #tpu.memory_space<vmem>>, vector<16xf32>,
      tpu.vector_store %arg12[%swap3A_1024, %swap3A_1025], %add3A_996 {strides = array<i32>} : memref<72x128xf32, #tpu.memory_space<vmem>>, vector<16xf32>,
      %mul3A_1027 = arith.constant 16 : i32
      %mul3A_1028 = arith.muli %scan3A_18, %mul3A_1027 : i32
      %swap3A_1029 = arith.constant 48 : i32
      %swap3A_1030 = arith.index_cast %swap3A_1029 : i32 to index
      %swap3A_1031 = arith.index_cast %mul3A_1028 : i32 to index
      %swap3A_1032 = tpu.vector_load %arg12[%swap3A_1030, %swap3A_1031] {strides = array<i32>} : memref<72x128xf32, #tpu.memory_space<vmem>>, vector<16xf32>,
      tpu.vector_store %arg12[%swap3A_1030, %swap3A_1031], %add3A_998 {strides = array<i32>} : memref<72x128xf32, #tpu.memory_space<vmem>>, vector<16xf32>,
      %mul3A_1033 = arith.constant 16 : i32
      %mul3A_1034 = arith.muli %scan3A_18, %mul3A_1033 : i32
      %swap3A_1035 = arith.constant 49 : i32
      %swap3A_1036 = arith.index_cast %swap3A_1035 : i32 to index
      %swap3A_1037 = arith.index_cast %mul3A_1034 : i32 to index
      %swap3A_1038 = tpu.vector_load %arg12[%swap3A_1036, %swap3A_1037] {strides = array<i32>} : memref<72x128xf32, #tpu.memory_space<vmem>>, vector<16xf32>,
      tpu.vector_store %arg12[%swap3A_1036, %swap3A_1037], %add3A_1000 {strides = array<i32>} : memref<72x128xf32, #tpu.memory_space<vmem>>, vector<16xf32>,
      %mul3A_1039 = arith.constant 16 : i32
      %mul3A_1040 = arith.muli %scan3A_18, %mul3A_1039 : i32
      %swap3A_1041 = arith.constant 50 : i32
      %swap3A_1042 = arith.index_cast %swap3A_1041 : i32 to index
      %swap3A_1043 = arith.index_cast %mul3A_1040 : i32 to index
      %swap3A_1044 = tpu.vector_load %arg12[%swap3A_1042, %swap3A_1043] {strides = array<i32>} : memref<72x128xf32, #tpu.memory_space<vmem>>, vector<16xf32>,
      tpu.vector_store %arg12[%swap3A_1042, %swap3A_1043], %sub3A_1002 {strides = array<i32>} : memref<72x128xf32, #tpu.memory_space<vmem>>, vector<16xf32>,
      %mul3A_1045 = arith.constant 16 : i32
      %mul3A_1046 = arith.muli %scan3A_18, %mul3A_1045 : i32
      %swap3A_1047 = arith.constant 51 : i32
      %swap3A_1048 = arith.index_cast %swap3A_1047 : i32 to index
      %swap3A_1049 = arith.index_cast %mul3A_1046 : i32 to index
      %swap3A_1050 = tpu.vector_load %arg12[%swap3A_1048, %swap3A_1049] {strides = array<i32>} : memref<72x128xf32, #tpu.memory_space<vmem>>, vector<16xf32>,
      tpu.vector_store %arg12[%swap3A_1048, %swap3A_1049], %sub3A_1004 {strides = array<i32>} : memref<72x128xf32, #tpu.memory_space<vmem>>, vector<16xf32>,
      %mul3A_1051 = arith.constant 16 : i32
      %mul3A_1052 = arith.muli %scan3A_18, %mul3A_1051 : i32
      %swap3A_1053 = arith.constant 52 : i32
      %swap3A_1054 = arith.index_cast %swap3A_1053 : i32 to index
      %swap3A_1055 = arith.index_cast %mul3A_1052 : i32 to index
      %swap3A_1056 = tpu.vector_load %arg12[%swap3A_1054, %swap3A_1055] {strides = array<i32>} : memref<72x128xf32, #tpu.memory_space<vmem>>, vector<16xf32>,
      tpu.vector_store %arg12[%swap3A_1054, %swap3A_1055], %add3A_1006 {strides = array<i32>} : memref<72x128xf32, #tpu.memory_space<vmem>>, vector<16xf32>,
      %mul3A_1057 = arith.constant 16 : i32
      %mul3A_1058 = arith.muli %scan3A_18, %mul3A_1057 : i32
      %swap3A_1059 = arith.constant 53 : i32
      %swap3A_1060 = arith.index_cast %swap3A_1059 : i32 to index
      %swap3A_1061 = arith.index_cast %mul3A_1058 : i32 to index
      %swap3A_1062 = tpu.vector_load %arg12[%swap3A_1060, %swap3A_1061] {strides = array<i32>} : memref<72x128xf32, #tpu.memory_space<vmem>>, vector<16xf32>,
      tpu.vector_store %arg12[%swap3A_1060, %swap3A_1061], %add3A_1008 {strides = array<i32>} : memref<72x128xf32, #tpu.memory_space<vmem>>, vector<16xf32>,
      %broadcast_in_dim3A_1063 = arith.constant 18 : i32
      %broadcast_in_dim3A_1064 = vector.broadcast %broadcast_in_dim3A_1063 : i32 to vector<16xi32>
      %gather3A_1065 = tpu.vector_load_idx %arg10[%add3A_22, %broadcast_in_dim3A_1064] : memref<128x64xf32, #tpu.memory_space<vmem>>[vector<16xi32>, vector<16xi32>], vector<16xf32>,
      %broadcast_in_dim3A_1066 = arith.constant 19 : i32
      %broadcast_in_dim3A_1067 = vector.broadcast %broadcast_in_dim3A_1066 : i32 to vector<16xi32>
      %gather3A_1068 = tpu.vector_load_idx %arg10[%add3A_22, %broadcast_in_dim3A_1067] : memref<128x64xf32, #tpu.memory_space<vmem>>[vector<16xi32>, vector<16xi32>], vector<16xf32>,
      %broadcast_in_dim3A_1069 = arith.constant 20 : i32
      %broadcast_in_dim3A_1070 = vector.broadcast %broadcast_in_dim3A_1069 : i32 to vector<16xi32>
      %gather3A_1071 = tpu.vector_load_idx %arg10[%add3A_22, %broadcast_in_dim3A_1070] : memref<128x64xf32, #tpu.memory_space<vmem>>[vector<16xi32>, vector<16xi32>], vector<16xf32>,
      %mul3A_1072 = arith.mulf %gather3A_1065, %gather3A_1065 : vector<16xf32>
      %mul3A_1073 = arith.mulf %gather3A_1068, %gather3A_1068 : vector<16xf32>
      %add3A_1074 = arith.addf %mul3A_1072, %mul3A_1073 : vector<16xf32>
      %mul3A_1075 = arith.mulf %gather3A_1071, %gather3A_1071 : vector<16xf32>
      %add3A_1076 = arith.addf %add3A_1074, %mul3A_1075 : vector<16xf32>
      %broadcast_in_dim3A_1077 = arith.constant -1.14707454E-11 : f32
      %broadcast_in_dim3A_1078 = vector.broadcast %broadcast_in_dim3A_1077 : f32 to vector<16xf32>
      %mul3A_1079 = arith.mulf %broadcast_in_dim3A_1078, %add3A_1076 : vector<16xf32>
      %add3A_1080 = arith.constant 2.08767559E-9 : f32
      %add3A_1081 = vector.broadcast %add3A_1080 : f32 to vector<16xf32>
      %add3A_1082 = arith.addf %mul3A_1079, %add3A_1081 : vector<16xf32>
      %mul3A_1083 = arith.mulf %add3A_1082, %add3A_1076 : vector<16xf32>
      %add3A_1084 = arith.constant -2.755732E-7 : f32
      %add3A_1085 = vector.broadcast %add3A_1084 : f32 to vector<16xf32>
      %add3A_1086 = arith.addf %mul3A_1083, %add3A_1085 : vector<16xf32>
      %mul3A_1087 = arith.mulf %add3A_1086, %add3A_1076 : vector<16xf32>
      %add3A_1088 = arith.constant 2.48015876E-5 : f32
      %add3A_1089 = vector.broadcast %add3A_1088 : f32 to vector<16xf32>
      %add3A_1090 = arith.addf %mul3A_1087, %add3A_1089 : vector<16xf32>
      %mul3A_1091 = arith.mulf %add3A_1090, %add3A_1076 : vector<16xf32>
      %add3A_1092 = arith.constant -0.00138888892 : f32
      %add3A_1093 = vector.broadcast %add3A_1092 : f32 to vector<16xf32>
      %add3A_1094 = arith.addf %mul3A_1091, %add3A_1093 : vector<16xf32>
      %mul3A_1095 = arith.mulf %add3A_1094, %add3A_1076 : vector<16xf32>
      %add3A_1096 = arith.constant 0.0416666679 : f32
      %add3A_1097 = vector.broadcast %add3A_1096 : f32 to vector<16xf32>
      %add3A_1098 = arith.addf %mul3A_1095, %add3A_1097 : vector<16xf32>
      %mul3A_1099 = arith.mulf %add3A_1098, %add3A_1076 : vector<16xf32>
      %add3A_1100 = arith.constant -5.000000e-01 : f32
      %add3A_1101 = vector.broadcast %add3A_1100 : f32 to vector<16xf32>
      %add3A_1102 = arith.addf %mul3A_1099, %add3A_1101 : vector<16xf32>
      %mul3A_1103 = arith.mulf %add3A_1102, %add3A_1076 : vector<16xf32>
      %add3A_1104 = arith.constant 1.000000e+00 : f32
      %add3A_1105 = vector.broadcast %add3A_1104 : f32 to vector<16xf32>
      %add3A_1106 = arith.addf %mul3A_1103, %add3A_1105 : vector<16xf32>
      %broadcast_in_dim3A_1107 = arith.constant 1.60590444E-10 : f32
      %broadcast_in_dim3A_1108 = vector.broadcast %broadcast_in_dim3A_1107 : f32 to vector<16xf32>
      %mul3A_1109 = arith.mulf %broadcast_in_dim3A_1108, %add3A_1076 : vector<16xf32>
      %add3A_1110 = arith.constant -2.50521079E-8 : f32
      %add3A_1111 = vector.broadcast %add3A_1110 : f32 to vector<16xf32>
      %add3A_1112 = arith.addf %mul3A_1109, %add3A_1111 : vector<16xf32>
      %mul3A_1113 = arith.mulf %add3A_1112, %add3A_1076 : vector<16xf32>
      %add3A_1114 = arith.constant 2.75573188E-6 : f32
      %add3A_1115 = vector.broadcast %add3A_1114 : f32 to vector<16xf32>
      %add3A_1116 = arith.addf %mul3A_1113, %add3A_1115 : vector<16xf32>
      %mul3A_1117 = arith.mulf %add3A_1116, %add3A_1076 : vector<16xf32>
      %add3A_1118 = arith.constant -1.98412701E-4 : f32
      %add3A_1119 = vector.broadcast %add3A_1118 : f32 to vector<16xf32>
      %add3A_1120 = arith.addf %mul3A_1117, %add3A_1119 : vector<16xf32>
      %mul3A_1121 = arith.mulf %add3A_1120, %add3A_1076 : vector<16xf32>
      %add3A_1122 = arith.constant 0.00833333377 : f32
      %add3A_1123 = vector.broadcast %add3A_1122 : f32 to vector<16xf32>
      %add3A_1124 = arith.addf %mul3A_1121, %add3A_1123 : vector<16xf32>
      %mul3A_1125 = arith.mulf %add3A_1124, %add3A_1076 : vector<16xf32>
      %add3A_1126 = arith.constant -0.166666672 : f32
      %add3A_1127 = vector.broadcast %add3A_1126 : f32 to vector<16xf32>
      %add3A_1128 = arith.addf %mul3A_1125, %add3A_1127 : vector<16xf32>
      %mul3A_1129 = arith.mulf %add3A_1128, %add3A_1076 : vector<16xf32>
      %add3A_1130 = arith.constant 1.000000e+00 : f32
      %add3A_1131 = vector.broadcast %add3A_1130 : f32 to vector<16xf32>
      %add3A_1132 = arith.addf %mul3A_1129, %add3A_1131 : vector<16xf32>
      %broadcast_in_dim3A_1133 = arith.constant 1.14707454E-11 : f32
      %broadcast_in_dim3A_1134 = vector.broadcast %broadcast_in_dim3A_1133 : f32 to vector<16xf32>
      %mul3A_1135 = arith.mulf %broadcast_in_dim3A_1134, %add3A_1076 : vector<16xf32>
      %add3A_1136 = arith.constant -2.08767559E-9 : f32
      %add3A_1137 = vector.broadcast %add3A_1136 : f32 to vector<16xf32>
      %add3A_1138 = arith.addf %mul3A_1135, %add3A_1137 : vector<16xf32>
      %mul3A_1139 = arith.mulf %add3A_1138, %add3A_1076 : vector<16xf32>
      %add3A_1140 = arith.constant 2.755732E-7 : f32
      %add3A_1141 = vector.broadcast %add3A_1140 : f32 to vector<16xf32>
      %add3A_1142 = arith.addf %mul3A_1139, %add3A_1141 : vector<16xf32>
      %mul3A_1143 = arith.mulf %add3A_1142, %add3A_1076 : vector<16xf32>
      %add3A_1144 = arith.constant -2.48015876E-5 : f32
      %add3A_1145 = vector.broadcast %add3A_1144 : f32 to vector<16xf32>
      %add3A_1146 = arith.addf %mul3A_1143, %add3A_1145 : vector<16xf32>
      %mul3A_1147 = arith.mulf %add3A_1146, %add3A_1076 : vector<16xf32>
      %add3A_1148 = arith.constant 0.00138888892 : f32
      %add3A_1149 = vector.broadcast %add3A_1148 : f32 to vector<16xf32>
      %add3A_1150 = arith.addf %mul3A_1147, %add3A_1149 : vector<16xf32>
      %mul3A_1151 = arith.mulf %add3A_1150, %add3A_1076 : vector<16xf32>
      %add3A_1152 = arith.constant -0.0416666679 : f32
      %add3A_1153 = vector.broadcast %add3A_1152 : f32 to vector<16xf32>
      %add3A_1154 = arith.addf %mul3A_1151, %add3A_1153 : vector<16xf32>
      %mul3A_1155 = arith.mulf %add3A_1154, %add3A_1076 : vector<16xf32>
      %add3A_1156 = arith.constant 5.000000e-01 : f32
      %add3A_1157 = vector.broadcast %add3A_1156 : f32 to vector<16xf32>
      %add3A_1158 = arith.addf %mul3A_1155, %add3A_1157 : vector<16xf32>
      %mul3A_1159 = arith.mulf %add3A_1132, %gather3A_1065 : vector<16xf32>
      %mul3A_1160 = arith.mulf %add3A_1132, %gather3A_1068 : vector<16xf32>
      %mul3A_1161 = arith.mulf %add3A_1132, %gather3A_1071 : vector<16xf32>
      %mul3A_1162 = arith.mulf %add3A_1158, %gather3A_1065 : vector<16xf32>
      %mul3A_1163 = arith.mulf %add3A_1158, %gather3A_1068 : vector<16xf32>
      %mul3A_1164 = arith.mulf %add3A_1158, %gather3A_1071 : vector<16xf32>
      %mul3A_1165 = arith.mulf %mul3A_1162, %gather3A_1065 : vector<16xf32>
      %add3A_1166 = arith.addf %add3A_1106, %mul3A_1165 : vector<16xf32>
      %mul3A_1167 = arith.mulf %mul3A_1162, %gather3A_1068 : vector<16xf32>
      %sub3A_1168 = arith.subf %mul3A_1167, %mul3A_1161 : vector<16xf32>
      %mul3A_1169 = arith.mulf %mul3A_1162, %gather3A_1071 : vector<16xf32>
      %add3A_1170 = arith.addf %mul3A_1169, %mul3A_1160 : vector<16xf32>
      %mul3A_1171 = arith.mulf %mul3A_1162, %gather3A_1068 : vector<16xf32>
      %add3A_1172 = arith.addf %mul3A_1171, %mul3A_1161 : vector<16xf32>
      %mul3A_1173 = arith.mulf %mul3A_1163, %gather3A_1068 : vector<16xf32>
      %add3A_1174 = arith.addf %add3A_1106, %mul3A_1173 : vector<16xf32>
      %mul3A_1175 = arith.mulf %mul3A_1163, %gather3A_1071 : vector<16xf32>
      %sub3A_1176 = arith.subf %mul3A_1175, %mul3A_1159 : vector<16xf32>
      %mul3A_1177 = arith.mulf %mul3A_1162, %gather3A_1071 : vector<16xf32>
      %sub3A_1178 = arith.subf %mul3A_1177, %mul3A_1160 : vector<16xf32>
      %mul3A_1179 = arith.mulf %mul3A_1163, %gather3A_1071 : vector<16xf32>
      %add3A_1180 = arith.addf %mul3A_1179, %mul3A_1159 : vector<16xf32>
      %mul3A_1181 = arith.mulf %mul3A_1164, %gather3A_1071 : vector<16xf32>
      %add3A_1182 = arith.addf %add3A_1106, %mul3A_1181 : vector<16xf32>
      %mul3A_1183 = arith.constant 16 : i32
      %mul3A_1184 = arith.muli %scan3A_18, %mul3A_1183 : i32
      %swap3A_1185 = arith.constant 54 : i32
      %swap3A_1186 = arith.index_cast %swap3A_1185 : i32 to index
      %swap3A_1187 = arith.index_cast %mul3A_1184 : i32 to index
      %swap3A_1188 = tpu.vector_load %arg12[%swap3A_1186, %swap3A_1187] {strides = array<i32>} : memref<72x128xf32, #tpu.memory_space<vmem>>, vector<16xf32>,
      tpu.vector_store %arg12[%swap3A_1186, %swap3A_1187], %add3A_1166 {strides = array<i32>} : memref<72x128xf32, #tpu.memory_space<vmem>>, vector<16xf32>,
      %mul3A_1189 = arith.constant 16 : i32
      %mul3A_1190 = arith.muli %scan3A_18, %mul3A_1189 : i32
      %swap3A_1191 = arith.constant 55 : i32
      %swap3A_1192 = arith.index_cast %swap3A_1191 : i32 to index
      %swap3A_1193 = arith.index_cast %mul3A_1190 : i32 to index
      %swap3A_1194 = tpu.vector_load %arg12[%swap3A_1192, %swap3A_1193] {strides = array<i32>} : memref<72x128xf32, #tpu.memory_space<vmem>>, vector<16xf32>,
      tpu.vector_store %arg12[%swap3A_1192, %swap3A_1193], %sub3A_1168 {strides = array<i32>} : memref<72x128xf32, #tpu.memory_space<vmem>>, vector<16xf32>,
      %mul3A_1195 = arith.constant 16 : i32
      %mul3A_1196 = arith.muli %scan3A_18, %mul3A_1195 : i32
      %swap3A_1197 = arith.constant 56 : i32
      %swap3A_1198 = arith.index_cast %swap3A_1197 : i32 to index
      %swap3A_1199 = arith.index_cast %mul3A_1196 : i32 to index
      %swap3A_1200 = tpu.vector_load %arg12[%swap3A_1198, %swap3A_1199] {strides = array<i32>} : memref<72x128xf32, #tpu.memory_space<vmem>>, vector<16xf32>,
      tpu.vector_store %arg12[%swap3A_1198, %swap3A_1199], %add3A_1170 {strides = array<i32>} : memref<72x128xf32, #tpu.memory_space<vmem>>, vector<16xf32>,
      %mul3A_1201 = arith.constant 16 : i32
      %mul3A_1202 = arith.muli %scan3A_18, %mul3A_1201 : i32
      %swap3A_1203 = arith.constant 57 : i32
      %swap3A_1204 = arith.index_cast %swap3A_1203 : i32 to index
      %swap3A_1205 = arith.index_cast %mul3A_1202 : i32 to index
      %swap3A_1206 = tpu.vector_load %arg12[%swap3A_1204, %swap3A_1205] {strides = array<i32>} : memref<72x128xf32, #tpu.memory_space<vmem>>, vector<16xf32>,
      tpu.vector_store %arg12[%swap3A_1204, %swap3A_1205], %add3A_1172 {strides = array<i32>} : memref<72x128xf32, #tpu.memory_space<vmem>>, vector<16xf32>,
      %mul3A_1207 = arith.constant 16 : i32
      %mul3A_1208 = arith.muli %scan3A_18, %mul3A_1207 : i32
      %swap3A_1209 = arith.constant 58 : i32
      %swap3A_1210 = arith.index_cast %swap3A_1209 : i32 to index
      %swap3A_1211 = arith.index_cast %mul3A_1208 : i32 to index
      %swap3A_1212 = tpu.vector_load %arg12[%swap3A_1210, %swap3A_1211] {strides = array<i32>} : memref<72x128xf32, #tpu.memory_space<vmem>>, vector<16xf32>,
      tpu.vector_store %arg12[%swap3A_1210, %swap3A_1211], %add3A_1174 {strides = array<i32>} : memref<72x128xf32, #tpu.memory_space<vmem>>, vector<16xf32>,
      %mul3A_1213 = arith.constant 16 : i32
      %mul3A_1214 = arith.muli %scan3A_18, %mul3A_1213 : i32
      %swap3A_1215 = arith.constant 59 : i32
      %swap3A_1216 = arith.index_cast %swap3A_1215 : i32 to index
      %swap3A_1217 = arith.index_cast %mul3A_1214 : i32 to index
      %swap3A_1218 = tpu.vector_load %arg12[%swap3A_1216, %swap3A_1217] {strides = array<i32>} : memref<72x128xf32, #tpu.memory_space<vmem>>, vector<16xf32>,
      tpu.vector_store %arg12[%swap3A_1216, %swap3A_1217], %sub3A_1176 {strides = array<i32>} : memref<72x128xf32, #tpu.memory_space<vmem>>, vector<16xf32>,
      %mul3A_1219 = arith.constant 16 : i32
      %mul3A_1220 = arith.muli %scan3A_18, %mul3A_1219 : i32
      %swap3A_1221 = arith.constant 60 : i32
      %swap3A_1222 = arith.index_cast %swap3A_1221 : i32 to index
      %swap3A_1223 = arith.index_cast %mul3A_1220 : i32 to index
      %swap3A_1224 = tpu.vector_load %arg12[%swap3A_1222, %swap3A_1223] {strides = array<i32>} : memref<72x128xf32, #tpu.memory_space<vmem>>, vector<16xf32>,
      tpu.vector_store %arg12[%swap3A_1222, %swap3A_1223], %sub3A_1178 {strides = array<i32>} : memref<72x128xf32, #tpu.memory_space<vmem>>, vector<16xf32>,
      %mul3A_1225 = arith.constant 16 : i32
      %mul3A_1226 = arith.muli %scan3A_18, %mul3A_1225 : i32
      %swap3A_1227 = arith.constant 61 : i32
      %swap3A_1228 = arith.index_cast %swap3A_1227 : i32 to index
      %swap3A_1229 = arith.index_cast %mul3A_1226 : i32 to index
      %swap3A_1230 = tpu.vector_load %arg12[%swap3A_1228, %swap3A_1229] {strides = array<i32>} : memref<72x128xf32, #tpu.memory_space<vmem>>, vector<16xf32>,
      tpu.vector_store %arg12[%swap3A_1228, %swap3A_1229], %add3A_1180 {strides = array<i32>} : memref<72x128xf32, #tpu.memory_space<vmem>>, vector<16xf32>,
      %mul3A_1231 = arith.constant 16 : i32
      %mul3A_1232 = arith.muli %scan3A_18, %mul3A_1231 : i32
      %swap3A_1233 = arith.constant 62 : i32
      %swap3A_1234 = arith.index_cast %swap3A_1233 : i32 to index
      %swap3A_1235 = arith.index_cast %mul3A_1232 : i32 to index
      %swap3A_1236 = tpu.vector_load %arg12[%swap3A_1234, %swap3A_1235] {strides = array<i32>} : memref<72x128xf32, #tpu.memory_space<vmem>>, vector<16xf32>,
      tpu.vector_store %arg12[%swap3A_1234, %swap3A_1235], %add3A_1182 {strides = array<i32>} : memref<72x128xf32, #tpu.memory_space<vmem>>, vector<16xf32>,
      %broadcast_in_dim3A_1237 = arith.constant 21 : i32
      %broadcast_in_dim3A_1238 = vector.broadcast %broadcast_in_dim3A_1237 : i32 to vector<16xi32>
      %gather3A_1239 = tpu.vector_load_idx %arg10[%add3A_22, %broadcast_in_dim3A_1238] : memref<128x64xf32, #tpu.memory_space<vmem>>[vector<16xi32>, vector<16xi32>], vector<16xf32>,
      %broadcast_in_dim3A_1240 = arith.constant 22 : i32
      %broadcast_in_dim3A_1241 = vector.broadcast %broadcast_in_dim3A_1240 : i32 to vector<16xi32>
      %gather3A_1242 = tpu.vector_load_idx %arg10[%add3A_22, %broadcast_in_dim3A_1241] : memref<128x64xf32, #tpu.memory_space<vmem>>[vector<16xi32>, vector<16xi32>], vector<16xf32>,
      %broadcast_in_dim3A_1243 = arith.constant 23 : i32
      %broadcast_in_dim3A_1244 = vector.broadcast %broadcast_in_dim3A_1243 : i32 to vector<16xi32>
      %gather3A_1245 = tpu.vector_load_idx %arg10[%add3A_22, %broadcast_in_dim3A_1244] : memref<128x64xf32, #tpu.memory_space<vmem>>[vector<16xi32>, vector<16xi32>], vector<16xf32>,
      %mul3A_1246 = arith.mulf %gather3A_1239, %gather3A_1239 : vector<16xf32>
      %mul3A_1247 = arith.mulf %gather3A_1242, %gather3A_1242 : vector<16xf32>
      %add3A_1248 = arith.addf %mul3A_1246, %mul3A_1247 : vector<16xf32>
      %mul3A_1249 = arith.mulf %gather3A_1245, %gather3A_1245 : vector<16xf32>
      %add3A_1250 = arith.addf %add3A_1248, %mul3A_1249 : vector<16xf32>
      %broadcast_in_dim3A_1251 = arith.constant -1.14707454E-11 : f32
      %broadcast_in_dim3A_1252 = vector.broadcast %broadcast_in_dim3A_1251 : f32 to vector<16xf32>
      %mul3A_1253 = arith.mulf %broadcast_in_dim3A_1252, %add3A_1250 : vector<16xf32>
      %add3A_1254 = arith.constant 2.08767559E-9 : f32
      %add3A_1255 = vector.broadcast %add3A_1254 : f32 to vector<16xf32>
      %add3A_1256 = arith.addf %mul3A_1253, %add3A_1255 : vector<16xf32>
      %mul3A_1257 = arith.mulf %add3A_1256, %add3A_1250 : vector<16xf32>
      %add3A_1258 = arith.constant -2.755732E-7 : f32
      %add3A_1259 = vector.broadcast %add3A_1258 : f32 to vector<16xf32>
      %add3A_1260 = arith.addf %mul3A_1257, %add3A_1259 : vector<16xf32>
      %mul3A_1261 = arith.mulf %add3A_1260, %add3A_1250 : vector<16xf32>
      %add3A_1262 = arith.constant 2.48015876E-5 : f32
      %add3A_1263 = vector.broadcast %add3A_1262 : f32 to vector<16xf32>
      %add3A_1264 = arith.addf %mul3A_1261, %add3A_1263 : vector<16xf32>
      %mul3A_1265 = arith.mulf %add3A_1264, %add3A_1250 : vector<16xf32>
      %add3A_1266 = arith.constant -0.00138888892 : f32
      %add3A_1267 = vector.broadcast %add3A_1266 : f32 to vector<16xf32>
      %add3A_1268 = arith.addf %mul3A_1265, %add3A_1267 : vector<16xf32>
      %mul3A_1269 = arith.mulf %add3A_1268, %add3A_1250 : vector<16xf32>
      %add3A_1270 = arith.constant 0.0416666679 : f32
      %add3A_1271 = vector.broadcast %add3A_1270 : f32 to vector<16xf32>
      %add3A_1272 = arith.addf %mul3A_1269, %add3A_1271 : vector<16xf32>
      %mul3A_1273 = arith.mulf %add3A_1272, %add3A_1250 : vector<16xf32>
      %add3A_1274 = arith.constant -5.000000e-01 : f32
      %add3A_1275 = vector.broadcast %add3A_1274 : f32 to vector<16xf32>
      %add3A_1276 = arith.addf %mul3A_1273, %add3A_1275 : vector<16xf32>
      %mul3A_1277 = arith.mulf %add3A_1276, %add3A_1250 : vector<16xf32>
      %add3A_1278 = arith.constant 1.000000e+00 : f32
      %add3A_1279 = vector.broadcast %add3A_1278 : f32 to vector<16xf32>
      %add3A_1280 = arith.addf %mul3A_1277, %add3A_1279 : vector<16xf32>
      %broadcast_in_dim3A_1281 = arith.constant 1.60590444E-10 : f32
      %broadcast_in_dim3A_1282 = vector.broadcast %broadcast_in_dim3A_1281 : f32 to vector<16xf32>
      %mul3A_1283 = arith.mulf %broadcast_in_dim3A_1282, %add3A_1250 : vector<16xf32>
      %add3A_1284 = arith.constant -2.50521079E-8 : f32
      %add3A_1285 = vector.broadcast %add3A_1284 : f32 to vector<16xf32>
      %add3A_1286 = arith.addf %mul3A_1283, %add3A_1285 : vector<16xf32>
      %mul3A_1287 = arith.mulf %add3A_1286, %add3A_1250 : vector<16xf32>
      %add3A_1288 = arith.constant 2.75573188E-6 : f32
      %add3A_1289 = vector.broadcast %add3A_1288 : f32 to vector<16xf32>
      %add3A_1290 = arith.addf %mul3A_1287, %add3A_1289 : vector<16xf32>
      %mul3A_1291 = arith.mulf %add3A_1290, %add3A_1250 : vector<16xf32>
      %add3A_1292 = arith.constant -1.98412701E-4 : f32
      %add3A_1293 = vector.broadcast %add3A_1292 : f32 to vector<16xf32>
      %add3A_1294 = arith.addf %mul3A_1291, %add3A_1293 : vector<16xf32>
      %mul3A_1295 = arith.mulf %add3A_1294, %add3A_1250 : vector<16xf32>
      %add3A_1296 = arith.constant 0.00833333377 : f32
      %add3A_1297 = vector.broadcast %add3A_1296 : f32 to vector<16xf32>
      %add3A_1298 = arith.addf %mul3A_1295, %add3A_1297 : vector<16xf32>
      %mul3A_1299 = arith.mulf %add3A_1298, %add3A_1250 : vector<16xf32>
      %add3A_1300 = arith.constant -0.166666672 : f32
      %add3A_1301 = vector.broadcast %add3A_1300 : f32 to vector<16xf32>
      %add3A_1302 = arith.addf %mul3A_1299, %add3A_1301 : vector<16xf32>
      %mul3A_1303 = arith.mulf %add3A_1302, %add3A_1250 : vector<16xf32>
      %add3A_1304 = arith.constant 1.000000e+00 : f32
      %add3A_1305 = vector.broadcast %add3A_1304 : f32 to vector<16xf32>
      %add3A_1306 = arith.addf %mul3A_1303, %add3A_1305 : vector<16xf32>
      %broadcast_in_dim3A_1307 = arith.constant 1.14707454E-11 : f32
      %broadcast_in_dim3A_1308 = vector.broadcast %broadcast_in_dim3A_1307 : f32 to vector<16xf32>
      %mul3A_1309 = arith.mulf %broadcast_in_dim3A_1308, %add3A_1250 : vector<16xf32>
      %add3A_1310 = arith.constant -2.08767559E-9 : f32
      %add3A_1311 = vector.broadcast %add3A_1310 : f32 to vector<16xf32>
      %add3A_1312 = arith.addf %mul3A_1309, %add3A_1311 : vector<16xf32>
      %mul3A_1313 = arith.mulf %add3A_1312, %add3A_1250 : vector<16xf32>
      %add3A_1314 = arith.constant 2.755732E-7 : f32
      %add3A_1315 = vector.broadcast %add3A_1314 : f32 to vector<16xf32>
      %add3A_1316 = arith.addf %mul3A_1313, %add3A_1315 : vector<16xf32>
      %mul3A_1317 = arith.mulf %add3A_1316, %add3A_1250 : vector<16xf32>
      %add3A_1318 = arith.constant -2.48015876E-5 : f32
      %add3A_1319 = vector.broadcast %add3A_1318 : f32 to vector<16xf32>
      %add3A_1320 = arith.addf %mul3A_1317, %add3A_1319 : vector<16xf32>
      %mul3A_1321 = arith.mulf %add3A_1320, %add3A_1250 : vector<16xf32>
      %add3A_1322 = arith.constant 0.00138888892 : f32
      %add3A_1323 = vector.broadcast %add3A_1322 : f32 to vector<16xf32>
      %add3A_1324 = arith.addf %mul3A_1321, %add3A_1323 : vector<16xf32>
      %mul3A_1325 = arith.mulf %add3A_1324, %add3A_1250 : vector<16xf32>
      %add3A_1326 = arith.constant -0.0416666679 : f32
      %add3A_1327 = vector.broadcast %add3A_1326 : f32 to vector<16xf32>
      %add3A_1328 = arith.addf %mul3A_1325, %add3A_1327 : vector<16xf32>
      %mul3A_1329 = arith.mulf %add3A_1328, %add3A_1250 : vector<16xf32>
      %add3A_1330 = arith.constant 5.000000e-01 : f32
      %add3A_1331 = vector.broadcast %add3A_1330 : f32 to vector<16xf32>
      %add3A_1332 = arith.addf %mul3A_1329, %add3A_1331 : vector<16xf32>
      %mul3A_1333 = arith.mulf %add3A_1306, %gather3A_1239 : vector<16xf32>
      %mul3A_1334 = arith.mulf %add3A_1306, %gather3A_1242 : vector<16xf32>
      %mul3A_1335 = arith.mulf %add3A_1306, %gather3A_1245 : vector<16xf32>
      %mul3A_1336 = arith.mulf %add3A_1332, %gather3A_1239 : vector<16xf32>
      %mul3A_1337 = arith.mulf %add3A_1332, %gather3A_1242 : vector<16xf32>
      %mul3A_1338 = arith.mulf %add3A_1332, %gather3A_1245 : vector<16xf32>
      %mul3A_1339 = arith.mulf %mul3A_1336, %gather3A_1239 : vector<16xf32>
      %add3A_1340 = arith.addf %add3A_1280, %mul3A_1339 : vector<16xf32>
      %mul3A_1341 = arith.mulf %mul3A_1336, %gather3A_1242 : vector<16xf32>
      %sub3A_1342 = arith.subf %mul3A_1341, %mul3A_1335 : vector<16xf32>
      %mul3A_1343 = arith.mulf %mul3A_1336, %gather3A_1245 : vector<16xf32>
      %add3A_1344 = arith.addf %mul3A_1343, %mul3A_1334 : vector<16xf32>
      %mul3A_1345 = arith.mulf %mul3A_1336, %gather3A_1242 : vector<16xf32>
      %add3A_1346 = arith.addf %mul3A_1345, %mul3A_1335 : vector<16xf32>
      %mul3A_1347 = arith.mulf %mul3A_1337, %gather3A_1242 : vector<16xf32>
      %add3A_1348 = arith.addf %add3A_1280, %mul3A_1347 : vector<16xf32>
      %mul3A_1349 = arith.mulf %mul3A_1337, %gather3A_1245 : vector<16xf32>
      %sub3A_1350 = arith.subf %mul3A_1349, %mul3A_1333 : vector<16xf32>
      %mul3A_1351 = arith.mulf %mul3A_1336, %gather3A_1245 : vector<16xf32>
      %sub3A_1352 = arith.subf %mul3A_1351, %mul3A_1334 : vector<16xf32>
      %mul3A_1353 = arith.mulf %mul3A_1337, %gather3A_1245 : vector<16xf32>
      %add3A_1354 = arith.addf %mul3A_1353, %mul3A_1333 : vector<16xf32>
      %mul3A_1355 = arith.mulf %mul3A_1338, %gather3A_1245 : vector<16xf32>
      %add3A_1356 = arith.addf %add3A_1280, %mul3A_1355 : vector<16xf32>
      %mul3A_1357 = arith.constant 16 : i32
      %mul3A_1358 = arith.muli %scan3A_18, %mul3A_1357 : i32
      %swap3A_1359 = arith.constant 63 : i32
      %swap3A_1360 = arith.index_cast %swap3A_1359 : i32 to index
      %swap3A_1361 = arith.index_cast %mul3A_1358 : i32 to index
      %swap3A_1362 = tpu.vector_load %arg12[%swap3A_1360, %swap3A_1361] {strides = array<i32>} : memref<72x128xf32, #tpu.memory_space<vmem>>, vector<16xf32>,
      tpu.vector_store %arg12[%swap3A_1360, %swap3A_1361], %add3A_1340 {strides = array<i32>} : memref<72x128xf32, #tpu.memory_space<vmem>>, vector<16xf32>,
      %mul3A_1363 = arith.constant 16 : i32
      %mul3A_1364 = arith.muli %scan3A_18, %mul3A_1363 : i32
      %swap3A_1365 = arith.constant 64 : i32
      %swap3A_1366 = arith.index_cast %swap3A_1365 : i32 to index
      %swap3A_1367 = arith.index_cast %mul3A_1364 : i32 to index
      %swap3A_1368 = tpu.vector_load %arg12[%swap3A_1366, %swap3A_1367] {strides = array<i32>} : memref<72x128xf32, #tpu.memory_space<vmem>>, vector<16xf32>,
      tpu.vector_store %arg12[%swap3A_1366, %swap3A_1367], %sub3A_1342 {strides = array<i32>} : memref<72x128xf32, #tpu.memory_space<vmem>>, vector<16xf32>,
      %mul3A_1369 = arith.constant 16 : i32
      %mul3A_1370 = arith.muli %scan3A_18, %mul3A_1369 : i32
      %swap3A_1371 = arith.constant 65 : i32
      %swap3A_1372 = arith.index_cast %swap3A_1371 : i32 to index
      %swap3A_1373 = arith.index_cast %mul3A_1370 : i32 to index
      %swap3A_1374 = tpu.vector_load %arg12[%swap3A_1372, %swap3A_1373] {strides = array<i32>} : memref<72x128xf32, #tpu.memory_space<vmem>>, vector<16xf32>,
      tpu.vector_store %arg12[%swap3A_1372, %swap3A_1373], %add3A_1344 {strides = array<i32>} : memref<72x128xf32, #tpu.memory_space<vmem>>, vector<16xf32>,
      %mul3A_1375 = arith.constant 16 : i32
      %mul3A_1376 = arith.muli %scan3A_18, %mul3A_1375 : i32
      %swap3A_1377 = arith.constant 66 : i32
      %swap3A_1378 = arith.index_cast %swap3A_1377 : i32 to index
      %swap3A_1379 = arith.index_cast %mul3A_1376 : i32 to index
      %swap3A_1380 = tpu.vector_load %arg12[%swap3A_1378, %swap3A_1379] {strides = array<i32>} : memref<72x128xf32, #tpu.memory_space<vmem>>, vector<16xf32>,
      tpu.vector_store %arg12[%swap3A_1378, %swap3A_1379], %add3A_1346 {strides = array<i32>} : memref<72x128xf32, #tpu.memory_space<vmem>>, vector<16xf32>,
      %mul3A_1381 = arith.constant 16 : i32
      %mul3A_1382 = arith.muli %scan3A_18, %mul3A_1381 : i32
      %swap3A_1383 = arith.constant 67 : i32
      %swap3A_1384 = arith.index_cast %swap3A_1383 : i32 to index
      %swap3A_1385 = arith.index_cast %mul3A_1382 : i32 to index
      %swap3A_1386 = tpu.vector_load %arg12[%swap3A_1384, %swap3A_1385] {strides = array<i32>} : memref<72x128xf32, #tpu.memory_space<vmem>>, vector<16xf32>,
      tpu.vector_store %arg12[%swap3A_1384, %swap3A_1385], %add3A_1348 {strides = array<i32>} : memref<72x128xf32, #tpu.memory_space<vmem>>, vector<16xf32>,
      %mul3A_1387 = arith.constant 16 : i32
      %mul3A_1388 = arith.muli %scan3A_18, %mul3A_1387 : i32
      %swap3A_1389 = arith.constant 68 : i32
      %swap3A_1390 = arith.index_cast %swap3A_1389 : i32 to index
      %swap3A_1391 = arith.index_cast %mul3A_1388 : i32 to index
      %swap3A_1392 = tpu.vector_load %arg12[%swap3A_1390, %swap3A_1391] {strides = array<i32>} : memref<72x128xf32, #tpu.memory_space<vmem>>, vector<16xf32>,
      tpu.vector_store %arg12[%swap3A_1390, %swap3A_1391], %sub3A_1350 {strides = array<i32>} : memref<72x128xf32, #tpu.memory_space<vmem>>, vector<16xf32>,
      %mul3A_1393 = arith.constant 16 : i32
      %mul3A_1394 = arith.muli %scan3A_18, %mul3A_1393 : i32
      %swap3A_1395 = arith.constant 69 : i32
      %swap3A_1396 = arith.index_cast %swap3A_1395 : i32 to index
      %swap3A_1397 = arith.index_cast %mul3A_1394 : i32 to index
      %swap3A_1398 = tpu.vector_load %arg12[%swap3A_1396, %swap3A_1397] {strides = array<i32>} : memref<72x128xf32, #tpu.memory_space<vmem>>, vector<16xf32>,
      tpu.vector_store %arg12[%swap3A_1396, %swap3A_1397], %sub3A_1352 {strides = array<i32>} : memref<72x128xf32, #tpu.memory_space<vmem>>, vector<16xf32>,
      %mul3A_1399 = arith.constant 16 : i32
      %mul3A_1400 = arith.muli %scan3A_18, %mul3A_1399 : i32
      %swap3A_1401 = arith.constant 70 : i32
      %swap3A_1402 = arith.index_cast %swap3A_1401 : i32 to index
      %swap3A_1403 = arith.index_cast %mul3A_1400 : i32 to index
      %swap3A_1404 = tpu.vector_load %arg12[%swap3A_1402, %swap3A_1403] {strides = array<i32>} : memref<72x128xf32, #tpu.memory_space<vmem>>, vector<16xf32>,
      tpu.vector_store %arg12[%swap3A_1402, %swap3A_1403], %add3A_1354 {strides = array<i32>} : memref<72x128xf32, #tpu.memory_space<vmem>>, vector<16xf32>,
      %mul3A_1405 = arith.constant 16 : i32
      %mul3A_1406 = arith.muli %scan3A_18, %mul3A_1405 : i32
      %swap3A_1407 = arith.constant 71 : i32
      %swap3A_1408 = arith.index_cast %swap3A_1407 : i32 to index
      %swap3A_1409 = arith.index_cast %mul3A_1406 : i32 to index
      %swap3A_1410 = tpu.vector_load %arg12[%swap3A_1408, %swap3A_1409] {strides = array<i32>} : memref<72x128xf32, #tpu.memory_space<vmem>>, vector<16xf32>,
      tpu.vector_store %arg12[%swap3A_1408, %swap3A_1409], %add3A_1356 {strides = array<i32>} : memref<72x128xf32, #tpu.memory_space<vmem>>, vector<16xf32>,
    }
    %scan3A_14 = arith.constant 8 : i32
    "tpu.region"() ({
      %run_scoped3A = tpu.sem_alloc : memref<!tpu.dma_semaphore, #tpu.memory_space<semaphore_mem>>
      %dma_start3A_18 = arith.constant 0 : i32
      %dma_start3A_19 = arith.constant 0 : i32
      %dma_start3A_20 = tpu.memref_slice %arg5[%add3A, %dma_start3A_18, %dma_start3A_19] : memref<32x72x128xf32, #tpu.memory_space<hbm>> -> memref<1x72x128xf32, #tpu.memory_space<hbm>>
      %dma_start3A_21 = tpu.memref_squeeze %dma_start3A_20 : memref<1x72x128xf32, #tpu.memory_space<hbm>> -> memref<72x128xf32, #tpu.memory_space<hbm>>
      %dma_start3A_22 = arith.constant 0 : i32
      %dma_start3A_23 = arith.constant 0 : i32
      %dma_start3A_24 = tpu.memref_slice %arg5[%add3A, %dma_start3A_22, %dma_start3A_23] : memref<32x72x128xf32, #tpu.memory_space<hbm>> -> memref<1x72x128xf32, #tpu.memory_space<hbm>>
      %dma_start3A_25 = tpu.memref_squeeze %dma_start3A_24 : memref<1x72x128xf32, #tpu.memory_space<hbm>> -> memref<72x128xf32, #tpu.memory_space<hbm>>
      tpu.enqueue_dma source(%arg12 : memref<72x128xf32, #tpu.memory_space<vmem>>) target(%dma_start3A_25 : memref<72x128xf32, #tpu.memory_space<hbm>>) target_semaphore(%run_scoped3A : memref<!tpu.dma_semaphore, #tpu.memory_space<semaphore_mem>>)
      %dma_wait3A_26 = arith.constant 0 : i32
      %dma_wait3A_27 = arith.constant 0 : i32
      %dma_wait3A_28 = tpu.memref_slice %arg5[%add3A, %dma_wait3A_26, %dma_wait3A_27] : memref<32x72x128xf32, #tpu.memory_space<hbm>> -> memref<1x72x128xf32, #tpu.memory_space<hbm>>
      %dma_wait3A_29 = tpu.memref_squeeze %dma_wait3A_28 : memref<1x72x128xf32, #tpu.memory_space<hbm>> -> memref<72x128xf32, #tpu.memory_space<hbm>>
      %dma_wait3A_30 = arith.constant 0 : i32
      %dma_wait3A_31 = arith.constant 0 : i32
      %dma_wait3A_32 = tpu.memref_slice %arg5[%add3A, %dma_wait3A_30, %dma_wait3A_31] : memref<32x72x128xf32, #tpu.memory_space<hbm>> -> memref<1x72x128xf32, #tpu.memory_space<hbm>>
      %dma_wait3A_33 = tpu.memref_squeeze %dma_wait3A_32 : memref<1x72x128xf32, #tpu.memory_space<hbm>> -> memref<72x128xf32, #tpu.memory_space<hbm>>
      tpu.wait_dma2 semaphore(%run_scoped3A : memref<!tpu.dma_semaphore, #tpu.memory_space<semaphore_mem>>) src(%arg12 : memref<72x128xf32, #tpu.memory_space<vmem>>) dst(%dma_wait3A_33 : memref<72x128xf32, #tpu.memory_space<hbm>>)
      tpu.yield
    }) : () -> ()
    "tpu.region"() ({
      %run_scoped3A = tpu.sem_alloc : memref<!tpu.dma_semaphore, #tpu.memory_space<semaphore_mem>>
      %dma_start3A_18 = arith.constant 0 : i32
      %dma_start3A_19 = arith.constant 24 : i32
      %dma_start3A_20 = tpu.memref_slice %arg10[%dma_start3A_18, %dma_start3A_19] : memref<128x64xf32, #tpu.memory_space<vmem>> -> memref<128x8xf32, #tpu.memory_space<vmem>>
      %dma_start3A_21 = arith.constant 0 : i32
      %dma_start3A_22 = tpu.memref_slice %arg6[%mul3A_2, %dma_start3A_21] : memref<4096x8xf32, #tpu.memory_space<hbm>> -> memref<128x8xf32, #tpu.memory_space<hbm>>
      %dma_start3A_23 = arith.constant 0 : i32
      %dma_start3A_24 = tpu.memref_slice %arg6[%mul3A_2, %dma_start3A_23] : memref<4096x8xf32, #tpu.memory_space<hbm>> -> memref<128x8xf32, #tpu.memory_space<hbm>>
      %dma_start3A_25 = arith.constant 0 : i32
      %dma_start3A_26 = arith.constant 24 : i32
      %dma_start3A_27 = tpu.memref_slice %arg10[%dma_start3A_25, %dma_start3A_26] : memref<128x64xf32, #tpu.memory_space<vmem>> -> memref<128x8xf32, #tpu.memory_space<vmem>>
      tpu.enqueue_dma source(%dma_start3A_27 : memref<128x8xf32, #tpu.memory_space<vmem>>) target(%dma_start3A_24 : memref<128x8xf32, #tpu.memory_space<hbm>>) target_semaphore(%run_scoped3A : memref<!tpu.dma_semaphore, #tpu.memory_space<semaphore_mem>>)
      %dma_wait3A_28 = arith.constant 0 : i32
      %dma_wait3A_29 = arith.constant 24 : i32
      %dma_wait3A_30 = tpu.memref_slice %arg10[%dma_wait3A_28, %dma_wait3A_29] : memref<128x64xf32, #tpu.memory_space<vmem>> -> memref<128x8xf32, #tpu.memory_space<vmem>>
      %dma_wait3A_31 = arith.constant 0 : i32
      %dma_wait3A_32 = tpu.memref_slice %arg6[%mul3A_2, %dma_wait3A_31] : memref<4096x8xf32, #tpu.memory_space<hbm>> -> memref<128x8xf32, #tpu.memory_space<hbm>>
      %dma_wait3A_33 = arith.constant 0 : i32
      %dma_wait3A_34 = tpu.memref_slice %arg6[%mul3A_2, %dma_wait3A_33] : memref<4096x8xf32, #tpu.memory_space<hbm>> -> memref<128x8xf32, #tpu.memory_space<hbm>>
      %dma_wait3A_35 = arith.constant 0 : i32
      %dma_wait3A_36 = arith.constant 24 : i32
      %dma_wait3A_37 = tpu.memref_slice %arg10[%dma_wait3A_35, %dma_wait3A_36] : memref<128x64xf32, #tpu.memory_space<vmem>> -> memref<128x8xf32, #tpu.memory_space<vmem>>
      tpu.wait_dma2 semaphore(%run_scoped3A : memref<!tpu.dma_semaphore, #tpu.memory_space<semaphore_mem>>) src(%dma_wait3A_37 : memref<128x8xf32, #tpu.memory_space<vmem>>) dst(%dma_wait3A_34 : memref<128x8xf32, #tpu.memory_space<hbm>>)
      tpu.yield
    }) : () -> ()
    "tpu.region"() ({
      %run_scoped3A = tpu.sem_alloc : memref<!tpu.dma_semaphore, #tpu.memory_space<semaphore_mem>>
      %dma_start3A_18 = arith.constant 0 : i32
      %dma_start3A_19 = arith.constant 32 : i32
      %dma_start3A_20 = tpu.memref_slice %arg10[%dma_start3A_18, %dma_start3A_19] : memref<128x64xf32, #tpu.memory_space<vmem>> -> memref<128x32xf32, #tpu.memory_space<vmem>>
      %dma_start3A_21 = arith.constant 0 : i32
      %dma_start3A_22 = tpu.memref_slice %arg8[%mul3A_2, %dma_start3A_21] : memref<4096x32xf32, #tpu.memory_space<hbm>> -> memref<128x32xf32, #tpu.memory_space<hbm>>
      %dma_start3A_23 = arith.constant 0 : i32
      %dma_start3A_24 = tpu.memref_slice %arg8[%mul3A_2, %dma_start3A_23] : memref<4096x32xf32, #tpu.memory_space<hbm>> -> memref<128x32xf32, #tpu.memory_space<hbm>>
      %dma_start3A_25 = arith.constant 0 : i32
      %dma_start3A_26 = arith.constant 32 : i32
      %dma_start3A_27 = tpu.memref_slice %arg10[%dma_start3A_25, %dma_start3A_26] : memref<128x64xf32, #tpu.memory_space<vmem>> -> memref<128x32xf32, #tpu.memory_space<vmem>>
      tpu.enqueue_dma source(%dma_start3A_27 : memref<128x32xf32, #tpu.memory_space<vmem>>) target(%dma_start3A_24 : memref<128x32xf32, #tpu.memory_space<hbm>>) target_semaphore(%run_scoped3A : memref<!tpu.dma_semaphore, #tpu.memory_space<semaphore_mem>>)
      %dma_wait3A_28 = arith.constant 0 : i32
      %dma_wait3A_29 = arith.constant 32 : i32
      %dma_wait3A_30 = tpu.memref_slice %arg10[%dma_wait3A_28, %dma_wait3A_29] : memref<128x64xf32, #tpu.memory_space<vmem>> -> memref<128x32xf32, #tpu.memory_space<vmem>>
      %dma_wait3A_31 = arith.constant 0 : i32
      %dma_wait3A_32 = tpu.memref_slice %arg8[%mul3A_2, %dma_wait3A_31] : memref<4096x32xf32, #tpu.memory_space<hbm>> -> memref<128x32xf32, #tpu.memory_space<hbm>>
      %dma_wait3A_33 = arith.constant 0 : i32
      %dma_wait3A_34 = tpu.memref_slice %arg8[%mul3A_2, %dma_wait3A_33] : memref<4096x32xf32, #tpu.memory_space<hbm>> -> memref<128x32xf32, #tpu.memory_space<hbm>>
      %dma_wait3A_35 = arith.constant 0 : i32
      %dma_wait3A_36 = arith.constant 32 : i32
      %dma_wait3A_37 = tpu.memref_slice %arg10[%dma_wait3A_35, %dma_wait3A_36] : memref<128x64xf32, #tpu.memory_space<vmem>> -> memref<128x32xf32, #tpu.memory_space<vmem>>
      tpu.wait_dma2 semaphore(%run_scoped3A : memref<!tpu.dma_semaphore, #tpu.memory_space<semaphore_mem>>) src(%dma_wait3A_37 : memref<128x32xf32, #tpu.memory_space<vmem>>) dst(%dma_wait3A_34 : memref<128x32xf32, #tpu.memory_space<hbm>>)
      tpu.yield
    }) : () -> ()
    %dma_wait3A_15 = arith.constant 0 : i32
    %dma_wait3A_16 = arith.constant 0 : i32
    %dma_wait3A_17 = tpu.memref_slice %arg3[%dma_wait3A_15, %dma_wait3A_16] : memref<100000x104xf32, #tpu.memory_space<hbm>> -> memref<100000x104xf32, #tpu.memory_space<hbm>>
    tpu.wait_indirect_dma semaphore(%arg14 : memref<!tpu.dma_semaphore, #tpu.memory_space<semaphore_mem>>) src(%dma_wait3A_17 : memref<100000x104xf32, #tpu.memory_space<hbm>>) dst(%arg11 : memref<128x104xf32, #tpu.memory_space<vmem>>)
    "tpu.region"() ({
      %run_scoped3A = tpu.sem_alloc : memref<!tpu.dma_semaphore, #tpu.memory_space<semaphore_mem>>
      %dma_start3A_18 = arith.constant 0 : i32
      %dma_start3A_19 = tpu.memref_slice %arg7[%mul3A_2, %dma_start3A_18] : memref<4096x104xf32, #tpu.memory_space<hbm>> -> memref<128x104xf32, #tpu.memory_space<hbm>>
      %dma_start3A_20 = arith.constant 0 : i32
      %dma_start3A_21 = tpu.memref_slice %arg7[%mul3A_2, %dma_start3A_20] : memref<4096x104xf32, #tpu.memory_space<hbm>> -> memref<128x104xf32, #tpu.memory_space<hbm>>
      tpu.enqueue_dma source(%arg11 : memref<128x104xf32, #tpu.memory_space<vmem>>) target(%dma_start3A_21 : memref<128x104xf32, #tpu.memory_space<hbm>>) target_semaphore(%run_scoped3A : memref<!tpu.dma_semaphore, #tpu.memory_space<semaphore_mem>>)
      %dma_wait3A_22 = arith.constant 0 : i32
      %dma_wait3A_23 = tpu.memref_slice %arg7[%mul3A_2, %dma_wait3A_22] : memref<4096x104xf32, #tpu.memory_space<hbm>> -> memref<128x104xf32, #tpu.memory_space<hbm>>
      %dma_wait3A_24 = arith.constant 0 : i32
      %dma_wait3A_25 = tpu.memref_slice %arg7[%mul3A_2, %dma_wait3A_24] : memref<4096x104xf32, #tpu.memory_space<hbm>> -> memref<128x104xf32, #tpu.memory_space<hbm>>
      tpu.wait_dma2 semaphore(%run_scoped3A : memref<!tpu.dma_semaphore, #tpu.memory_space<semaphore_mem>>) src(%arg11 : memref<128x104xf32, #tpu.memory_space<vmem>>) dst(%dma_wait3A_25 : memref<128x104xf32, #tpu.memory_space<hbm>>)
      tpu.yield
    }) : () -> ()
    return
  }
}

module attributes {stable_mosaic.version = 14 : i64} {
  func.func @_tc_merge_body(%arg0: i32, %arg1: memref<9x55x128xf32, #tpu.memory_space<vmem>>, %arg2: memref<1x72x128xf32, #tpu.memory_space<vmem>>, %arg3: memref<9x55x128xf32, #tpu.memory_space<vmem>>) attributes {dimension_semantics = [#tpu.dimension_semantics<arbitrary>], iteration_bounds = array<i64: 32>, scalar_prefetch = 0 : i64, scratch_operands = 0 : i64, tpu.core_type = #tpu.core_type<tc>, window_params = [{transform_indices = @transform_0, window_bounds = array<i64: 9, 55, 128>}, {transform_indices = @transform_1, window_bounds = array<i64: 1, 72, 128>}, {transform_indices = @transform_2, window_bounds = array<i64: 9, 55, 128>}]} {
    %get3A = arith.constant 0 : index
    %get3A_0 = arith.constant 0 : index
    %get3A_1 = arith.constant 0 : index
    %get3A_2 = vector.load %arg1[%get3A, %get3A_0, %get3A_1] : memref<9x55x128xf32, #tpu.memory_space<vmem>>, vector<9x55x128xf32>
    %swap3A = arith.constant 0 : index
    %swap3A_3 = arith.constant 0 : index
    %swap3A_4 = arith.constant 0 : index
    %swap3A_5 = vector.load %arg3[%swap3A, %swap3A_3, %swap3A_4] : memref<9x55x128xf32, #tpu.memory_space<vmem>>, vector<9x55x128xf32>
    tpu.vector_store %arg3[%swap3A, %swap3A_3, %swap3A_4], %get3A_2 {strides = array<i32>} : memref<9x55x128xf32, #tpu.memory_space<vmem>>, vector<9x55x128xf32>,
    %get3A_6 = arith.constant 0 : index
    %get3A_7 = arith.constant 0 : index
    %get3A_8 = arith.constant 0 : index
    %get3A_9 = vector.load %arg2[%get3A_6, %get3A_7, %get3A_8] : memref<1x72x128xf32, #tpu.memory_space<vmem>>, vector<1x1x128xf32>
    %get3A_10 = vector.shape_cast %get3A_9 : vector<1x1x128xf32> to vector<128xf32>
    %swap3A_11 = arith.constant 0 : index
    %swap3A_12 = arith.constant 0 : index
    %swap3A_13 = arith.constant 0 : index
    %swap3A_14 = vector.load %arg3[%swap3A_11, %swap3A_12, %swap3A_13] : memref<9x55x128xf32, #tpu.memory_space<vmem>>, vector<1x1x128xf32>
    %swap3A_15 = vector.shape_cast %swap3A_14 : vector<1x1x128xf32> to vector<128xf32>
    %swap3A_16 = vector.shape_cast %get3A_10 : vector<128xf32> to vector<1x1x128xf32>
    tpu.vector_store %arg3[%swap3A_11, %swap3A_12, %swap3A_13], %swap3A_16 {strides = array<i32>} : memref<9x55x128xf32, #tpu.memory_space<vmem>>, vector<1x1x128xf32>,
    %get3A_17 = arith.constant 0 : index
    %get3A_18 = arith.constant 1 : index
    %get3A_19 = arith.constant 0 : index
    %get3A_20 = vector.load %arg2[%get3A_17, %get3A_18, %get3A_19] : memref<1x72x128xf32, #tpu.memory_space<vmem>>, vector<1x1x128xf32>
    %get3A_21 = vector.shape_cast %get3A_20 : vector<1x1x128xf32> to vector<128xf32>
    %swap3A_22 = arith.constant 1 : index
    %swap3A_23 = arith.constant 0 : index
    %swap3A_24 = arith.constant 0 : index
    %swap3A_25 = vector.load %arg3[%swap3A_22, %swap3A_23, %swap3A_24] : memref<9x55x128xf32, #tpu.memory_space<vmem>>, vector<1x1x128xf32>
    %swap3A_26 = vector.shape_cast %swap3A_25 : vector<1x1x128xf32> to vector<128xf32>
    %swap3A_27 = vector.shape_cast %get3A_21 : vector<128xf32> to vector<1x1x128xf32>
    tpu.vector_store %arg3[%swap3A_22, %swap3A_23, %swap3A_24], %swap3A_27 {strides = array<i32>} : memref<9x55x128xf32, #tpu.memory_space<vmem>>, vector<1x1x128xf32>,
    %get3A_28 = arith.constant 0 : index
    %get3A_29 = arith.constant 2 : index
    %get3A_30 = arith.constant 0 : index
    %get3A_31 = vector.load %arg2[%get3A_28, %get3A_29, %get3A_30] : memref<1x72x128xf32, #tpu.memory_space<vmem>>, vector<1x1x128xf32>
    %get3A_32 = vector.shape_cast %get3A_31 : vector<1x1x128xf32> to vector<128xf32>
    %swap3A_33 = arith.constant 2 : index
    %swap3A_34 = arith.constant 0 : index
    %swap3A_35 = arith.constant 0 : index
    %swap3A_36 = vector.load %arg3[%swap3A_33, %swap3A_34, %swap3A_35] : memref<9x55x128xf32, #tpu.memory_space<vmem>>, vector<1x1x128xf32>
    %swap3A_37 = vector.shape_cast %swap3A_36 : vector<1x1x128xf32> to vector<128xf32>
    %swap3A_38 = vector.shape_cast %get3A_32 : vector<128xf32> to vector<1x1x128xf32>
    tpu.vector_store %arg3[%swap3A_33, %swap3A_34, %swap3A_35], %swap3A_38 {strides = array<i32>} : memref<9x55x128xf32, #tpu.memory_space<vmem>>, vector<1x1x128xf32>,
    %get3A_39 = arith.constant 0 : index
    %get3A_40 = arith.constant 3 : index
    %get3A_41 = arith.constant 0 : index
    %get3A_42 = vector.load %arg2[%get3A_39, %get3A_40, %get3A_41] : memref<1x72x128xf32, #tpu.memory_space<vmem>>, vector<1x1x128xf32>
    %get3A_43 = vector.shape_cast %get3A_42 : vector<1x1x128xf32> to vector<128xf32>
    %swap3A_44 = arith.constant 3 : index
    %swap3A_45 = arith.constant 0 : index
    %swap3A_46 = arith.constant 0 : index
    %swap3A_47 = vector.load %arg3[%swap3A_44, %swap3A_45, %swap3A_46] : memref<9x55x128xf32, #tpu.memory_space<vmem>>, vector<1x1x128xf32>
    %swap3A_48 = vector.shape_cast %swap3A_47 : vector<1x1x128xf32> to vector<128xf32>
    %swap3A_49 = vector.shape_cast %get3A_43 : vector<128xf32> to vector<1x1x128xf32>
    tpu.vector_store %arg3[%swap3A_44, %swap3A_45, %swap3A_46], %swap3A_49 {strides = array<i32>} : memref<9x55x128xf32, #tpu.memory_space<vmem>>, vector<1x1x128xf32>,
    %get3A_50 = arith.constant 0 : index
    %get3A_51 = arith.constant 4 : index
    %get3A_52 = arith.constant 0 : index
    %get3A_53 = vector.load %arg2[%get3A_50, %get3A_51, %get3A_52] : memref<1x72x128xf32, #tpu.memory_space<vmem>>, vector<1x1x128xf32>
    %get3A_54 = vector.shape_cast %get3A_53 : vector<1x1x128xf32> to vector<128xf32>
    %swap3A_55 = arith.constant 4 : index
    %swap3A_56 = arith.constant 0 : index
    %swap3A_57 = arith.constant 0 : index
    %swap3A_58 = vector.load %arg3[%swap3A_55, %swap3A_56, %swap3A_57] : memref<9x55x128xf32, #tpu.memory_space<vmem>>, vector<1x1x128xf32>
    %swap3A_59 = vector.shape_cast %swap3A_58 : vector<1x1x128xf32> to vector<128xf32>
    %swap3A_60 = vector.shape_cast %get3A_54 : vector<128xf32> to vector<1x1x128xf32>
    tpu.vector_store %arg3[%swap3A_55, %swap3A_56, %swap3A_57], %swap3A_60 {strides = array<i32>} : memref<9x55x128xf32, #tpu.memory_space<vmem>>, vector<1x1x128xf32>,
    %get3A_61 = arith.constant 0 : index
    %get3A_62 = arith.constant 5 : index
    %get3A_63 = arith.constant 0 : index
    %get3A_64 = vector.load %arg2[%get3A_61, %get3A_62, %get3A_63] : memref<1x72x128xf32, #tpu.memory_space<vmem>>, vector<1x1x128xf32>
    %get3A_65 = vector.shape_cast %get3A_64 : vector<1x1x128xf32> to vector<128xf32>
    %swap3A_66 = arith.constant 5 : index
    %swap3A_67 = arith.constant 0 : index
    %swap3A_68 = arith.constant 0 : index
    %swap3A_69 = vector.load %arg3[%swap3A_66, %swap3A_67, %swap3A_68] : memref<9x55x128xf32, #tpu.memory_space<vmem>>, vector<1x1x128xf32>
    %swap3A_70 = vector.shape_cast %swap3A_69 : vector<1x1x128xf32> to vector<128xf32>
    %swap3A_71 = vector.shape_cast %get3A_65 : vector<128xf32> to vector<1x1x128xf32>
    tpu.vector_store %arg3[%swap3A_66, %swap3A_67, %swap3A_68], %swap3A_71 {strides = array<i32>} : memref<9x55x128xf32, #tpu.memory_space<vmem>>, vector<1x1x128xf32>,
    %get3A_72 = arith.constant 0 : index
    %get3A_73 = arith.constant 6 : index
    %get3A_74 = arith.constant 0 : index
    %get3A_75 = vector.load %arg2[%get3A_72, %get3A_73, %get3A_74] : memref<1x72x128xf32, #tpu.memory_space<vmem>>, vector<1x1x128xf32>
    %get3A_76 = vector.shape_cast %get3A_75 : vector<1x1x128xf32> to vector<128xf32>
    %swap3A_77 = arith.constant 6 : index
    %swap3A_78 = arith.constant 0 : index
    %swap3A_79 = arith.constant 0 : index
    %swap3A_80 = vector.load %arg3[%swap3A_77, %swap3A_78, %swap3A_79] : memref<9x55x128xf32, #tpu.memory_space<vmem>>, vector<1x1x128xf32>
    %swap3A_81 = vector.shape_cast %swap3A_80 : vector<1x1x128xf32> to vector<128xf32>
    %swap3A_82 = vector.shape_cast %get3A_76 : vector<128xf32> to vector<1x1x128xf32>
    tpu.vector_store %arg3[%swap3A_77, %swap3A_78, %swap3A_79], %swap3A_82 {strides = array<i32>} : memref<9x55x128xf32, #tpu.memory_space<vmem>>, vector<1x1x128xf32>,
    %get3A_83 = arith.constant 0 : index
    %get3A_84 = arith.constant 7 : index
    %get3A_85 = arith.constant 0 : index
    %get3A_86 = vector.load %arg2[%get3A_83, %get3A_84, %get3A_85] : memref<1x72x128xf32, #tpu.memory_space<vmem>>, vector<1x1x128xf32>
    %get3A_87 = vector.shape_cast %get3A_86 : vector<1x1x128xf32> to vector<128xf32>
    %swap3A_88 = arith.constant 7 : index
    %swap3A_89 = arith.constant 0 : index
    %swap3A_90 = arith.constant 0 : index
    %swap3A_91 = vector.load %arg3[%swap3A_88, %swap3A_89, %swap3A_90] : memref<9x55x128xf32, #tpu.memory_space<vmem>>, vector<1x1x128xf32>
    %swap3A_92 = vector.shape_cast %swap3A_91 : vector<1x1x128xf32> to vector<128xf32>
    %swap3A_93 = vector.shape_cast %get3A_87 : vector<128xf32> to vector<1x1x128xf32>
    tpu.vector_store %arg3[%swap3A_88, %swap3A_89, %swap3A_90], %swap3A_93 {strides = array<i32>} : memref<9x55x128xf32, #tpu.memory_space<vmem>>, vector<1x1x128xf32>,
    %get3A_94 = arith.constant 0 : index
    %get3A_95 = arith.constant 8 : index
    %get3A_96 = arith.constant 0 : index
    %get3A_97 = vector.load %arg2[%get3A_94, %get3A_95, %get3A_96] : memref<1x72x128xf32, #tpu.memory_space<vmem>>, vector<1x1x128xf32>
    %get3A_98 = vector.shape_cast %get3A_97 : vector<1x1x128xf32> to vector<128xf32>
    %swap3A_99 = arith.constant 8 : index
    %swap3A_100 = arith.constant 0 : index
    %swap3A_101 = arith.constant 0 : index
    %swap3A_102 = vector.load %arg3[%swap3A_99, %swap3A_100, %swap3A_101] : memref<9x55x128xf32, #tpu.memory_space<vmem>>, vector<1x1x128xf32>
    %swap3A_103 = vector.shape_cast %swap3A_102 : vector<1x1x128xf32> to vector<128xf32>
    %swap3A_104 = vector.shape_cast %get3A_98 : vector<128xf32> to vector<1x1x128xf32>
    tpu.vector_store %arg3[%swap3A_99, %swap3A_100, %swap3A_101], %swap3A_104 {strides = array<i32>} : memref<9x55x128xf32, #tpu.memory_space<vmem>>, vector<1x1x128xf32>,
    %get3A_105 = arith.constant 0 : index
    %get3A_106 = arith.constant 9 : index
    %get3A_107 = arith.constant 0 : index
    %get3A_108 = vector.load %arg2[%get3A_105, %get3A_106, %get3A_107] : memref<1x72x128xf32, #tpu.memory_space<vmem>>, vector<1x1x128xf32>
    %get3A_109 = vector.shape_cast %get3A_108 : vector<1x1x128xf32> to vector<128xf32>
    %swap3A_110 = arith.constant 0 : index
    %swap3A_111 = arith.constant 12 : index
    %swap3A_112 = arith.constant 0 : index
    %swap3A_113 = vector.load %arg3[%swap3A_110, %swap3A_111, %swap3A_112] : memref<9x55x128xf32, #tpu.memory_space<vmem>>, vector<1x1x128xf32>
    %swap3A_114 = vector.shape_cast %swap3A_113 : vector<1x1x128xf32> to vector<128xf32>
    %swap3A_115 = vector.shape_cast %get3A_109 : vector<128xf32> to vector<1x1x128xf32>
    tpu.vector_store %arg3[%swap3A_110, %swap3A_111, %swap3A_112], %swap3A_115 {strides = array<i32>} : memref<9x55x128xf32, #tpu.memory_space<vmem>>, vector<1x1x128xf32>,
    %get3A_116 = arith.constant 0 : index
    %get3A_117 = arith.constant 10 : index
    %get3A_118 = arith.constant 0 : index
    %get3A_119 = vector.load %arg2[%get3A_116, %get3A_117, %get3A_118] : memref<1x72x128xf32, #tpu.memory_space<vmem>>, vector<1x1x128xf32>
    %get3A_120 = vector.shape_cast %get3A_119 : vector<1x1x128xf32> to vector<128xf32>
    %swap3A_121 = arith.constant 1 : index
    %swap3A_122 = arith.constant 12 : index
    %swap3A_123 = arith.constant 0 : index
    %swap3A_124 = vector.load %arg3[%swap3A_121, %swap3A_122, %swap3A_123] : memref<9x55x128xf32, #tpu.memory_space<vmem>>, vector<1x1x128xf32>
    %swap3A_125 = vector.shape_cast %swap3A_124 : vector<1x1x128xf32> to vector<128xf32>
    %swap3A_126 = vector.shape_cast %get3A_120 : vector<128xf32> to vector<1x1x128xf32>
    tpu.vector_store %arg3[%swap3A_121, %swap3A_122, %swap3A_123], %swap3A_126 {strides = array<i32>} : memref<9x55x128xf32, #tpu.memory_space<vmem>>, vector<1x1x128xf32>,
    %get3A_127 = arith.constant 0 : index
    %get3A_128 = arith.constant 11 : index
    %get3A_129 = arith.constant 0 : index
    %get3A_130 = vector.load %arg2[%get3A_127, %get3A_128, %get3A_129] : memref<1x72x128xf32, #tpu.memory_space<vmem>>, vector<1x1x128xf32>
    %get3A_131 = vector.shape_cast %get3A_130 : vector<1x1x128xf32> to vector<128xf32>
    %swap3A_132 = arith.constant 2 : index
    %swap3A_133 = arith.constant 12 : index
    %swap3A_134 = arith.constant 0 : index
    %swap3A_135 = vector.load %arg3[%swap3A_132, %swap3A_133, %swap3A_134] : memref<9x55x128xf32, #tpu.memory_space<vmem>>, vector<1x1x128xf32>
    %swap3A_136 = vector.shape_cast %swap3A_135 : vector<1x1x128xf32> to vector<128xf32>
    %swap3A_137 = vector.shape_cast %get3A_131 : vector<128xf32> to vector<1x1x128xf32>
    tpu.vector_store %arg3[%swap3A_132, %swap3A_133, %swap3A_134], %swap3A_137 {strides = array<i32>} : memref<9x55x128xf32, #tpu.memory_space<vmem>>, vector<1x1x128xf32>,
    %get3A_138 = arith.constant 0 : index
    %get3A_139 = arith.constant 12 : index
    %get3A_140 = arith.constant 0 : index
    %get3A_141 = vector.load %arg2[%get3A_138, %get3A_139, %get3A_140] : memref<1x72x128xf32, #tpu.memory_space<vmem>>, vector<1x1x128xf32>
    %get3A_142 = vector.shape_cast %get3A_141 : vector<1x1x128xf32> to vector<128xf32>
    %swap3A_143 = arith.constant 3 : index
    %swap3A_144 = arith.constant 12 : index
    %swap3A_145 = arith.constant 0 : index
    %swap3A_146 = vector.load %arg3[%swap3A_143, %swap3A_144, %swap3A_145] : memref<9x55x128xf32, #tpu.memory_space<vmem>>, vector<1x1x128xf32>
    %swap3A_147 = vector.shape_cast %swap3A_146 : vector<1x1x128xf32> to vector<128xf32>
    %swap3A_148 = vector.shape_cast %get3A_142 : vector<128xf32> to vector<1x1x128xf32>
    tpu.vector_store %arg3[%swap3A_143, %swap3A_144, %swap3A_145], %swap3A_148 {strides = array<i32>} : memref<9x55x128xf32, #tpu.memory_space<vmem>>, vector<1x1x128xf32>,
    %get3A_149 = arith.constant 0 : index
    %get3A_150 = arith.constant 13 : index
    %get3A_151 = arith.constant 0 : index
    %get3A_152 = vector.load %arg2[%get3A_149, %get3A_150, %get3A_151] : memref<1x72x128xf32, #tpu.memory_space<vmem>>, vector<1x1x128xf32>
    %get3A_153 = vector.shape_cast %get3A_152 : vector<1x1x128xf32> to vector<128xf32>
    %swap3A_154 = arith.constant 4 : index
    %swap3A_155 = arith.constant 12 : index
    %swap3A_156 = arith.constant 0 : index
    %swap3A_157 = vector.load %arg3[%swap3A_154, %swap3A_155, %swap3A_156] : memref<9x55x128xf32, #tpu.memory_space<vmem>>, vector<1x1x128xf32>
    %swap3A_158 = vector.shape_cast %swap3A_157 : vector<1x1x128xf32> to vector<128xf32>
    %swap3A_159 = vector.shape_cast %get3A_153 : vector<128xf32> to vector<1x1x128xf32>
    tpu.vector_store %arg3[%swap3A_154, %swap3A_155, %swap3A_156], %swap3A_159 {strides = array<i32>} : memref<9x55x128xf32, #tpu.memory_space<vmem>>, vector<1x1x128xf32>,
    %get3A_160 = arith.constant 0 : index
    %get3A_161 = arith.constant 14 : index
    %get3A_162 = arith.constant 0 : index
    %get3A_163 = vector.load %arg2[%get3A_160, %get3A_161, %get3A_162] : memref<1x72x128xf32, #tpu.memory_space<vmem>>, vector<1x1x128xf32>
    %get3A_164 = vector.shape_cast %get3A_163 : vector<1x1x128xf32> to vector<128xf32>
    %swap3A_165 = arith.constant 5 : index
    %swap3A_166 = arith.constant 12 : index
    %swap3A_167 = arith.constant 0 : index
    %swap3A_168 = vector.load %arg3[%swap3A_165, %swap3A_166, %swap3A_167] : memref<9x55x128xf32, #tpu.memory_space<vmem>>, vector<1x1x128xf32>
    %swap3A_169 = vector.shape_cast %swap3A_168 : vector<1x1x128xf32> to vector<128xf32>
    %swap3A_170 = vector.shape_cast %get3A_164 : vector<128xf32> to vector<1x1x128xf32>
    tpu.vector_store %arg3[%swap3A_165, %swap3A_166, %swap3A_167], %swap3A_170 {strides = array<i32>} : memref<9x55x128xf32, #tpu.memory_space<vmem>>, vector<1x1x128xf32>,
    %get3A_171 = arith.constant 0 : index
    %get3A_172 = arith.constant 15 : index
    %get3A_173 = arith.constant 0 : index
    %get3A_174 = vector.load %arg2[%get3A_171, %get3A_172, %get3A_173] : memref<1x72x128xf32, #tpu.memory_space<vmem>>, vector<1x1x128xf32>
    %get3A_175 = vector.shape_cast %get3A_174 : vector<1x1x128xf32> to vector<128xf32>
    %swap3A_176 = arith.constant 6 : index
    %swap3A_177 = arith.constant 12 : index
    %swap3A_178 = arith.constant 0 : index
    %swap3A_179 = vector.load %arg3[%swap3A_176, %swap3A_177, %swap3A_178] : memref<9x55x128xf32, #tpu.memory_space<vmem>>, vector<1x1x128xf32>
    %swap3A_180 = vector.shape_cast %swap3A_179 : vector<1x1x128xf32> to vector<128xf32>
    %swap3A_181 = vector.shape_cast %get3A_175 : vector<128xf32> to vector<1x1x128xf32>
    tpu.vector_store %arg3[%swap3A_176, %swap3A_177, %swap3A_178], %swap3A_181 {strides = array<i32>} : memref<9x55x128xf32, #tpu.memory_space<vmem>>, vector<1x1x128xf32>,
    %get3A_182 = arith.constant 0 : index
    %get3A_183 = arith.constant 16 : index
    %get3A_184 = arith.constant 0 : index
    %get3A_185 = vector.load %arg2[%get3A_182, %get3A_183, %get3A_184] : memref<1x72x128xf32, #tpu.memory_space<vmem>>, vector<1x1x128xf32>
    %get3A_186 = vector.shape_cast %get3A_185 : vector<1x1x128xf32> to vector<128xf32>
    %swap3A_187 = arith.constant 7 : index
    %swap3A_188 = arith.constant 12 : index
    %swap3A_189 = arith.constant 0 : index
    %swap3A_190 = vector.load %arg3[%swap3A_187, %swap3A_188, %swap3A_189] : memref<9x55x128xf32, #tpu.memory_space<vmem>>, vector<1x1x128xf32>
    %swap3A_191 = vector.shape_cast %swap3A_190 : vector<1x1x128xf32> to vector<128xf32>
    %swap3A_192 = vector.shape_cast %get3A_186 : vector<128xf32> to vector<1x1x128xf32>
    tpu.vector_store %arg3[%swap3A_187, %swap3A_188, %swap3A_189], %swap3A_192 {strides = array<i32>} : memref<9x55x128xf32, #tpu.memory_space<vmem>>, vector<1x1x128xf32>,
    %get3A_193 = arith.constant 0 : index
    %get3A_194 = arith.constant 17 : index
    %get3A_195 = arith.constant 0 : index
    %get3A_196 = vector.load %arg2[%get3A_193, %get3A_194, %get3A_195] : memref<1x72x128xf32, #tpu.memory_space<vmem>>, vector<1x1x128xf32>
    %get3A_197 = vector.shape_cast %get3A_196 : vector<1x1x128xf32> to vector<128xf32>
    %swap3A_198 = arith.constant 8 : index
    %swap3A_199 = arith.constant 12 : index
    %swap3A_200 = arith.constant 0 : index
    %swap3A_201 = vector.load %arg3[%swap3A_198, %swap3A_199, %swap3A_200] : memref<9x55x128xf32, #tpu.memory_space<vmem>>, vector<1x1x128xf32>
    %swap3A_202 = vector.shape_cast %swap3A_201 : vector<1x1x128xf32> to vector<128xf32>
    %swap3A_203 = vector.shape_cast %get3A_197 : vector<128xf32> to vector<1x1x128xf32>
    tpu.vector_store %arg3[%swap3A_198, %swap3A_199, %swap3A_200], %swap3A_203 {strides = array<i32>} : memref<9x55x128xf32, #tpu.memory_space<vmem>>, vector<1x1x128xf32>,
    %get3A_204 = arith.constant 0 : index
    %get3A_205 = arith.constant 18 : index
    %get3A_206 = arith.constant 0 : index
    %get3A_207 = vector.load %arg2[%get3A_204, %get3A_205, %get3A_206] : memref<1x72x128xf32, #tpu.memory_space<vmem>>, vector<1x1x128xf32>
    %get3A_208 = vector.shape_cast %get3A_207 : vector<1x1x128xf32> to vector<128xf32>
    %swap3A_209 = arith.constant 0 : index
    %swap3A_210 = arith.constant 15 : index
    %swap3A_211 = arith.constant 0 : index
    %swap3A_212 = vector.load %arg3[%swap3A_209, %swap3A_210, %swap3A_211] : memref<9x55x128xf32, #tpu.memory_space<vmem>>, vector<1x1x128xf32>
    %swap3A_213 = vector.shape_cast %swap3A_212 : vector<1x1x128xf32> to vector<128xf32>
    %swap3A_214 = vector.shape_cast %get3A_208 : vector<128xf32> to vector<1x1x128xf32>
    tpu.vector_store %arg3[%swap3A_209, %swap3A_210, %swap3A_211], %swap3A_214 {strides = array<i32>} : memref<9x55x128xf32, #tpu.memory_space<vmem>>, vector<1x1x128xf32>,
    %get3A_215 = arith.constant 0 : index
    %get3A_216 = arith.constant 19 : index
    %get3A_217 = arith.constant 0 : index
    %get3A_218 = vector.load %arg2[%get3A_215, %get3A_216, %get3A_217] : memref<1x72x128xf32, #tpu.memory_space<vmem>>, vector<1x1x128xf32>
    %get3A_219 = vector.shape_cast %get3A_218 : vector<1x1x128xf32> to vector<128xf32>
    %swap3A_220 = arith.constant 1 : index
    %swap3A_221 = arith.constant 15 : index
    %swap3A_222 = arith.constant 0 : index
    %swap3A_223 = vector.load %arg3[%swap3A_220, %swap3A_221, %swap3A_222] : memref<9x55x128xf32, #tpu.memory_space<vmem>>, vector<1x1x128xf32>
    %swap3A_224 = vector.shape_cast %swap3A_223 : vector<1x1x128xf32> to vector<128xf32>
    %swap3A_225 = vector.shape_cast %get3A_219 : vector<128xf32> to vector<1x1x128xf32>
    tpu.vector_store %arg3[%swap3A_220, %swap3A_221, %swap3A_222], %swap3A_225 {strides = array<i32>} : memref<9x55x128xf32, #tpu.memory_space<vmem>>, vector<1x1x128xf32>,
    %get3A_226 = arith.constant 0 : index
    %get3A_227 = arith.constant 20 : index
    %get3A_228 = arith.constant 0 : index
    %get3A_229 = vector.load %arg2[%get3A_226, %get3A_227, %get3A_228] : memref<1x72x128xf32, #tpu.memory_space<vmem>>, vector<1x1x128xf32>
    %get3A_230 = vector.shape_cast %get3A_229 : vector<1x1x128xf32> to vector<128xf32>
    %swap3A_231 = arith.constant 2 : index
    %swap3A_232 = arith.constant 15 : index
    %swap3A_233 = arith.constant 0 : index
    %swap3A_234 = vector.load %arg3[%swap3A_231, %swap3A_232, %swap3A_233] : memref<9x55x128xf32, #tpu.memory_space<vmem>>, vector<1x1x128xf32>
    %swap3A_235 = vector.shape_cast %swap3A_234 : vector<1x1x128xf32> to vector<128xf32>
    %swap3A_236 = vector.shape_cast %get3A_230 : vector<128xf32> to vector<1x1x128xf32>
    tpu.vector_store %arg3[%swap3A_231, %swap3A_232, %swap3A_233], %swap3A_236 {strides = array<i32>} : memref<9x55x128xf32, #tpu.memory_space<vmem>>, vector<1x1x128xf32>,
    %get3A_237 = arith.constant 0 : index
    %get3A_238 = arith.constant 21 : index
    %get3A_239 = arith.constant 0 : index
    %get3A_240 = vector.load %arg2[%get3A_237, %get3A_238, %get3A_239] : memref<1x72x128xf32, #tpu.memory_space<vmem>>, vector<1x1x128xf32>
    %get3A_241 = vector.shape_cast %get3A_240 : vector<1x1x128xf32> to vector<128xf32>
    %swap3A_242 = arith.constant 3 : index
    %swap3A_243 = arith.constant 15 : index
    %swap3A_244 = arith.constant 0 : index
    %swap3A_245 = vector.load %arg3[%swap3A_242, %swap3A_243, %swap3A_244] : memref<9x55x128xf32, #tpu.memory_space<vmem>>, vector<1x1x128xf32>
    %swap3A_246 = vector.shape_cast %swap3A_245 : vector<1x1x128xf32> to vector<128xf32>
    %swap3A_247 = vector.shape_cast %get3A_241 : vector<128xf32> to vector<1x1x128xf32>
    tpu.vector_store %arg3[%swap3A_242, %swap3A_243, %swap3A_244], %swap3A_247 {strides = array<i32>} : memref<9x55x128xf32, #tpu.memory_space<vmem>>, vector<1x1x128xf32>,
    %get3A_248 = arith.constant 0 : index
    %get3A_249 = arith.constant 22 : index
    %get3A_250 = arith.constant 0 : index
    %get3A_251 = vector.load %arg2[%get3A_248, %get3A_249, %get3A_250] : memref<1x72x128xf32, #tpu.memory_space<vmem>>, vector<1x1x128xf32>
    %get3A_252 = vector.shape_cast %get3A_251 : vector<1x1x128xf32> to vector<128xf32>
    %swap3A_253 = arith.constant 4 : index
    %swap3A_254 = arith.constant 15 : index
    %swap3A_255 = arith.constant 0 : index
    %swap3A_256 = vector.load %arg3[%swap3A_253, %swap3A_254, %swap3A_255] : memref<9x55x128xf32, #tpu.memory_space<vmem>>, vector<1x1x128xf32>
    %swap3A_257 = vector.shape_cast %swap3A_256 : vector<1x1x128xf32> to vector<128xf32>
    %swap3A_258 = vector.shape_cast %get3A_252 : vector<128xf32> to vector<1x1x128xf32>
    tpu.vector_store %arg3[%swap3A_253, %swap3A_254, %swap3A_255], %swap3A_258 {strides = array<i32>} : memref<9x55x128xf32, #tpu.memory_space<vmem>>, vector<1x1x128xf32>,
    %get3A_259 = arith.constant 0 : index
    %get3A_260 = arith.constant 23 : index
    %get3A_261 = arith.constant 0 : index
    %get3A_262 = vector.load %arg2[%get3A_259, %get3A_260, %get3A_261] : memref<1x72x128xf32, #tpu.memory_space<vmem>>, vector<1x1x128xf32>
    %get3A_263 = vector.shape_cast %get3A_262 : vector<1x1x128xf32> to vector<128xf32>
    %swap3A_264 = arith.constant 5 : index
    %swap3A_265 = arith.constant 15 : index
    %swap3A_266 = arith.constant 0 : index
    %swap3A_267 = vector.load %arg3[%swap3A_264, %swap3A_265, %swap3A_266] : memref<9x55x128xf32, #tpu.memory_space<vmem>>, vector<1x1x128xf32>
    %swap3A_268 = vector.shape_cast %swap3A_267 : vector<1x1x128xf32> to vector<128xf32>
    %swap3A_269 = vector.shape_cast %get3A_263 : vector<128xf32> to vector<1x1x128xf32>
    tpu.vector_store %arg3[%swap3A_264, %swap3A_265, %swap3A_266], %swap3A_269 {strides = array<i32>} : memref<9x55x128xf32, #tpu.memory_space<vmem>>, vector<1x1x128xf32>,
    %get3A_270 = arith.constant 0 : index
    %get3A_271 = arith.constant 24 : index
    %get3A_272 = arith.constant 0 : index
    %get3A_273 = vector.load %arg2[%get3A_270, %get3A_271, %get3A_272] : memref<1x72x128xf32, #tpu.memory_space<vmem>>, vector<1x1x128xf32>
    %get3A_274 = vector.shape_cast %get3A_273 : vector<1x1x128xf32> to vector<128xf32>
    %swap3A_275 = arith.constant 6 : index
    %swap3A_276 = arith.constant 15 : index
    %swap3A_277 = arith.constant 0 : index
    %swap3A_278 = vector.load %arg3[%swap3A_275, %swap3A_276, %swap3A_277] : memref<9x55x128xf32, #tpu.memory_space<vmem>>, vector<1x1x128xf32>
    %swap3A_279 = vector.shape_cast %swap3A_278 : vector<1x1x128xf32> to vector<128xf32>
    %swap3A_280 = vector.shape_cast %get3A_274 : vector<128xf32> to vector<1x1x128xf32>
    tpu.vector_store %arg3[%swap3A_275, %swap3A_276, %swap3A_277], %swap3A_280 {strides = array<i32>} : memref<9x55x128xf32, #tpu.memory_space<vmem>>, vector<1x1x128xf32>,
    %get3A_281 = arith.constant 0 : index
    %get3A_282 = arith.constant 25 : index
    %get3A_283 = arith.constant 0 : index
    %get3A_284 = vector.load %arg2[%get3A_281, %get3A_282, %get3A_283] : memref<1x72x128xf32, #tpu.memory_space<vmem>>, vector<1x1x128xf32>
    %get3A_285 = vector.shape_cast %get3A_284 : vector<1x1x128xf32> to vector<128xf32>
    %swap3A_286 = arith.constant 7 : index
    %swap3A_287 = arith.constant 15 : index
    %swap3A_288 = arith.constant 0 : index
    %swap3A_289 = vector.load %arg3[%swap3A_286, %swap3A_287, %swap3A_288] : memref<9x55x128xf32, #tpu.memory_space<vmem>>, vector<1x1x128xf32>
    %swap3A_290 = vector.shape_cast %swap3A_289 : vector<1x1x128xf32> to vector<128xf32>
    %swap3A_291 = vector.shape_cast %get3A_285 : vector<128xf32> to vector<1x1x128xf32>
    tpu.vector_store %arg3[%swap3A_286, %swap3A_287, %swap3A_288], %swap3A_291 {strides = array<i32>} : memref<9x55x128xf32, #tpu.memory_space<vmem>>, vector<1x1x128xf32>,
    %get3A_292 = arith.constant 0 : index
    %get3A_293 = arith.constant 26 : index
    %get3A_294 = arith.constant 0 : index
    %get3A_295 = vector.load %arg2[%get3A_292, %get3A_293, %get3A_294] : memref<1x72x128xf32, #tpu.memory_space<vmem>>, vector<1x1x128xf32>
    %get3A_296 = vector.shape_cast %get3A_295 : vector<1x1x128xf32> to vector<128xf32>
    %swap3A_297 = arith.constant 8 : index
    %swap3A_298 = arith.constant 15 : index
    %swap3A_299 = arith.constant 0 : index
    %swap3A_300 = vector.load %arg3[%swap3A_297, %swap3A_298, %swap3A_299] : memref<9x55x128xf32, #tpu.memory_space<vmem>>, vector<1x1x128xf32>
    %swap3A_301 = vector.shape_cast %swap3A_300 : vector<1x1x128xf32> to vector<128xf32>
    %swap3A_302 = vector.shape_cast %get3A_296 : vector<128xf32> to vector<1x1x128xf32>
    tpu.vector_store %arg3[%swap3A_297, %swap3A_298, %swap3A_299], %swap3A_302 {strides = array<i32>} : memref<9x55x128xf32, #tpu.memory_space<vmem>>, vector<1x1x128xf32>,
    %get3A_303 = arith.constant 0 : index
    %get3A_304 = arith.constant 27 : index
    %get3A_305 = arith.constant 0 : index
    %get3A_306 = vector.load %arg2[%get3A_303, %get3A_304, %get3A_305] : memref<1x72x128xf32, #tpu.memory_space<vmem>>, vector<1x1x128xf32>
    %get3A_307 = vector.shape_cast %get3A_306 : vector<1x1x128xf32> to vector<128xf32>
    %swap3A_308 = arith.constant 0 : index
    %swap3A_309 = arith.constant 16 : index
    %swap3A_310 = arith.constant 0 : index
    %swap3A_311 = vector.load %arg3[%swap3A_308, %swap3A_309, %swap3A_310] : memref<9x55x128xf32, #tpu.memory_space<vmem>>, vector<1x1x128xf32>
    %swap3A_312 = vector.shape_cast %swap3A_311 : vector<1x1x128xf32> to vector<128xf32>
    %swap3A_313 = vector.shape_cast %get3A_307 : vector<128xf32> to vector<1x1x128xf32>
    tpu.vector_store %arg3[%swap3A_308, %swap3A_309, %swap3A_310], %swap3A_313 {strides = array<i32>} : memref<9x55x128xf32, #tpu.memory_space<vmem>>, vector<1x1x128xf32>,
    %get3A_314 = arith.constant 0 : index
    %get3A_315 = arith.constant 28 : index
    %get3A_316 = arith.constant 0 : index
    %get3A_317 = vector.load %arg2[%get3A_314, %get3A_315, %get3A_316] : memref<1x72x128xf32, #tpu.memory_space<vmem>>, vector<1x1x128xf32>
    %get3A_318 = vector.shape_cast %get3A_317 : vector<1x1x128xf32> to vector<128xf32>
    %swap3A_319 = arith.constant 1 : index
    %swap3A_320 = arith.constant 16 : index
    %swap3A_321 = arith.constant 0 : index
    %swap3A_322 = vector.load %arg3[%swap3A_319, %swap3A_320, %swap3A_321] : memref<9x55x128xf32, #tpu.memory_space<vmem>>, vector<1x1x128xf32>
    %swap3A_323 = vector.shape_cast %swap3A_322 : vector<1x1x128xf32> to vector<128xf32>
    %swap3A_324 = vector.shape_cast %get3A_318 : vector<128xf32> to vector<1x1x128xf32>
    tpu.vector_store %arg3[%swap3A_319, %swap3A_320, %swap3A_321], %swap3A_324 {strides = array<i32>} : memref<9x55x128xf32, #tpu.memory_space<vmem>>, vector<1x1x128xf32>,
    %get3A_325 = arith.constant 0 : index
    %get3A_326 = arith.constant 29 : index
    %get3A_327 = arith.constant 0 : index
    %get3A_328 = vector.load %arg2[%get3A_325, %get3A_326, %get3A_327] : memref<1x72x128xf32, #tpu.memory_space<vmem>>, vector<1x1x128xf32>
    %get3A_329 = vector.shape_cast %get3A_328 : vector<1x1x128xf32> to vector<128xf32>
    %swap3A_330 = arith.constant 2 : index
    %swap3A_331 = arith.constant 16 : index
    %swap3A_332 = arith.constant 0 : index
    %swap3A_333 = vector.load %arg3[%swap3A_330, %swap3A_331, %swap3A_332] : memref<9x55x128xf32, #tpu.memory_space<vmem>>, vector<1x1x128xf32>
    %swap3A_334 = vector.shape_cast %swap3A_333 : vector<1x1x128xf32> to vector<128xf32>
    %swap3A_335 = vector.shape_cast %get3A_329 : vector<128xf32> to vector<1x1x128xf32>
    tpu.vector_store %arg3[%swap3A_330, %swap3A_331, %swap3A_332], %swap3A_335 {strides = array<i32>} : memref<9x55x128xf32, #tpu.memory_space<vmem>>, vector<1x1x128xf32>,
    %get3A_336 = arith.constant 0 : index
    %get3A_337 = arith.constant 30 : index
    %get3A_338 = arith.constant 0 : index
    %get3A_339 = vector.load %arg2[%get3A_336, %get3A_337, %get3A_338] : memref<1x72x128xf32, #tpu.memory_space<vmem>>, vector<1x1x128xf32>
    %get3A_340 = vector.shape_cast %get3A_339 : vector<1x1x128xf32> to vector<128xf32>
    %swap3A_341 = arith.constant 3 : index
    %swap3A_342 = arith.constant 16 : index
    %swap3A_343 = arith.constant 0 : index
    %swap3A_344 = vector.load %arg3[%swap3A_341, %swap3A_342, %swap3A_343] : memref<9x55x128xf32, #tpu.memory_space<vmem>>, vector<1x1x128xf32>
    %swap3A_345 = vector.shape_cast %swap3A_344 : vector<1x1x128xf32> to vector<128xf32>
    %swap3A_346 = vector.shape_cast %get3A_340 : vector<128xf32> to vector<1x1x128xf32>
    tpu.vector_store %arg3[%swap3A_341, %swap3A_342, %swap3A_343], %swap3A_346 {strides = array<i32>} : memref<9x55x128xf32, #tpu.memory_space<vmem>>, vector<1x1x128xf32>,
    %get3A_347 = arith.constant 0 : index
    %get3A_348 = arith.constant 31 : index
    %get3A_349 = arith.constant 0 : index
    %get3A_350 = vector.load %arg2[%get3A_347, %get3A_348, %get3A_349] : memref<1x72x128xf32, #tpu.memory_space<vmem>>, vector<1x1x128xf32>
    %get3A_351 = vector.shape_cast %get3A_350 : vector<1x1x128xf32> to vector<128xf32>
    %swap3A_352 = arith.constant 4 : index
    %swap3A_353 = arith.constant 16 : index
    %swap3A_354 = arith.constant 0 : index
    %swap3A_355 = vector.load %arg3[%swap3A_352, %swap3A_353, %swap3A_354] : memref<9x55x128xf32, #tpu.memory_space<vmem>>, vector<1x1x128xf32>
    %swap3A_356 = vector.shape_cast %swap3A_355 : vector<1x1x128xf32> to vector<128xf32>
    %swap3A_357 = vector.shape_cast %get3A_351 : vector<128xf32> to vector<1x1x128xf32>
    tpu.vector_store %arg3[%swap3A_352, %swap3A_353, %swap3A_354], %swap3A_357 {strides = array<i32>} : memref<9x55x128xf32, #tpu.memory_space<vmem>>, vector<1x1x128xf32>,
    %get3A_358 = arith.constant 0 : index
    %get3A_359 = arith.constant 32 : index
    %get3A_360 = arith.constant 0 : index
    %get3A_361 = vector.load %arg2[%get3A_358, %get3A_359, %get3A_360] : memref<1x72x128xf32, #tpu.memory_space<vmem>>, vector<1x1x128xf32>
    %get3A_362 = vector.shape_cast %get3A_361 : vector<1x1x128xf32> to vector<128xf32>
    %swap3A_363 = arith.constant 5 : index
    %swap3A_364 = arith.constant 16 : index
    %swap3A_365 = arith.constant 0 : index
    %swap3A_366 = vector.load %arg3[%swap3A_363, %swap3A_364, %swap3A_365] : memref<9x55x128xf32, #tpu.memory_space<vmem>>, vector<1x1x128xf32>
    %swap3A_367 = vector.shape_cast %swap3A_366 : vector<1x1x128xf32> to vector<128xf32>
    %swap3A_368 = vector.shape_cast %get3A_362 : vector<128xf32> to vector<1x1x128xf32>
    tpu.vector_store %arg3[%swap3A_363, %swap3A_364, %swap3A_365], %swap3A_368 {strides = array<i32>} : memref<9x55x128xf32, #tpu.memory_space<vmem>>, vector<1x1x128xf32>,
    %get3A_369 = arith.constant 0 : index
    %get3A_370 = arith.constant 33 : index
    %get3A_371 = arith.constant 0 : index
    %get3A_372 = vector.load %arg2[%get3A_369, %get3A_370, %get3A_371] : memref<1x72x128xf32, #tpu.memory_space<vmem>>, vector<1x1x128xf32>
    %get3A_373 = vector.shape_cast %get3A_372 : vector<1x1x128xf32> to vector<128xf32>
    %swap3A_374 = arith.constant 6 : index
    %swap3A_375 = arith.constant 16 : index
    %swap3A_376 = arith.constant 0 : index
    %swap3A_377 = vector.load %arg3[%swap3A_374, %swap3A_375, %swap3A_376] : memref<9x55x128xf32, #tpu.memory_space<vmem>>, vector<1x1x128xf32>
    %swap3A_378 = vector.shape_cast %swap3A_377 : vector<1x1x128xf32> to vector<128xf32>
    %swap3A_379 = vector.shape_cast %get3A_373 : vector<128xf32> to vector<1x1x128xf32>
    tpu.vector_store %arg3[%swap3A_374, %swap3A_375, %swap3A_376], %swap3A_379 {strides = array<i32>} : memref<9x55x128xf32, #tpu.memory_space<vmem>>, vector<1x1x128xf32>,
    %get3A_380 = arith.constant 0 : index
    %get3A_381 = arith.constant 34 : index
    %get3A_382 = arith.constant 0 : index
    %get3A_383 = vector.load %arg2[%get3A_380, %get3A_381, %get3A_382] : memref<1x72x128xf32, #tpu.memory_space<vmem>>, vector<1x1x128xf32>
    %get3A_384 = vector.shape_cast %get3A_383 : vector<1x1x128xf32> to vector<128xf32>
    %swap3A_385 = arith.constant 7 : index
    %swap3A_386 = arith.constant 16 : index
    %swap3A_387 = arith.constant 0 : index
    %swap3A_388 = vector.load %arg3[%swap3A_385, %swap3A_386, %swap3A_387] : memref<9x55x128xf32, #tpu.memory_space<vmem>>, vector<1x1x128xf32>
    %swap3A_389 = vector.shape_cast %swap3A_388 : vector<1x1x128xf32> to vector<128xf32>
    %swap3A_390 = vector.shape_cast %get3A_384 : vector<128xf32> to vector<1x1x128xf32>
    tpu.vector_store %arg3[%swap3A_385, %swap3A_386, %swap3A_387], %swap3A_390 {strides = array<i32>} : memref<9x55x128xf32, #tpu.memory_space<vmem>>, vector<1x1x128xf32>,
    %get3A_391 = arith.constant 0 : index
    %get3A_392 = arith.constant 35 : index
    %get3A_393 = arith.constant 0 : index
    %get3A_394 = vector.load %arg2[%get3A_391, %get3A_392, %get3A_393] : memref<1x72x128xf32, #tpu.memory_space<vmem>>, vector<1x1x128xf32>
    %get3A_395 = vector.shape_cast %get3A_394 : vector<1x1x128xf32> to vector<128xf32>
    %swap3A_396 = arith.constant 8 : index
    %swap3A_397 = arith.constant 16 : index
    %swap3A_398 = arith.constant 0 : index
    %swap3A_399 = vector.load %arg3[%swap3A_396, %swap3A_397, %swap3A_398] : memref<9x55x128xf32, #tpu.memory_space<vmem>>, vector<1x1x128xf32>
    %swap3A_400 = vector.shape_cast %swap3A_399 : vector<1x1x128xf32> to vector<128xf32>
    %swap3A_401 = vector.shape_cast %get3A_395 : vector<128xf32> to vector<1x1x128xf32>
    tpu.vector_store %arg3[%swap3A_396, %swap3A_397, %swap3A_398], %swap3A_401 {strides = array<i32>} : memref<9x55x128xf32, #tpu.memory_space<vmem>>, vector<1x1x128xf32>,
    %get3A_402 = arith.constant 0 : index
    %get3A_403 = arith.constant 36 : index
    %get3A_404 = arith.constant 0 : index
    %get3A_405 = vector.load %arg2[%get3A_402, %get3A_403, %get3A_404] : memref<1x72x128xf32, #tpu.memory_space<vmem>>, vector<1x1x128xf32>
    %get3A_406 = vector.shape_cast %get3A_405 : vector<1x1x128xf32> to vector<128xf32>
    %swap3A_407 = arith.constant 0 : index
    %swap3A_408 = arith.constant 17 : index
    %swap3A_409 = arith.constant 0 : index
    %swap3A_410 = vector.load %arg3[%swap3A_407, %swap3A_408, %swap3A_409] : memref<9x55x128xf32, #tpu.memory_space<vmem>>, vector<1x1x128xf32>
    %swap3A_411 = vector.shape_cast %swap3A_410 : vector<1x1x128xf32> to vector<128xf32>
    %swap3A_412 = vector.shape_cast %get3A_406 : vector<128xf32> to vector<1x1x128xf32>
    tpu.vector_store %arg3[%swap3A_407, %swap3A_408, %swap3A_409], %swap3A_412 {strides = array<i32>} : memref<9x55x128xf32, #tpu.memory_space<vmem>>, vector<1x1x128xf32>,
    %get3A_413 = arith.constant 0 : index
    %get3A_414 = arith.constant 37 : index
    %get3A_415 = arith.constant 0 : index
    %get3A_416 = vector.load %arg2[%get3A_413, %get3A_414, %get3A_415] : memref<1x72x128xf32, #tpu.memory_space<vmem>>, vector<1x1x128xf32>
    %get3A_417 = vector.shape_cast %get3A_416 : vector<1x1x128xf32> to vector<128xf32>
    %swap3A_418 = arith.constant 1 : index
    %swap3A_419 = arith.constant 17 : index
    %swap3A_420 = arith.constant 0 : index
    %swap3A_421 = vector.load %arg3[%swap3A_418, %swap3A_419, %swap3A_420] : memref<9x55x128xf32, #tpu.memory_space<vmem>>, vector<1x1x128xf32>
    %swap3A_422 = vector.shape_cast %swap3A_421 : vector<1x1x128xf32> to vector<128xf32>
    %swap3A_423 = vector.shape_cast %get3A_417 : vector<128xf32> to vector<1x1x128xf32>
    tpu.vector_store %arg3[%swap3A_418, %swap3A_419, %swap3A_420], %swap3A_423 {strides = array<i32>} : memref<9x55x128xf32, #tpu.memory_space<vmem>>, vector<1x1x128xf32>,
    %get3A_424 = arith.constant 0 : index
    %get3A_425 = arith.constant 38 : index
    %get3A_426 = arith.constant 0 : index
    %get3A_427 = vector.load %arg2[%get3A_424, %get3A_425, %get3A_426] : memref<1x72x128xf32, #tpu.memory_space<vmem>>, vector<1x1x128xf32>
    %get3A_428 = vector.shape_cast %get3A_427 : vector<1x1x128xf32> to vector<128xf32>
    %swap3A_429 = arith.constant 2 : index
    %swap3A_430 = arith.constant 17 : index
    %swap3A_431 = arith.constant 0 : index
    %swap3A_432 = vector.load %arg3[%swap3A_429, %swap3A_430, %swap3A_431] : memref<9x55x128xf32, #tpu.memory_space<vmem>>, vector<1x1x128xf32>
    %swap3A_433 = vector.shape_cast %swap3A_432 : vector<1x1x128xf32> to vector<128xf32>
    %swap3A_434 = vector.shape_cast %get3A_428 : vector<128xf32> to vector<1x1x128xf32>
    tpu.vector_store %arg3[%swap3A_429, %swap3A_430, %swap3A_431], %swap3A_434 {strides = array<i32>} : memref<9x55x128xf32, #tpu.memory_space<vmem>>, vector<1x1x128xf32>,
    %get3A_435 = arith.constant 0 : index
    %get3A_436 = arith.constant 39 : index
    %get3A_437 = arith.constant 0 : index
    %get3A_438 = vector.load %arg2[%get3A_435, %get3A_436, %get3A_437] : memref<1x72x128xf32, #tpu.memory_space<vmem>>, vector<1x1x128xf32>
    %get3A_439 = vector.shape_cast %get3A_438 : vector<1x1x128xf32> to vector<128xf32>
    %swap3A_440 = arith.constant 3 : index
    %swap3A_441 = arith.constant 17 : index
    %swap3A_442 = arith.constant 0 : index
    %swap3A_443 = vector.load %arg3[%swap3A_440, %swap3A_441, %swap3A_442] : memref<9x55x128xf32, #tpu.memory_space<vmem>>, vector<1x1x128xf32>
    %swap3A_444 = vector.shape_cast %swap3A_443 : vector<1x1x128xf32> to vector<128xf32>
    %swap3A_445 = vector.shape_cast %get3A_439 : vector<128xf32> to vector<1x1x128xf32>
    tpu.vector_store %arg3[%swap3A_440, %swap3A_441, %swap3A_442], %swap3A_445 {strides = array<i32>} : memref<9x55x128xf32, #tpu.memory_space<vmem>>, vector<1x1x128xf32>,
    %get3A_446 = arith.constant 0 : index
    %get3A_447 = arith.constant 40 : index
    %get3A_448 = arith.constant 0 : index
    %get3A_449 = vector.load %arg2[%get3A_446, %get3A_447, %get3A_448] : memref<1x72x128xf32, #tpu.memory_space<vmem>>, vector<1x1x128xf32>
    %get3A_450 = vector.shape_cast %get3A_449 : vector<1x1x128xf32> to vector<128xf32>
    %swap3A_451 = arith.constant 4 : index
    %swap3A_452 = arith.constant 17 : index
    %swap3A_453 = arith.constant 0 : index
    %swap3A_454 = vector.load %arg3[%swap3A_451, %swap3A_452, %swap3A_453] : memref<9x55x128xf32, #tpu.memory_space<vmem>>, vector<1x1x128xf32>
    %swap3A_455 = vector.shape_cast %swap3A_454 : vector<1x1x128xf32> to vector<128xf32>
    %swap3A_456 = vector.shape_cast %get3A_450 : vector<128xf32> to vector<1x1x128xf32>
    tpu.vector_store %arg3[%swap3A_451, %swap3A_452, %swap3A_453], %swap3A_456 {strides = array<i32>} : memref<9x55x128xf32, #tpu.memory_space<vmem>>, vector<1x1x128xf32>,
    %get3A_457 = arith.constant 0 : index
    %get3A_458 = arith.constant 41 : index
    %get3A_459 = arith.constant 0 : index
    %get3A_460 = vector.load %arg2[%get3A_457, %get3A_458, %get3A_459] : memref<1x72x128xf32, #tpu.memory_space<vmem>>, vector<1x1x128xf32>
    %get3A_461 = vector.shape_cast %get3A_460 : vector<1x1x128xf32> to vector<128xf32>
    %swap3A_462 = arith.constant 5 : index
    %swap3A_463 = arith.constant 17 : index
    %swap3A_464 = arith.constant 0 : index
    %swap3A_465 = vector.load %arg3[%swap3A_462, %swap3A_463, %swap3A_464] : memref<9x55x128xf32, #tpu.memory_space<vmem>>, vector<1x1x128xf32>
    %swap3A_466 = vector.shape_cast %swap3A_465 : vector<1x1x128xf32> to vector<128xf32>
    %swap3A_467 = vector.shape_cast %get3A_461 : vector<128xf32> to vector<1x1x128xf32>
    tpu.vector_store %arg3[%swap3A_462, %swap3A_463, %swap3A_464], %swap3A_467 {strides = array<i32>} : memref<9x55x128xf32, #tpu.memory_space<vmem>>, vector<1x1x128xf32>,
    %get3A_468 = arith.constant 0 : index
    %get3A_469 = arith.constant 42 : index
    %get3A_470 = arith.constant 0 : index
    %get3A_471 = vector.load %arg2[%get3A_468, %get3A_469, %get3A_470] : memref<1x72x128xf32, #tpu.memory_space<vmem>>, vector<1x1x128xf32>
    %get3A_472 = vector.shape_cast %get3A_471 : vector<1x1x128xf32> to vector<128xf32>
    %swap3A_473 = arith.constant 6 : index
    %swap3A_474 = arith.constant 17 : index
    %swap3A_475 = arith.constant 0 : index
    %swap3A_476 = vector.load %arg3[%swap3A_473, %swap3A_474, %swap3A_475] : memref<9x55x128xf32, #tpu.memory_space<vmem>>, vector<1x1x128xf32>
    %swap3A_477 = vector.shape_cast %swap3A_476 : vector<1x1x128xf32> to vector<128xf32>
    %swap3A_478 = vector.shape_cast %get3A_472 : vector<128xf32> to vector<1x1x128xf32>
    tpu.vector_store %arg3[%swap3A_473, %swap3A_474, %swap3A_475], %swap3A_478 {strides = array<i32>} : memref<9x55x128xf32, #tpu.memory_space<vmem>>, vector<1x1x128xf32>,
    %get3A_479 = arith.constant 0 : index
    %get3A_480 = arith.constant 43 : index
    %get3A_481 = arith.constant 0 : index
    %get3A_482 = vector.load %arg2[%get3A_479, %get3A_480, %get3A_481] : memref<1x72x128xf32, #tpu.memory_space<vmem>>, vector<1x1x128xf32>
    %get3A_483 = vector.shape_cast %get3A_482 : vector<1x1x128xf32> to vector<128xf32>
    %swap3A_484 = arith.constant 7 : index
    %swap3A_485 = arith.constant 17 : index
    %swap3A_486 = arith.constant 0 : index
    %swap3A_487 = vector.load %arg3[%swap3A_484, %swap3A_485, %swap3A_486] : memref<9x55x128xf32, #tpu.memory_space<vmem>>, vector<1x1x128xf32>
    %swap3A_488 = vector.shape_cast %swap3A_487 : vector<1x1x128xf32> to vector<128xf32>
    %swap3A_489 = vector.shape_cast %get3A_483 : vector<128xf32> to vector<1x1x128xf32>
    tpu.vector_store %arg3[%swap3A_484, %swap3A_485, %swap3A_486], %swap3A_489 {strides = array<i32>} : memref<9x55x128xf32, #tpu.memory_space<vmem>>, vector<1x1x128xf32>,
    %get3A_490 = arith.constant 0 : index
    %get3A_491 = arith.constant 44 : index
    %get3A_492 = arith.constant 0 : index
    %get3A_493 = vector.load %arg2[%get3A_490, %get3A_491, %get3A_492] : memref<1x72x128xf32, #tpu.memory_space<vmem>>, vector<1x1x128xf32>
    %get3A_494 = vector.shape_cast %get3A_493 : vector<1x1x128xf32> to vector<128xf32>
    %swap3A_495 = arith.constant 8 : index
    %swap3A_496 = arith.constant 17 : index
    %swap3A_497 = arith.constant 0 : index
    %swap3A_498 = vector.load %arg3[%swap3A_495, %swap3A_496, %swap3A_497] : memref<9x55x128xf32, #tpu.memory_space<vmem>>, vector<1x1x128xf32>
    %swap3A_499 = vector.shape_cast %swap3A_498 : vector<1x1x128xf32> to vector<128xf32>
    %swap3A_500 = vector.shape_cast %get3A_494 : vector<128xf32> to vector<1x1x128xf32>
    tpu.vector_store %arg3[%swap3A_495, %swap3A_496, %swap3A_497], %swap3A_500 {strides = array<i32>} : memref<9x55x128xf32, #tpu.memory_space<vmem>>, vector<1x1x128xf32>,
    %get3A_501 = arith.constant 0 : index
    %get3A_502 = arith.constant 45 : index
    %get3A_503 = arith.constant 0 : index
    %get3A_504 = vector.load %arg2[%get3A_501, %get3A_502, %get3A_503] : memref<1x72x128xf32, #tpu.memory_space<vmem>>, vector<1x1x128xf32>
    %get3A_505 = vector.shape_cast %get3A_504 : vector<1x1x128xf32> to vector<128xf32>
    %swap3A_506 = arith.constant 0 : index
    %swap3A_507 = arith.constant 22 : index
    %swap3A_508 = arith.constant 0 : index
    %swap3A_509 = vector.load %arg3[%swap3A_506, %swap3A_507, %swap3A_508] : memref<9x55x128xf32, #tpu.memory_space<vmem>>, vector<1x1x128xf32>
    %swap3A_510 = vector.shape_cast %swap3A_509 : vector<1x1x128xf32> to vector<128xf32>
    %swap3A_511 = vector.shape_cast %get3A_505 : vector<128xf32> to vector<1x1x128xf32>
    tpu.vector_store %arg3[%swap3A_506, %swap3A_507, %swap3A_508], %swap3A_511 {strides = array<i32>} : memref<9x55x128xf32, #tpu.memory_space<vmem>>, vector<1x1x128xf32>,
    %get3A_512 = arith.constant 0 : index
    %get3A_513 = arith.constant 46 : index
    %get3A_514 = arith.constant 0 : index
    %get3A_515 = vector.load %arg2[%get3A_512, %get3A_513, %get3A_514] : memref<1x72x128xf32, #tpu.memory_space<vmem>>, vector<1x1x128xf32>
    %get3A_516 = vector.shape_cast %get3A_515 : vector<1x1x128xf32> to vector<128xf32>
    %swap3A_517 = arith.constant 1 : index
    %swap3A_518 = arith.constant 22 : index
    %swap3A_519 = arith.constant 0 : index
    %swap3A_520 = vector.load %arg3[%swap3A_517, %swap3A_518, %swap3A_519] : memref<9x55x128xf32, #tpu.memory_space<vmem>>, vector<1x1x128xf32>
    %swap3A_521 = vector.shape_cast %swap3A_520 : vector<1x1x128xf32> to vector<128xf32>
    %swap3A_522 = vector.shape_cast %get3A_516 : vector<128xf32> to vector<1x1x128xf32>
    tpu.vector_store %arg3[%swap3A_517, %swap3A_518, %swap3A_519], %swap3A_522 {strides = array<i32>} : memref<9x55x128xf32, #tpu.memory_space<vmem>>, vector<1x1x128xf32>,
    %get3A_523 = arith.constant 0 : index
    %get3A_524 = arith.constant 47 : index
    %get3A_525 = arith.constant 0 : index
    %get3A_526 = vector.load %arg2[%get3A_523, %get3A_524, %get3A_525] : memref<1x72x128xf32, #tpu.memory_space<vmem>>, vector<1x1x128xf32>
    %get3A_527 = vector.shape_cast %get3A_526 : vector<1x1x128xf32> to vector<128xf32>
    %swap3A_528 = arith.constant 2 : index
    %swap3A_529 = arith.constant 22 : index
    %swap3A_530 = arith.constant 0 : index
    %swap3A_531 = vector.load %arg3[%swap3A_528, %swap3A_529, %swap3A_530] : memref<9x55x128xf32, #tpu.memory_space<vmem>>, vector<1x1x128xf32>
    %swap3A_532 = vector.shape_cast %swap3A_531 : vector<1x1x128xf32> to vector<128xf32>
    %swap3A_533 = vector.shape_cast %get3A_527 : vector<128xf32> to vector<1x1x128xf32>
    tpu.vector_store %arg3[%swap3A_528, %swap3A_529, %swap3A_530], %swap3A_533 {strides = array<i32>} : memref<9x55x128xf32, #tpu.memory_space<vmem>>, vector<1x1x128xf32>,
    %get3A_534 = arith.constant 0 : index
    %get3A_535 = arith.constant 48 : index
    %get3A_536 = arith.constant 0 : index
    %get3A_537 = vector.load %arg2[%get3A_534, %get3A_535, %get3A_536] : memref<1x72x128xf32, #tpu.memory_space<vmem>>, vector<1x1x128xf32>
    %get3A_538 = vector.shape_cast %get3A_537 : vector<1x1x128xf32> to vector<128xf32>
    %swap3A_539 = arith.constant 3 : index
    %swap3A_540 = arith.constant 22 : index
    %swap3A_541 = arith.constant 0 : index
    %swap3A_542 = vector.load %arg3[%swap3A_539, %swap3A_540, %swap3A_541] : memref<9x55x128xf32, #tpu.memory_space<vmem>>, vector<1x1x128xf32>
    %swap3A_543 = vector.shape_cast %swap3A_542 : vector<1x1x128xf32> to vector<128xf32>
    %swap3A_544 = vector.shape_cast %get3A_538 : vector<128xf32> to vector<1x1x128xf32>
    tpu.vector_store %arg3[%swap3A_539, %swap3A_540, %swap3A_541], %swap3A_544 {strides = array<i32>} : memref<9x55x128xf32, #tpu.memory_space<vmem>>, vector<1x1x128xf32>,
    %get3A_545 = arith.constant 0 : index
    %get3A_546 = arith.constant 49 : index
    %get3A_547 = arith.constant 0 : index
    %get3A_548 = vector.load %arg2[%get3A_545, %get3A_546, %get3A_547] : memref<1x72x128xf32, #tpu.memory_space<vmem>>, vector<1x1x128xf32>
    %get3A_549 = vector.shape_cast %get3A_548 : vector<1x1x128xf32> to vector<128xf32>
    %swap3A_550 = arith.constant 4 : index
    %swap3A_551 = arith.constant 22 : index
    %swap3A_552 = arith.constant 0 : index
    %swap3A_553 = vector.load %arg3[%swap3A_550, %swap3A_551, %swap3A_552] : memref<9x55x128xf32, #tpu.memory_space<vmem>>, vector<1x1x128xf32>
    %swap3A_554 = vector.shape_cast %swap3A_553 : vector<1x1x128xf32> to vector<128xf32>
    %swap3A_555 = vector.shape_cast %get3A_549 : vector<128xf32> to vector<1x1x128xf32>
    tpu.vector_store %arg3[%swap3A_550, %swap3A_551, %swap3A_552], %swap3A_555 {strides = array<i32>} : memref<9x55x128xf32, #tpu.memory_space<vmem>>, vector<1x1x128xf32>,
    %get3A_556 = arith.constant 0 : index
    %get3A_557 = arith.constant 50 : index
    %get3A_558 = arith.constant 0 : index
    %get3A_559 = vector.load %arg2[%get3A_556, %get3A_557, %get3A_558] : memref<1x72x128xf32, #tpu.memory_space<vmem>>, vector<1x1x128xf32>
    %get3A_560 = vector.shape_cast %get3A_559 : vector<1x1x128xf32> to vector<128xf32>
    %swap3A_561 = arith.constant 5 : index
    %swap3A_562 = arith.constant 22 : index
    %swap3A_563 = arith.constant 0 : index
    %swap3A_564 = vector.load %arg3[%swap3A_561, %swap3A_562, %swap3A_563] : memref<9x55x128xf32, #tpu.memory_space<vmem>>, vector<1x1x128xf32>
    %swap3A_565 = vector.shape_cast %swap3A_564 : vector<1x1x128xf32> to vector<128xf32>
    %swap3A_566 = vector.shape_cast %get3A_560 : vector<128xf32> to vector<1x1x128xf32>
    tpu.vector_store %arg3[%swap3A_561, %swap3A_562, %swap3A_563], %swap3A_566 {strides = array<i32>} : memref<9x55x128xf32, #tpu.memory_space<vmem>>, vector<1x1x128xf32>,
    %get3A_567 = arith.constant 0 : index
    %get3A_568 = arith.constant 51 : index
    %get3A_569 = arith.constant 0 : index
    %get3A_570 = vector.load %arg2[%get3A_567, %get3A_568, %get3A_569] : memref<1x72x128xf32, #tpu.memory_space<vmem>>, vector<1x1x128xf32>
    %get3A_571 = vector.shape_cast %get3A_570 : vector<1x1x128xf32> to vector<128xf32>
    %swap3A_572 = arith.constant 6 : index
    %swap3A_573 = arith.constant 22 : index
    %swap3A_574 = arith.constant 0 : index
    %swap3A_575 = vector.load %arg3[%swap3A_572, %swap3A_573, %swap3A_574] : memref<9x55x128xf32, #tpu.memory_space<vmem>>, vector<1x1x128xf32>
    %swap3A_576 = vector.shape_cast %swap3A_575 : vector<1x1x128xf32> to vector<128xf32>
    %swap3A_577 = vector.shape_cast %get3A_571 : vector<128xf32> to vector<1x1x128xf32>
    tpu.vector_store %arg3[%swap3A_572, %swap3A_573, %swap3A_574], %swap3A_577 {strides = array<i32>} : memref<9x55x128xf32, #tpu.memory_space<vmem>>, vector<1x1x128xf32>,
    %get3A_578 = arith.constant 0 : index
    %get3A_579 = arith.constant 52 : index
    %get3A_580 = arith.constant 0 : index
    %get3A_581 = vector.load %arg2[%get3A_578, %get3A_579, %get3A_580] : memref<1x72x128xf32, #tpu.memory_space<vmem>>, vector<1x1x128xf32>
    %get3A_582 = vector.shape_cast %get3A_581 : vector<1x1x128xf32> to vector<128xf32>
    %swap3A_583 = arith.constant 7 : index
    %swap3A_584 = arith.constant 22 : index
    %swap3A_585 = arith.constant 0 : index
    %swap3A_586 = vector.load %arg3[%swap3A_583, %swap3A_584, %swap3A_585] : memref<9x55x128xf32, #tpu.memory_space<vmem>>, vector<1x1x128xf32>
    %swap3A_587 = vector.shape_cast %swap3A_586 : vector<1x1x128xf32> to vector<128xf32>
    %swap3A_588 = vector.shape_cast %get3A_582 : vector<128xf32> to vector<1x1x128xf32>
    tpu.vector_store %arg3[%swap3A_583, %swap3A_584, %swap3A_585], %swap3A_588 {strides = array<i32>} : memref<9x55x128xf32, #tpu.memory_space<vmem>>, vector<1x1x128xf32>,
    %get3A_589 = arith.constant 0 : index
    %get3A_590 = arith.constant 53 : index
    %get3A_591 = arith.constant 0 : index
    %get3A_592 = vector.load %arg2[%get3A_589, %get3A_590, %get3A_591] : memref<1x72x128xf32, #tpu.memory_space<vmem>>, vector<1x1x128xf32>
    %get3A_593 = vector.shape_cast %get3A_592 : vector<1x1x128xf32> to vector<128xf32>
    %swap3A_594 = arith.constant 8 : index
    %swap3A_595 = arith.constant 22 : index
    %swap3A_596 = arith.constant 0 : index
    %swap3A_597 = vector.load %arg3[%swap3A_594, %swap3A_595, %swap3A_596] : memref<9x55x128xf32, #tpu.memory_space<vmem>>, vector<1x1x128xf32>
    %swap3A_598 = vector.shape_cast %swap3A_597 : vector<1x1x128xf32> to vector<128xf32>
    %swap3A_599 = vector.shape_cast %get3A_593 : vector<128xf32> to vector<1x1x128xf32>
    tpu.vector_store %arg3[%swap3A_594, %swap3A_595, %swap3A_596], %swap3A_599 {strides = array<i32>} : memref<9x55x128xf32, #tpu.memory_space<vmem>>, vector<1x1x128xf32>,
    %get3A_600 = arith.constant 0 : index
    %get3A_601 = arith.constant 54 : index
    %get3A_602 = arith.constant 0 : index
    %get3A_603 = vector.load %arg2[%get3A_600, %get3A_601, %get3A_602] : memref<1x72x128xf32, #tpu.memory_space<vmem>>, vector<1x1x128xf32>
    %get3A_604 = vector.shape_cast %get3A_603 : vector<1x1x128xf32> to vector<128xf32>
    %swap3A_605 = arith.constant 0 : index
    %swap3A_606 = arith.constant 23 : index
    %swap3A_607 = arith.constant 0 : index
    %swap3A_608 = vector.load %arg3[%swap3A_605, %swap3A_606, %swap3A_607] : memref<9x55x128xf32, #tpu.memory_space<vmem>>, vector<1x1x128xf32>
    %swap3A_609 = vector.shape_cast %swap3A_608 : vector<1x1x128xf32> to vector<128xf32>
    %swap3A_610 = vector.shape_cast %get3A_604 : vector<128xf32> to vector<1x1x128xf32>
    tpu.vector_store %arg3[%swap3A_605, %swap3A_606, %swap3A_607], %swap3A_610 {strides = array<i32>} : memref<9x55x128xf32, #tpu.memory_space<vmem>>, vector<1x1x128xf32>,
    %get3A_611 = arith.constant 0 : index
    %get3A_612 = arith.constant 55 : index
    %get3A_613 = arith.constant 0 : index
    %get3A_614 = vector.load %arg2[%get3A_611, %get3A_612, %get3A_613] : memref<1x72x128xf32, #tpu.memory_space<vmem>>, vector<1x1x128xf32>
    %get3A_615 = vector.shape_cast %get3A_614 : vector<1x1x128xf32> to vector<128xf32>
    %swap3A_616 = arith.constant 1 : index
    %swap3A_617 = arith.constant 23 : index
    %swap3A_618 = arith.constant 0 : index
    %swap3A_619 = vector.load %arg3[%swap3A_616, %swap3A_617, %swap3A_618] : memref<9x55x128xf32, #tpu.memory_space<vmem>>, vector<1x1x128xf32>
    %swap3A_620 = vector.shape_cast %swap3A_619 : vector<1x1x128xf32> to vector<128xf32>
    %swap3A_621 = vector.shape_cast %get3A_615 : vector<128xf32> to vector<1x1x128xf32>
    tpu.vector_store %arg3[%swap3A_616, %swap3A_617, %swap3A_618], %swap3A_621 {strides = array<i32>} : memref<9x55x128xf32, #tpu.memory_space<vmem>>, vector<1x1x128xf32>,
    %get3A_622 = arith.constant 0 : index
    %get3A_623 = arith.constant 56 : index
    %get3A_624 = arith.constant 0 : index
    %get3A_625 = vector.load %arg2[%get3A_622, %get3A_623, %get3A_624] : memref<1x72x128xf32, #tpu.memory_space<vmem>>, vector<1x1x128xf32>
    %get3A_626 = vector.shape_cast %get3A_625 : vector<1x1x128xf32> to vector<128xf32>
    %swap3A_627 = arith.constant 2 : index
    %swap3A_628 = arith.constant 23 : index
    %swap3A_629 = arith.constant 0 : index
    %swap3A_630 = vector.load %arg3[%swap3A_627, %swap3A_628, %swap3A_629] : memref<9x55x128xf32, #tpu.memory_space<vmem>>, vector<1x1x128xf32>
    %swap3A_631 = vector.shape_cast %swap3A_630 : vector<1x1x128xf32> to vector<128xf32>
    %swap3A_632 = vector.shape_cast %get3A_626 : vector<128xf32> to vector<1x1x128xf32>
    tpu.vector_store %arg3[%swap3A_627, %swap3A_628, %swap3A_629], %swap3A_632 {strides = array<i32>} : memref<9x55x128xf32, #tpu.memory_space<vmem>>, vector<1x1x128xf32>,
    %get3A_633 = arith.constant 0 : index
    %get3A_634 = arith.constant 57 : index
    %get3A_635 = arith.constant 0 : index
    %get3A_636 = vector.load %arg2[%get3A_633, %get3A_634, %get3A_635] : memref<1x72x128xf32, #tpu.memory_space<vmem>>, vector<1x1x128xf32>
    %get3A_637 = vector.shape_cast %get3A_636 : vector<1x1x128xf32> to vector<128xf32>
    %swap3A_638 = arith.constant 3 : index
    %swap3A_639 = arith.constant 23 : index
    %swap3A_640 = arith.constant 0 : index
    %swap3A_641 = vector.load %arg3[%swap3A_638, %swap3A_639, %swap3A_640] : memref<9x55x128xf32, #tpu.memory_space<vmem>>, vector<1x1x128xf32>
    %swap3A_642 = vector.shape_cast %swap3A_641 : vector<1x1x128xf32> to vector<128xf32>
    %swap3A_643 = vector.shape_cast %get3A_637 : vector<128xf32> to vector<1x1x128xf32>
    tpu.vector_store %arg3[%swap3A_638, %swap3A_639, %swap3A_640], %swap3A_643 {strides = array<i32>} : memref<9x55x128xf32, #tpu.memory_space<vmem>>, vector<1x1x128xf32>,
    %get3A_644 = arith.constant 0 : index
    %get3A_645 = arith.constant 58 : index
    %get3A_646 = arith.constant 0 : index
    %get3A_647 = vector.load %arg2[%get3A_644, %get3A_645, %get3A_646] : memref<1x72x128xf32, #tpu.memory_space<vmem>>, vector<1x1x128xf32>
    %get3A_648 = vector.shape_cast %get3A_647 : vector<1x1x128xf32> to vector<128xf32>
    %swap3A_649 = arith.constant 4 : index
    %swap3A_650 = arith.constant 23 : index
    %swap3A_651 = arith.constant 0 : index
    %swap3A_652 = vector.load %arg3[%swap3A_649, %swap3A_650, %swap3A_651] : memref<9x55x128xf32, #tpu.memory_space<vmem>>, vector<1x1x128xf32>
    %swap3A_653 = vector.shape_cast %swap3A_652 : vector<1x1x128xf32> to vector<128xf32>
    %swap3A_654 = vector.shape_cast %get3A_648 : vector<128xf32> to vector<1x1x128xf32>
    tpu.vector_store %arg3[%swap3A_649, %swap3A_650, %swap3A_651], %swap3A_654 {strides = array<i32>} : memref<9x55x128xf32, #tpu.memory_space<vmem>>, vector<1x1x128xf32>,
    %get3A_655 = arith.constant 0 : index
    %get3A_656 = arith.constant 59 : index
    %get3A_657 = arith.constant 0 : index
    %get3A_658 = vector.load %arg2[%get3A_655, %get3A_656, %get3A_657] : memref<1x72x128xf32, #tpu.memory_space<vmem>>, vector<1x1x128xf32>
    %get3A_659 = vector.shape_cast %get3A_658 : vector<1x1x128xf32> to vector<128xf32>
    %swap3A_660 = arith.constant 5 : index
    %swap3A_661 = arith.constant 23 : index
    %swap3A_662 = arith.constant 0 : index
    %swap3A_663 = vector.load %arg3[%swap3A_660, %swap3A_661, %swap3A_662] : memref<9x55x128xf32, #tpu.memory_space<vmem>>, vector<1x1x128xf32>
    %swap3A_664 = vector.shape_cast %swap3A_663 : vector<1x1x128xf32> to vector<128xf32>
    %swap3A_665 = vector.shape_cast %get3A_659 : vector<128xf32> to vector<1x1x128xf32>
    tpu.vector_store %arg3[%swap3A_660, %swap3A_661, %swap3A_662], %swap3A_665 {strides = array<i32>} : memref<9x55x128xf32, #tpu.memory_space<vmem>>, vector<1x1x128xf32>,
    %get3A_666 = arith.constant 0 : index
    %get3A_667 = arith.constant 60 : index
    %get3A_668 = arith.constant 0 : index
    %get3A_669 = vector.load %arg2[%get3A_666, %get3A_667, %get3A_668] : memref<1x72x128xf32, #tpu.memory_space<vmem>>, vector<1x1x128xf32>
    %get3A_670 = vector.shape_cast %get3A_669 : vector<1x1x128xf32> to vector<128xf32>
    %swap3A_671 = arith.constant 6 : index
    %swap3A_672 = arith.constant 23 : index
    %swap3A_673 = arith.constant 0 : index
    %swap3A_674 = vector.load %arg3[%swap3A_671, %swap3A_672, %swap3A_673] : memref<9x55x128xf32, #tpu.memory_space<vmem>>, vector<1x1x128xf32>
    %swap3A_675 = vector.shape_cast %swap3A_674 : vector<1x1x128xf32> to vector<128xf32>
    %swap3A_676 = vector.shape_cast %get3A_670 : vector<128xf32> to vector<1x1x128xf32>
    tpu.vector_store %arg3[%swap3A_671, %swap3A_672, %swap3A_673], %swap3A_676 {strides = array<i32>} : memref<9x55x128xf32, #tpu.memory_space<vmem>>, vector<1x1x128xf32>,
    %get3A_677 = arith.constant 0 : index
    %get3A_678 = arith.constant 61 : index
    %get3A_679 = arith.constant 0 : index
    %get3A_680 = vector.load %arg2[%get3A_677, %get3A_678, %get3A_679] : memref<1x72x128xf32, #tpu.memory_space<vmem>>, vector<1x1x128xf32>
    %get3A_681 = vector.shape_cast %get3A_680 : vector<1x1x128xf32> to vector<128xf32>
    %swap3A_682 = arith.constant 7 : index
    %swap3A_683 = arith.constant 23 : index
    %swap3A_684 = arith.constant 0 : index
    %swap3A_685 = vector.load %arg3[%swap3A_682, %swap3A_683, %swap3A_684] : memref<9x55x128xf32, #tpu.memory_space<vmem>>, vector<1x1x128xf32>
    %swap3A_686 = vector.shape_cast %swap3A_685 : vector<1x1x128xf32> to vector<128xf32>
    %swap3A_687 = vector.shape_cast %get3A_681 : vector<128xf32> to vector<1x1x128xf32>
    tpu.vector_store %arg3[%swap3A_682, %swap3A_683, %swap3A_684], %swap3A_687 {strides = array<i32>} : memref<9x55x128xf32, #tpu.memory_space<vmem>>, vector<1x1x128xf32>,
    %get3A_688 = arith.constant 0 : index
    %get3A_689 = arith.constant 62 : index
    %get3A_690 = arith.constant 0 : index
    %get3A_691 = vector.load %arg2[%get3A_688, %get3A_689, %get3A_690] : memref<1x72x128xf32, #tpu.memory_space<vmem>>, vector<1x1x128xf32>
    %get3A_692 = vector.shape_cast %get3A_691 : vector<1x1x128xf32> to vector<128xf32>
    %swap3A_693 = arith.constant 8 : index
    %swap3A_694 = arith.constant 23 : index
    %swap3A_695 = arith.constant 0 : index
    %swap3A_696 = vector.load %arg3[%swap3A_693, %swap3A_694, %swap3A_695] : memref<9x55x128xf32, #tpu.memory_space<vmem>>, vector<1x1x128xf32>
    %swap3A_697 = vector.shape_cast %swap3A_696 : vector<1x1x128xf32> to vector<128xf32>
    %swap3A_698 = vector.shape_cast %get3A_692 : vector<128xf32> to vector<1x1x128xf32>
    tpu.vector_store %arg3[%swap3A_693, %swap3A_694, %swap3A_695], %swap3A_698 {strides = array<i32>} : memref<9x55x128xf32, #tpu.memory_space<vmem>>, vector<1x1x128xf32>,
    %get3A_699 = arith.constant 0 : index
    %get3A_700 = arith.constant 63 : index
    %get3A_701 = arith.constant 0 : index
    %get3A_702 = vector.load %arg2[%get3A_699, %get3A_700, %get3A_701] : memref<1x72x128xf32, #tpu.memory_space<vmem>>, vector<1x1x128xf32>
    %get3A_703 = vector.shape_cast %get3A_702 : vector<1x1x128xf32> to vector<128xf32>
    %swap3A_704 = arith.constant 0 : index
    %swap3A_705 = arith.constant 24 : index
    %swap3A_706 = arith.constant 0 : index
    %swap3A_707 = vector.load %arg3[%swap3A_704, %swap3A_705, %swap3A_706] : memref<9x55x128xf32, #tpu.memory_space<vmem>>, vector<1x1x128xf32>
    %swap3A_708 = vector.shape_cast %swap3A_707 : vector<1x1x128xf32> to vector<128xf32>
    %swap3A_709 = vector.shape_cast %get3A_703 : vector<128xf32> to vector<1x1x128xf32>
    tpu.vector_store %arg3[%swap3A_704, %swap3A_705, %swap3A_706], %swap3A_709 {strides = array<i32>} : memref<9x55x128xf32, #tpu.memory_space<vmem>>, vector<1x1x128xf32>,
    %get3A_710 = arith.constant 0 : index
    %get3A_711 = arith.constant 64 : index
    %get3A_712 = arith.constant 0 : index
    %get3A_713 = vector.load %arg2[%get3A_710, %get3A_711, %get3A_712] : memref<1x72x128xf32, #tpu.memory_space<vmem>>, vector<1x1x128xf32>
    %get3A_714 = vector.shape_cast %get3A_713 : vector<1x1x128xf32> to vector<128xf32>
    %swap3A_715 = arith.constant 1 : index
    %swap3A_716 = arith.constant 24 : index
    %swap3A_717 = arith.constant 0 : index
    %swap3A_718 = vector.load %arg3[%swap3A_715, %swap3A_716, %swap3A_717] : memref<9x55x128xf32, #tpu.memory_space<vmem>>, vector<1x1x128xf32>
    %swap3A_719 = vector.shape_cast %swap3A_718 : vector<1x1x128xf32> to vector<128xf32>
    %swap3A_720 = vector.shape_cast %get3A_714 : vector<128xf32> to vector<1x1x128xf32>
    tpu.vector_store %arg3[%swap3A_715, %swap3A_716, %swap3A_717], %swap3A_720 {strides = array<i32>} : memref<9x55x128xf32, #tpu.memory_space<vmem>>, vector<1x1x128xf32>,
    %get3A_721 = arith.constant 0 : index
    %get3A_722 = arith.constant 65 : index
    %get3A_723 = arith.constant 0 : index
    %get3A_724 = vector.load %arg2[%get3A_721, %get3A_722, %get3A_723] : memref<1x72x128xf32, #tpu.memory_space<vmem>>, vector<1x1x128xf32>
    %get3A_725 = vector.shape_cast %get3A_724 : vector<1x1x128xf32> to vector<128xf32>
    %swap3A_726 = arith.constant 2 : index
    %swap3A_727 = arith.constant 24 : index
    %swap3A_728 = arith.constant 0 : index
    %swap3A_729 = vector.load %arg3[%swap3A_726, %swap3A_727, %swap3A_728] : memref<9x55x128xf32, #tpu.memory_space<vmem>>, vector<1x1x128xf32>
    %swap3A_730 = vector.shape_cast %swap3A_729 : vector<1x1x128xf32> to vector<128xf32>
    %swap3A_731 = vector.shape_cast %get3A_725 : vector<128xf32> to vector<1x1x128xf32>
    tpu.vector_store %arg3[%swap3A_726, %swap3A_727, %swap3A_728], %swap3A_731 {strides = array<i32>} : memref<9x55x128xf32, #tpu.memory_space<vmem>>, vector<1x1x128xf32>,
    %get3A_732 = arith.constant 0 : index
    %get3A_733 = arith.constant 66 : index
    %get3A_734 = arith.constant 0 : index
    %get3A_735 = vector.load %arg2[%get3A_732, %get3A_733, %get3A_734] : memref<1x72x128xf32, #tpu.memory_space<vmem>>, vector<1x1x128xf32>
    %get3A_736 = vector.shape_cast %get3A_735 : vector<1x1x128xf32> to vector<128xf32>
    %swap3A_737 = arith.constant 3 : index
    %swap3A_738 = arith.constant 24 : index
    %swap3A_739 = arith.constant 0 : index
    %swap3A_740 = vector.load %arg3[%swap3A_737, %swap3A_738, %swap3A_739] : memref<9x55x128xf32, #tpu.memory_space<vmem>>, vector<1x1x128xf32>
    %swap3A_741 = vector.shape_cast %swap3A_740 : vector<1x1x128xf32> to vector<128xf32>
    %swap3A_742 = vector.shape_cast %get3A_736 : vector<128xf32> to vector<1x1x128xf32>
    tpu.vector_store %arg3[%swap3A_737, %swap3A_738, %swap3A_739], %swap3A_742 {strides = array<i32>} : memref<9x55x128xf32, #tpu.memory_space<vmem>>, vector<1x1x128xf32>,
    %get3A_743 = arith.constant 0 : index
    %get3A_744 = arith.constant 67 : index
    %get3A_745 = arith.constant 0 : index
    %get3A_746 = vector.load %arg2[%get3A_743, %get3A_744, %get3A_745] : memref<1x72x128xf32, #tpu.memory_space<vmem>>, vector<1x1x128xf32>
    %get3A_747 = vector.shape_cast %get3A_746 : vector<1x1x128xf32> to vector<128xf32>
    %swap3A_748 = arith.constant 4 : index
    %swap3A_749 = arith.constant 24 : index
    %swap3A_750 = arith.constant 0 : index
    %swap3A_751 = vector.load %arg3[%swap3A_748, %swap3A_749, %swap3A_750] : memref<9x55x128xf32, #tpu.memory_space<vmem>>, vector<1x1x128xf32>
    %swap3A_752 = vector.shape_cast %swap3A_751 : vector<1x1x128xf32> to vector<128xf32>
    %swap3A_753 = vector.shape_cast %get3A_747 : vector<128xf32> to vector<1x1x128xf32>
    tpu.vector_store %arg3[%swap3A_748, %swap3A_749, %swap3A_750], %swap3A_753 {strides = array<i32>} : memref<9x55x128xf32, #tpu.memory_space<vmem>>, vector<1x1x128xf32>,
    %get3A_754 = arith.constant 0 : index
    %get3A_755 = arith.constant 68 : index
    %get3A_756 = arith.constant 0 : index
    %get3A_757 = vector.load %arg2[%get3A_754, %get3A_755, %get3A_756] : memref<1x72x128xf32, #tpu.memory_space<vmem>>, vector<1x1x128xf32>
    %get3A_758 = vector.shape_cast %get3A_757 : vector<1x1x128xf32> to vector<128xf32>
    %swap3A_759 = arith.constant 5 : index
    %swap3A_760 = arith.constant 24 : index
    %swap3A_761 = arith.constant 0 : index
    %swap3A_762 = vector.load %arg3[%swap3A_759, %swap3A_760, %swap3A_761] : memref<9x55x128xf32, #tpu.memory_space<vmem>>, vector<1x1x128xf32>
    %swap3A_763 = vector.shape_cast %swap3A_762 : vector<1x1x128xf32> to vector<128xf32>
    %swap3A_764 = vector.shape_cast %get3A_758 : vector<128xf32> to vector<1x1x128xf32>
    tpu.vector_store %arg3[%swap3A_759, %swap3A_760, %swap3A_761], %swap3A_764 {strides = array<i32>} : memref<9x55x128xf32, #tpu.memory_space<vmem>>, vector<1x1x128xf32>,
    %get3A_765 = arith.constant 0 : index
    %get3A_766 = arith.constant 69 : index
    %get3A_767 = arith.constant 0 : index
    %get3A_768 = vector.load %arg2[%get3A_765, %get3A_766, %get3A_767] : memref<1x72x128xf32, #tpu.memory_space<vmem>>, vector<1x1x128xf32>
    %get3A_769 = vector.shape_cast %get3A_768 : vector<1x1x128xf32> to vector<128xf32>
    %swap3A_770 = arith.constant 6 : index
    %swap3A_771 = arith.constant 24 : index
    %swap3A_772 = arith.constant 0 : index
    %swap3A_773 = vector.load %arg3[%swap3A_770, %swap3A_771, %swap3A_772] : memref<9x55x128xf32, #tpu.memory_space<vmem>>, vector<1x1x128xf32>
    %swap3A_774 = vector.shape_cast %swap3A_773 : vector<1x1x128xf32> to vector<128xf32>
    %swap3A_775 = vector.shape_cast %get3A_769 : vector<128xf32> to vector<1x1x128xf32>
    tpu.vector_store %arg3[%swap3A_770, %swap3A_771, %swap3A_772], %swap3A_775 {strides = array<i32>} : memref<9x55x128xf32, #tpu.memory_space<vmem>>, vector<1x1x128xf32>,
    %get3A_776 = arith.constant 0 : index
    %get3A_777 = arith.constant 70 : index
    %get3A_778 = arith.constant 0 : index
    %get3A_779 = vector.load %arg2[%get3A_776, %get3A_777, %get3A_778] : memref<1x72x128xf32, #tpu.memory_space<vmem>>, vector<1x1x128xf32>
    %get3A_780 = vector.shape_cast %get3A_779 : vector<1x1x128xf32> to vector<128xf32>
    %swap3A_781 = arith.constant 7 : index
    %swap3A_782 = arith.constant 24 : index
    %swap3A_783 = arith.constant 0 : index
    %swap3A_784 = vector.load %arg3[%swap3A_781, %swap3A_782, %swap3A_783] : memref<9x55x128xf32, #tpu.memory_space<vmem>>, vector<1x1x128xf32>
    %swap3A_785 = vector.shape_cast %swap3A_784 : vector<1x1x128xf32> to vector<128xf32>
    %swap3A_786 = vector.shape_cast %get3A_780 : vector<128xf32> to vector<1x1x128xf32>
    tpu.vector_store %arg3[%swap3A_781, %swap3A_782, %swap3A_783], %swap3A_786 {strides = array<i32>} : memref<9x55x128xf32, #tpu.memory_space<vmem>>, vector<1x1x128xf32>,
    %get3A_787 = arith.constant 0 : index
    %get3A_788 = arith.constant 71 : index
    %get3A_789 = arith.constant 0 : index
    %get3A_790 = vector.load %arg2[%get3A_787, %get3A_788, %get3A_789] : memref<1x72x128xf32, #tpu.memory_space<vmem>>, vector<1x1x128xf32>
    %get3A_791 = vector.shape_cast %get3A_790 : vector<1x1x128xf32> to vector<128xf32>
    %swap3A_792 = arith.constant 8 : index
    %swap3A_793 = arith.constant 24 : index
    %swap3A_794 = arith.constant 0 : index
    %swap3A_795 = vector.load %arg3[%swap3A_792, %swap3A_793, %swap3A_794] : memref<9x55x128xf32, #tpu.memory_space<vmem>>, vector<1x1x128xf32>
    %swap3A_796 = vector.shape_cast %swap3A_795 : vector<1x1x128xf32> to vector<128xf32>
    %swap3A_797 = vector.shape_cast %get3A_791 : vector<128xf32> to vector<1x1x128xf32>
    tpu.vector_store %arg3[%swap3A_792, %swap3A_793, %swap3A_794], %swap3A_797 {strides = array<i32>} : memref<9x55x128xf32, #tpu.memory_space<vmem>>, vector<1x1x128xf32>,
    return
  }
  func.func @transform_0(%arg0: i32) -> (i32, i32, i32) {
    %c0_i32 = arith.constant 0 : i32
    %c0_i32_0 = arith.constant 0 : i32
    %c0_i32_1 = arith.constant 0 : i32
    return %c0_i32, %c0_i32_0, %arg0 : i32, i32, i32
  }
  func.func @transform_1(%arg0: i32) -> (i32, i32, i32) {
    %c0_i32 = arith.constant 0 : i32
    %c0_i32_0 = arith.constant 0 : i32
    %c0_i32_1 = arith.constant 0 : i32
    return %arg0, %c0_i32, %c0_i32_0 : i32, i32, i32
  }
  func.func @transform_2(%arg0: i32) -> (i32, i32, i32) {
    %c0_i32 = arith.constant 0 : i32
    %c0_i32_0 = arith.constant 0 : i32
    %c0_i32_1 = arith.constant 0 : i32
    return %c0_i32, %c0_i32_0, %arg0 : i32, i32, i32
  }
}

</mosaic_0001>

<sc_bundles>
// kernel: kernel.4.cloned.1.call-start
scs
__scs_entry_jumppad:
0x0: {  	(pc) =	sbr.rel $0x88, $3  }
0x1: {  	(tag) =	ssettag $0x0;
	lr =	simm.s32 $0x1  }
0x2: {  	[smem:$0x3F9B] =	sst lr;
	_ =	strace $0xD0000000  }
0x3: {  	_ = 	snop  }
0x4: {  	_ = 	snop  }
0x5: {  	_ = 	snop  }
0x6: {  	_ = 	snop  }
0x7: {  	_ = 	snop  }
__scs_overlays_trampoline_lowered:
0x8: {  	[smem:$0x3FAA] =	sst s0  }
0x9: {  	[smem:$0x3FAB] =	sst s1  }
0xa: {  	[smem:$0x3FAC] =	sst s2  }
0xb: {  	[smem:$0x3FAD] =	sst s3  }
0xc: {  	[smem:$0x3FAE] =	sst s4  }
0xd: {  	[smem:$0x3FAF] =	sst s5  }
0xe: {  	[smem:$0x3FB0] =	sst s6  }
0xf: {  	[smem:$0x3FB1] =	sst s7  }
0x10: {  	[smem:$0x3FB2] =	sst s8  }
0x11: {  	[smem:$0x3FB3] =	sst s9;
	s0 =	simm.s32 @!p0 $0x0  }
0x12: {  	s1 =	sld [smem:$0x3F99];
	s0 =	simm.s32 @p0 $0x1  }
0x13: {  	[smem:$0x3FB4] =	sst s0;
	s0 =	simm.s32 @!p1 $0x0  }
0x14: {  	s2 =	sld [smem:$0x3F98];
	s0 =	simm.s32 @p1 $0x1  }
0x15: {  	[smem:$0x3FB5] =	sst s0;
	s0 =	simm.s32 @!p2 $0x0  }
0x16: {  	s3 =	sld [smem:$0x3FDB];
	s0 =	simm.s32 @p2 $0x1  }
0x17: {  	s4 =	simm.s32 $0x1BF5;
	[smem:$0x3FB7] =	sst s0  }
0x18: {  	s0 =	sld [smem:$0x3F9A];
	_ =	swait.ge [sflag:s4], $0x0  }
0x19: {  	s7 =	sld [smem:$0x3F9B]  }
0x1a: {  	s8 =	sadd.s32 $0xFFFFE003, lr  }
0x1b: {  	s9 =	sadd.s32 $0xFFFFFEF7, lr;
	s5 =	simm.s32 $0xFFFFFFFF;
	p2 =	slt.u32 s8, $0xFFFFF086  }
0x1c: {  	p1 =	slt.u32 s9, $0xF7A;
	s5 =	simm.s32 @!p2 $0x0  }
0x1d: {  	s5 =	simm.s32 @p1 $0x1;
	p0 =	seq.s32 s7, s2  }
0x1e: {  	s7 =	smul.u32 @!p0 $0xF7A, s2;
	p2 =	seq.s32 @!p0 s5, $0x0  }
0x1f: {  	s9 =	smul.u32 $0xF7A, s1;
	s8 =	simm.s32 @!p0 $0x1BF5;
	p2 =	por !p2, p0  }
0x20: {  	[sflag:s8] =	ssyncset.s32 @!p0 $0xFFFFF086;
	s6 =	sadd.s32 @!p0 s3, s7;
	s7 =	simm.s32 @!p0 $0x108  }
0x21: {  	s3 =	sadd.s32 s3, s9;
	s6 =	sadd.s32 @!p0 $0x88, s6;
	s7 =	simm.s32 @p2 $0x1082  }
0x22: {  	[simem:s7], [sflag:s8] =	dma.local @!p0 [hbm:s6], $0xF7A  }
0x23: {  	s9 =	sor.u32 $0xD0000000, s2;
	s6 =	simm.s32 $0x108;
	_ =	swait.ge @!p0 [sflag:s8], $0x0  }
0x24: {  	s3 =	sadd.s32 $0x88, s3;
	s6 =	simm.s32 @!p1 $0x1082;
	[sflag:s4] =	ssyncset.s32 $0xFFFFF086  }
0x25: {  	[simem:s6], [sflag:s4] =	dma.local [hbm:s3], $0xF7A  }
0x26: {  	[smem:$0x3F9B] =	sst s1;
	(tag) =	ssettag s2;
	_ =	strace s9  }
0x27: {  	s1 =	sld [smem:$0x3FAB]  }
0x28: {  	s2 =	sld [smem:$0x3FAC]  }
0x29: {  	s4 =	sld [smem:$0x3FAE]  }
0x2a: {  	p0 =	seq.s32 s5, $0x0;
	s5 =	sld [smem:$0x3FAF]  }
0x2b: {  	s6 =	sld [smem:$0x3FB0]  }
0x2c: {  	s7 =	sld [smem:$0x3FB1]  }
0x2d: {  	s3 =	simm.s32 $0x108;
	s8 =	sld [smem:$0x3FB2]  }
0x2e: {  	s3 =	simm.s32 @!p0 $0x1082;
	s9 =	sld [smem:$0x3FB3]  }
0x2f: {  	lr =	sadd.s32 s0, s3;
	s0 =	sld [smem:$0x3FAA]  }
0x30: {  	s3 =	sld [smem:$0x3FAD]  }
0x31: {  	[smem:$0x3FB6] =	sst s10  }
0x32: {  	s10 =	sld [smem:$0x3FB4];
	_ =	sdelay $0x3  }
0x33: {  	p0 =	seq.s32 s10, $0x1;
	s10 =	sld [smem:$0x3FB6];
	_ =	sdelay $0x3  }
0x34: {  	[smem:$0x3FB6] =	sst s10  }
0x35: {  	s10 =	sld [smem:$0x3FB5];
	_ =	sdelay $0x3  }
0x36: {  	p1 =	seq.s32 s10, $0x1;
	s10 =	sld [smem:$0x3FB6];
	_ =	sdelay $0x3  }
0x37: {  	[smem:$0x3FB6] =	sst s10  }
0x38: {  	s10 =	sld [smem:$0x3FB7]  }
0x39: {  	_ = 	snop;
	(pc) =	sbr.ind lr, $3  }
0x3a: {  	_ = 	snop  }
0x3b: {  	_ = 	snop  }
0x3c: {  	p2 =	seq.s32 s10, $0x1;
	s10 =	sld [smem:$0x3FB6]  }
0x3d: {  	_ =	shalt  }
0x3e: {  	_ =	shalt  }
0x3f: {  	_ =	shalt  }
0x40: {  	_ =	shalt  }
0x41: {  	_ =	shalt  }
0x42: {  	_ =	shalt  }
0x43: {  	_ =	shalt  }
0x44: {  	_ =	shalt  }
0x45: {  	_ =	shalt  }
0x46: {  	_ =	shalt  }
0x47: {  	_ =	shalt  }
0x48: {  	_ =	shalt  }
0x49: {  	_ =	shalt  }
0x4a: {  	_ =	shalt  }
0x4b: {  	_ =	shalt  }
0x4c: {  	_ =	shalt  }
0x4d: {  	_ =	shalt  }
0x4e: {  	_ =	shalt  }
0x4f: {  	_ =	shalt  }
0x50: {  	_ =	shalt  }
0x51: {  	_ =	shalt  }
0x52: {  	_ =	shalt  }
0x53: {  	_ =	shalt  }
0x54: {  	_ =	shalt  }
0x55: {  	_ =	shalt  }
0x56: {  	_ =	shalt  }
0x57: {  	_ =	shalt  }
0x58: {  	_ =	shalt  }
0x59: {  	_ =	shalt  }
0x5a: {  	_ =	shalt  }
0x5b: {  	_ =	shalt  }
0x5c: {  	_ =	shalt  }
0x5d: {  	_ =	shalt  }
0x5e: {  	_ =	shalt  }
0x5f: {  	_ =	shalt  }
0x60: {  	_ =	shalt  }
0x61: {  	_ =	shalt  }
0x62: {  	_ =	shalt  }
0x63: {  	_ =	shalt  }
0x64: {  	_ =	shalt  }
0x65: {  	_ =	shalt  }
0x66: {  	_ =	shalt  }
0x67: {  	_ =	shalt  }
0x68: {  	_ =	shalt  }
0x69: {  	_ =	shalt  }
0x6a: {  	_ =	shalt  }
0x6b: {  	_ =	shalt  }
0x6c: {  	_ =	shalt  }
0x6d: {  	_ =	shalt  }
0x6e: {  	_ =	shalt  }
0x6f: {  	_ =	shalt  }
0x70: {  	_ =	shalt  }
0x71: {  	_ =	shalt  }
0x72: {  	_ =	shalt  }
0x73: {  	_ =	shalt  }
0x74: {  	_ =	shalt  }
0x75: {  	_ =	shalt  }
0x76: {  	_ =	shalt  }
0x77: {  	_ =	shalt  }
0x78: {  	_ =	shalt  }
0x79: {  	_ =	shalt  }
0x7a: {  	_ =	shalt  }
0x7b: {  	_ =	shalt  }
0x7c: {  	_ =	shalt  }
0x7d: {  	_ =	shalt  }
0x7e: {  	_ =	shalt  }
0x7f: {  	_ =	shalt  }
0x80: {  	_ =	shalt  }
0x81: {  	_ =	shalt  }
0x82: {  	_ =	shalt  }
0x83: {  	_ =	shalt  }
0x84: {  	_ =	shalt  }
0x85: {  	_ =	shalt  }
0x86: {  	_ =	shalt  }
0x87: {  	_ =	shalt  }
.Lfunc_end0:
.L_simem_size_0:
called_computation_lowered:
.L_overlay_start_0:
0x88: {  	s2 =	sld [smem:$0x3FD9]  }
0x89: {  	s3 =	sld [smem:$0x3FFE];
	_ =	sdelay $0x1  }
0x8a: {  	s1 =	srdreg.scid  }
0x8b: {  	s0 =	sand.u32 $0x1, s1  }
0x8c: {  	s14 =	sshll.u32 s0, $0xA;
	s2 =	sadd.s32 s3, s2  }
0x8d: {  	s2 =	sadd.s32 s2, s14  }
0x8e: {  	[smem:$0x3FC2] =	sst s2  }
0x8f: {  	_ = 	snop  }
0x90: {  	s2 =	sld [smem:$0x3FD0];
	_ =	sdelay $0x2  }
0x91: {  	s4 =	simm.s32 $0xA;
	s5 =	simm.s32 $0x10;
	s15 =	sld [smem:$0x3FC4]  }
0x92: {  	[smem:s5], [sflag:s4] =	dma.local [hbm:s2], $0x1  }
0x93: {  	_ =	swait.eq [sflag:s4], $0x1  }
0x94: {  	s16 =	sld [smem:$0x10];
	[sflag:s4] =	ssyncset.done $0x0  }
0x95: {  	s17 =	sld [smem:$0x12];
	[sflag:s4] =	ssyncadd.s32 $0xFFFFFFFF  }
0x96: {  	s18 =	sld [smem:$0x13];
	(tm) =	ssettm $0x1  }
0x97: {  	s6 =	sld [smem:$0x3FFB];
	_ =	sdelay $0x3  }
0x98: {  	_ =	strace s6  }
0x99: {  	s6 =	sld [smem:$0x3FFC];
	_ =	sdelay $0x3  }
0x9a: {  	_ =	strace s6  }
0x9b: {  	s6 =	sld [smem:$0x3FFD];
	_ =	sdelay $0x3  }
0x9c: {  	_ =	strace s6  }
0x9d: {  	_ =	strace $0x8FFFFFFF  }
0x9e: {  	s19 =	sld [smem:$0x3FDB];
	_ =	sdelay $0x1  }
0x9f: {  	s7 =	simm.s32 $_scs_section_size  }
0xa0: {  	s8 =	simm.s32 $_size__tile_overlayer_lowered;
	s9 =	simm.s32 $_tile_overlayer_lowered  }
0xa1: {  	s22 =	simm.s32 $0x1BFF;
	s21 =	sshll.u32 s9, $0x1;
	s6 =	sadd.s32 s7, s19  }
0xa2: {  	s10 =	simm.s32 $0x0;
	s20 =	sshll.u32 s8, $0x1;
	s8 =	sadd.s32 s21, s6  }
0xa3: {  	[timem:s10], [sflag:s22] =	dma.local [hbm:s8], s20  }
0xa4: {  	_ =	swait.ge [sflag:s22], s20  }
0xa5: {  	s7 =	ssub.s32 $0x0, s20;
	[sflag:s22] =	ssyncset.done $0x0  }
0xa6: {  	[sflag:s22] =	ssyncadd.s32 s7;
	_ =	sdelay $0x1  }
0xa7: {  	s23 =	simm.s32 $0x1B8B  }
0xa8: {  	_ =	swait.ge [sflag:s23], $0x1  }
0xa9: {  	[sflag:s23] =	ssyncset.done $0x0  }
0xaa: {  	s25 =	simm.s32 $0x1B8E;
	s24 =	sld [smem:$0x3FFE];
	[sflag:s23] =	ssyncadd.s32 $0xFFFFFFFF  }
0xab: {  	s26 =	simm.s32 $execute0_lowered;
	[smem:$0x3FD2] =	sst s25  }
0xac: {  	s8 =	sshll.u32 s26, $0x1;
	_ =	strace $0x80000046;
	[dreg:$0x1] =	wrdreg $0xFFFFFFFF  }
0xad: {  	s28 =	simm.s32 $_size_execute0_lowered;
	s6 =	sadd.s32 s6, s8;
	[dreg:$0x0] =	wrdreg $0x0  }
0xae: {  	s8 =	sshll.u32 s28, $0x1;
	[dreg:$0x2] =	wrdreg s6  }
0xaf: {  	[dreg:$0x3] =	wrdreg s8  }
0xb0: {  	[dreg:$0x4] =	wrdreg $0xC0  }
0xb1: {  	_ =	task [dreg:s10], $0x5FFFF  }
0xb2: {  	[dreg:$0x1] =	wrdreg $0xFFFFFFFF  }
0xb3: {  	[dreg:$0x0] =	wrdreg $0x60  }
0xb4: {  	[dreg:$0x2] =	wrdreg s24  }
0xb5: {  	[dreg:$0x3] =	wrdreg s15  }
0xb6: {  	[dreg:$0x4] =	wrdreg s16  }
0xb7: {  	[dreg:$0x5] =	wrdreg s17  }
0xb8: {  	[dreg:$0x6] =	wrdreg s18  }
0xb9: {  	[dreg:$0x7] =	wrdreg $0x9  }
0xba: {  	_ =	task.clear_ibuf [dreg:s10], $0x8FFFF;
	_ =	strace $0x90000046  }
0xbb: {  	s29 =	simm.s32 $0x9;
	_ =	strace $0x80000048  }
0xbc: {  	_ =	swait.ge [sflag:s29], $0x1  }
0xbd: {  	[sflag:s29] =	ssyncadd.s32 $0xFFFFFFFF  }
0xbe: {  	_ =	strace $0x90000048  }
0xbf: {  	_ =	sfence  }
0xc0: {  	s30 =	sld [smem:$0x0];
	_ =	sdelay $0x2  }
0xc1: {  	s31 =	sshll.u32 s1, $0xD;
	s1 =	sshrl.u32 s1, $0x2  }
0xc2: {  	s3 =	sand.u32 $0x4000, s31;
	s1 =	sadd.s32 s1, s30  }
0xc3: {  	s0 =	sor.u32 s3, s0;
	s1 =	sshll.u32 s1, $0x11  }
0xc4: {  	s0 =	sor.u32 s1, s0  }
0xc5: {  	s0 =	sadd.s32 $0x8F2B, s0  }
0xc6: {  	[sflag:s0] =	ssyncadd.remote.s32 $0x1  }
0xc7: {  	_ =	sfence.sel $0xFFFF  }
0xc8: {  	[dreg:$0x0] =	wrdreg $0xFFFFFFFF;
	(pc) =	sbr.abs _section_cstart, $3  }
0xc9: {  	[dreg:$0x1] =	wrdreg $0xFFFFFFFF  }
0xca: {  	_ =	task.clear_ibuf [dreg:s10], $0x2FFFF;
	_ =	strace $0x9FFFFFFF  }
0xcb: {  	(tm) =	ssettm $0x7FFFFFFF  }
tec
execute0_lowered:
.L_overlay_start_1:
0x0: {  	(tag) =	ssettag $0x1  }
0x1: {  	s5 =	rddreg [dreg:$0x0]  }
0x2: {  	s6 =	rddreg [dreg:$0x1]  }
0x3: {  	s7 =	rddreg [dreg:$0x2]  }
0x4: {  	s9 =	rddreg [dreg:$0x3]  }
0x5: {  	s8 =	rddreg [dreg:$0x4]  }
0x6: {  	s0 =	rddreg [dreg:$0x5];
	s2 =	simm.s32 $0x0;
	s3 =	srdreg.scid  }
0x7: {  	s1 =	stileid.u32;
	s15 =	simm.s32 $0x5480;
	s16 =	simm.s32 $0x2  }
0x8: {  	s17 =	simm.s32 $0x0;
	[smem:$0x7FF] =	sst s2;
	s4 =	sand.u32 $0x1, s3  }
0x9: {  	s29 =	sshll.u32 s1, $0x1;
	s3 =	sadd.s32 $0x2600, s5;
	_ =	strace $0x80000047  }
0xa: {  	s10 =	sor.u32 s4, s29;
	s12 =	ssub.s32 $0x2, s4;
	s4 =	sadd.s32 $0xC5C00, s5  }
0xb: {  	s11 =	sshll.u32 s10, $0x7;
	s30 =	sshrl.u32 s12, $0x1;
	s13 =	smul.u32 $0x480, s10  }
0xc: {  	s31 =	sshll.u32 s10, $0x4;
	s14 =	sshll.u32 s10, $0x9;
	s10 =	smul.u32 $0x680, s10  }
0xd: {  	s11 =	sadd.s32 s11, s5;
	s12 =	ssub.s32 s12, s30;
	s5 =	sadd.s32 s6, s31  }
0xe: {  	s8 =	sadd.s32 s8, s14;
	s14 =	simm.s32 $0x1;
	s6 =	sadd.s32 s7, s13  }
0xf: {  	v0 =	vlaneseq.u32;
	s7 =	sadd.s32 $0x203400, s11;
	s9 =	sadd.s32 s9, s10;
	s10 =	smax.u32 s12, $0x1  }
0x10: {  	v0 =	vmul.u32 $0x40, v0;
	s11 =	simm.s32 $0x3;
	s12 =	simm.s32 $0x80;
	s13 =	simm.s32 $0x2080  }
.LBB2_1:
0x11: {  	[tilespmem:s2], [sflag:$0x3] =	stream.linear.gather [hbm4b:s5+s2], $0x80, $0x38;
	[tilespmem:$0x7880] =	vst v63  }
0x12: {  	_ =	swait.ge [sflag:s11], $0x80  }
0x13: {  	[sflag:s11] =	ssyncset.done $0x0  }
0x14: {  	[sflag:s11] =	ssyncadd.s32 $0xFFFFFF80  }
0x15: {  	[tilespmem:s12], [sflag:$0x1] =	stream.indirect.gather [hbm4b:s3+s12], $0x40, s2, s12, $0xb8;
	[tilespmem:$0x7880] =	vst v63  }
0x16: {  	_ = 	snop  }
0x17: {  	[tilespmem:s13], [sflag:$0x2] =	stream.indirect.gather [hbm4b:s4+s12], $0x68, s2, s12, $0xb8;
	[tilespmem:$0x7880] =	vst v63  }
0x18: {  	_ =	swait.ge [sflag:s14], $0x2000  }
0x19: {  	[sflag:s14] =	ssyncset.done $0x0  }
0x1a: {  	s18 =	simm.s32 $0x6680;
	s19 =	simm.s32 $0x0;
	[sflag:s14] =	ssyncadd.s32 $0xFFFFE000  }
.LBB2_2:
0x1b: {  	v1 =	vmov s19  }
0x1c: {  	v1 =	vshll.u32 v1, $0x6  }
0x1d: {  	v1 =	vor.u32 v0, v1  }
0x1e: {  	v2 =	vor.u32 $0x1, v1;
	_ =	sdelay $0x1  }
0x1f: {  	v3 =	vor.u32 $0x2, v1;
	_ =	sdelay $0x1  }
0x20: {  	v4 =	vld.idx.msk [tilespmem:v1+s12+$0x0], $0xffff  }
0x21: {  	v2 =	vld.idx.msk [tilespmem:v2+s12+$0x0], $0xffff;
	_ =	sdelay $0x1  }
0x22: {  	v3 =	vld.idx.msk [tilespmem:v3+s12+$0x0], $0xffff;
	_ =	sdelay $0x2  }
0x23: {  	v5 =	vmul.f32 v4, v4;
	v6 =	vmul.f32 v2, v2;
	_ =	sdelay $0x1  }
0x24: {  	v16 =	vmul.f32 v3, v3;
	v5 =	vadd.f32 v6, v5;
	_ =	sdelay $0x1  }
0x25: {  	v5 =	vadd.f32 v16, v5;
	_ =	sdelay $0x1  }
0x26: {  	v6 =	vmul.f32 $1.147074540e-11, v5;
	_ =	sdelay $0x1  }
0x27: {  	v8 =	vmul.f32 $1.605904440e-10, v5;
	v7 =	vsub.f32 $2.087675590e-09, v6;
	v6 =	vadd.f32 $-2.087675590e-09, v6;
	_ =	sdelay $0x1  }
0x28: {  	v8 =	vadd.f32 $-2.505210790e-08, v8;
	v7 =	vmul.f32 v7, v5;
	v6 =	vmul.f32 v6, v5;
	_ =	sdelay $0x1  }
0x29: {  	v8 =	vmul.f32 v8, v5;
	v7 =	vadd.f32 $-2.755732000e-07, v7;
	v6 =	vadd.f32 $2.755732000e-07, v6;
	_ =	sdelay $0x1  }
0x2a: {  	v8 =	vadd.f32 $2.755731880e-06, v8;
	v7 =	vmul.f32 v7, v5;
	v6 =	vmul.f32 v6, v5;
	_ =	sdelay $0x1  }
0x2b: {  	v8 =	vmul.f32 v8, v5;
	v7 =	vadd.f32 $2.480158760e-05, v7;
	v6 =	vadd.f32 $-2.480158760e-05, v6;
	_ =	sdelay $0x1  }
0x2c: {  	v8 =	vadd.f32 $-1.984127010e-04, v8;
	v7 =	vmul.f32 v7, v5;
	v6 =	vmul.f32 v6, v5;
	_ =	sdelay $0x1  }
0x2d: {  	v8 =	vmul.f32 v8, v5;
	v7 =	vadd.f32 $-1.388888920e-03, v7;
	v6 =	vadd.f32 $1.388888920e-03, v6;
	_ =	sdelay $0x1  }
0x2e: {  	v8 =	vadd.f32 $8.333333770e-03, v8;
	v7 =	vmul.f32 v7, v5;
	v6 =	vmul.f32 v6, v5;
	_ =	sdelay $0x1  }
0x2f: {  	v8 =	vmul.f32 v8, v5;
	v7 =	vadd.f32 $4.166666790e-02, v7;
	v6 =	vadd.f32 $-4.166666790e-02, v6;
	_ =	sdelay $0x1  }
0x30: {  	v8 =	vadd.f32 $-1.666666720e-01, v8;
	v7 =	vmul.f32 v7, v5;
	v6 =	vmul.f32 v6, v5;
	_ =	sdelay $0x1  }
0x31: {  	v8 =	vmul.f32 v8, v5;
	v7 =	vadd.f32 $-5.000000000e-01, v7;
	v6 =	vadd.f32 $5.000000000e-01, v6;
	_ =	sdelay $0x1  }
0x32: {  	v17 =	vadd.f32 $1.000000000e+00, v8;
	v5 =	vmul.f32 v7, v5;
	v18 =	vmul.f32 v6, v4;
	_ =	sdelay $0x1  }
0x33: {  	v9 =	vmul.f32 v17, v2;
	v5 =	vadd.f32 $1.000000000e+00, v5;
	v10 =	vmul.f32 v18, v4  }
0x34: {  	v11 =	vmul.f32 v17, v3;
	v12 =	vmul.f32 v18, v2  }
0x35: {  	v13 =	vmul.f32 v6, v2;
	v8 =	vmul.f32 v18, v3;
	v10 =	vadd.f32 v10, v5  }
0x36: {  	v14 =	vsub.f32 v12, v11  }
0x37: {  	v2 =	vmul.f32 v13, v2;
	v19 =	vadd.f32 v8, v9;
	[tilespmem:s18+$0xFFFFEE00] =	vst v10  }
0x38: {  	v4 =	vmul.f32 v17, v4;
	v21 =	vmul.f32 v13, v3;
	v20 =	vadd.f32 v12, v11;
	[tilespmem:s18+$0xFFFFEE80] =	vst v14  }
0x39: {  	v6 =	vmul.f32 v6, v3;
	v2 =	vadd.f32 v2, v5;
	[tilespmem:s18+$0xFFFFEF00] =	vst v19  }
0x3a: {  	v22 =	vsub.f32 v21, v4;
	[tilespmem:s18+$0xFFFFEF80] =	vst v20  }
0x3b: {  	v24 =	vor.u32 $0x4, v1;
	v3 =	vmul.f32 v6, v3;
	v23 =	vsub.f32 v8, v9;
	[tilespmem:s18+$0xFFFFF000] =	vst v2  }
0x3c: {  	v4 =	vadd.f32 v21, v4;
	v2 =	vor.u32 $0x3, v1;
	[tilespmem:s18+$0xFFFFF080] =	vst v22  }
0x3d: {  	v3 =	vadd.f32 v3, v5;
	[tilespmem:s18+$0xFFFFF100] =	vst v23  }
0x3e: {  	v25 =	vor.u32 $0x5, v1;
	[tilespmem:s18+$0xFFFFF180] =	vst v4  }
0x3f: {  	[tilespmem:s18+$0xFFFFF200] =	vst v3  }
0x40: {  	v3 =	vld.idx.msk [tilespmem:v24+s12+$0x0], $0xffff  }
0x41: {  	v2 =	vld.idx.msk [tilespmem:v2+s12+$0x0], $0xffff;
	_ =	sdelay $0x1  }
0x42: {  	v4 =	vld.idx.msk [tilespmem:v25+s12+$0x0], $0xffff;
	_ =	sdelay $0x2  }
0x43: {  	v6 =	vmul.f32 v3, v3;
	v26 =	vmul.f32 v2, v2;
	_ =	sdelay $0x1  }
0x44: {  	v27 =	vmul.f32 v4, v4;
	v5 =	vadd.f32 v6, v26;
	_ =	sdelay $0x1  }
0x45: {  	v5 =	vadd.f32 v27, v5;
	_ =	sdelay $0x1  }
0x46: {  	v6 =	vmul.f32 $1.147074540e-11, v5;
	_ =	sdelay $0x1  }
0x47: {  	v29 =	vmul.f32 $1.605904440e-10, v5;
	v28 =	vsub.f32 $2.087675590e-09, v6;
	v6 =	vadd.f32 $-2.087675590e-09, v6;
	_ =	sdelay $0x1  }
0x48: {  	v8 =	vadd.f32 $-2.505210790e-08, v29;
	v7 =	vmul.f32 v28, v5;
	v6 =	vmul.f32 v6, v5;
	_ =	sdelay $0x1  }
0x49: {  	v8 =	vmul.f32 v8, v5;
	v7 =	vadd.f32 $-2.755732000e-07, v7;
	v6 =	vadd.f32 $2.755732000e-07, v6;
	_ =	sdelay $0x1  }
0x4a: {  	v8 =	vadd.f32 $2.755731880e-06, v8;
	v7 =	vmul.f32 v7, v5;
	v6 =	vmul.f32 v6, v5;
	_ =	sdelay $0x1  }
0x4b: {  	v8 =	vmul.f32 v8, v5;
	v7 =	vadd.f32 $2.480158760e-05, v7;
	v6 =	vadd.f32 $-2.480158760e-05, v6;
	_ =	sdelay $0x1  }
0x4c: {  	v8 =	vadd.f32 $-1.984127010e-04, v8;
	v7 =	vmul.f32 v7, v5;
	v6 =	vmul.f32 v6, v5;
	_ =	sdelay $0x1  }
0x4d: {  	v8 =	vmul.f32 v8, v5;
	v7 =	vadd.f32 $-1.388888920e-03, v7;
	v6 =	vadd.f32 $1.388888920e-03, v6;
	_ =	sdelay $0x1  }
0x4e: {  	v8 =	vadd.f32 $8.333333770e-03, v8;
	v7 =	vmul.f32 v7, v5;
	v6 =	vmul.f32 v6, v5;
	_ =	sdelay $0x1  }
0x4f: {  	v8 =	vmul.f32 v8, v5;
	v7 =	vadd.f32 $4.166666790e-02, v7;
	v6 =	vadd.f32 $-4.166666790e-02, v6;
	_ =	sdelay $0x1  }
0x50: {  	v8 =	vadd.f32 $-1.666666720e-01, v8;
	v7 =	vmul.f32 v7, v5;
	v6 =	vmul.f32 v6, v5;
	_ =	sdelay $0x1  }
0x51: {  	v8 =	vmul.f32 v8, v5;
	v7 =	vadd.f32 $-5.000000000e-01, v7;
	v6 =	vadd.f32 $5.000000000e-01, v6;
	_ =	sdelay $0x1  }
0x52: {  	v30 =	vadd.f32 $1.000000000e+00, v8;
	v5 =	vmul.f32 v7, v5;
	v31 =	vmul.f32 v6, v2;
	_ =	sdelay $0x1  }
0x53: {  	v32 =	vmul.f32 v30, v3;
	v5 =	vadd.f32 $1.000000000e+00, v5;
	v33 =	vmul.f32 v31, v2  }
0x54: {  	v34 =	vmul.f32 v30, v4;
	v35 =	vmul.f32 v31, v3  }
0x55: {  	v36 =	vmul.f32 v6, v3;
	v8 =	vmul.f32 v31, v4;
	v10 =	vadd.f32 v33, v5  }
0x56: {  	v37 =	vsub.f32 v35, v34  }
0x57: {  	v3 =	vmul.f32 v36, v3;
	v38 =	vadd.f32 v8, v32;
	[tilespmem:s18+$0xFFFFF280] =	vst v10  }
0x58: {  	v2 =	vmul.f32 v30, v2;
	v40 =	vmul.f32 v36, v4;
	v39 =	vadd.f32 v35, v34;
	[tilespmem:s18+$0xFFFFF300] =	vst v37  }
0x59: {  	v6 =	vmul.f32 v6, v4;
	v3 =	vadd.f32 v3, v5;
	[tilespmem:s18+$0xFFFFF380] =	vst v38  }
0x5a: {  	v41 =	vsub.f32 v40, v2;
	[tilespmem:s18+$0xFFFFF400] =	vst v39  }
0x5b: {  	v43 =	vor.u32 $0x7, v1;
	v4 =	vmul.f32 v6, v4;
	v42 =	vsub.f32 v8, v32;
	[tilespmem:s18+$0xFFFFF480] =	vst v3  }
0x5c: {  	v2 =	vadd.f32 v40, v2;
	v3 =	vor.u32 $0x6, v1;
	[tilespmem:s18+$0xFFFFF500] =	vst v41  }
0x5d: {  	v4 =	vadd.f32 v4, v5;
	[tilespmem:s18+$0xFFFFF580] =	vst v42  }
0x5e: {  	[tilespmem:s18+$0xFFFFF600] =	vst v2;
	v2 =	vor.u32 $0x8, v1  }
0x5f: {  	[tilespmem:s18+$0xFFFFF680] =	vst v4  }
0x60: {  	v4 =	vld.idx.msk [tilespmem:v43+s12+$0x0], $0xffff  }
0x61: {  	v3 =	vld.idx.msk [tilespmem:v3+s12+$0x0], $0xffff;
	_ =	sdelay $0x1  }
0x62: {  	v2 =	vld.idx.msk [tilespmem:v2+s12+$0x0], $0xffff;
	_ =	sdelay $0x2  }
0x63: {  	v6 =	vmul.f32 v4, v4;
	v44 =	vmul.f32 v3, v3;
	_ =	sdelay $0x1  }
0x64: {  	v45 =	vmul.f32 v2, v2;
	v5 =	vadd.f32 v6, v44;
	_ =	sdelay $0x1  }
0x65: {  	v5 =	vadd.f32 v45, v5;
	_ =	sdelay $0x1  }
0x66: {  	v6 =	vmul.f32 $1.147074540e-11, v5;
	_ =	sdelay $0x1  }
0x67: {  	v47 =	vmul.f32 $1.605904440e-10, v5;
	v46 =	vsub.f32 $2.087675590e-09, v6;
	v6 =	vadd.f32 $-2.087675590e-09, v6;
	_ =	sdelay $0x1  }
0x68: {  	v8 =	vadd.f32 $-2.505210790e-08, v47;
	v7 =	vmul.f32 v46, v5;
	v6 =	vmul.f32 v6, v5;
	_ =	sdelay $0x1  }
0x69: {  	v8 =	vmul.f32 v8, v5;
	v7 =	vadd.f32 $-2.755732000e-07, v7;
	v6 =	vadd.f32 $2.755732000e-07, v6;
	_ =	sdelay $0x1  }
0x6a: {  	v8 =	vadd.f32 $2.755731880e-06, v8;
	v7 =	vmul.f32 v7, v5;
	v6 =	vmul.f32 v6, v5;
	_ =	sdelay $0x1  }
0x6b: {  	v8 =	vmul.f32 v8, v5;
	v7 =	vadd.f32 $2.480158760e-05, v7;
	v6 =	vadd.f32 $-2.480158760e-05, v6;
	_ =	sdelay $0x1  }
0x6c: {  	v8 =	vadd.f32 $-1.984127010e-04, v8;
	v7 =	vmul.f32 v7, v5;
	v6 =	vmul.f32 v6, v5;
	_ =	sdelay $0x1  }
0x6d: {  	v8 =	vmul.f32 v8, v5;
	v7 =	vadd.f32 $-1.388888920e-03, v7;
	v6 =	vadd.f32 $1.388888920e-03, v6;
	_ =	sdelay $0x1  }
0x6e: {  	v8 =	vadd.f32 $8.333333770e-03, v8;
	v7 =	vmul.f32 v7, v5;
	v6 =	vmul.f32 v6, v5;
	_ =	sdelay $0x1  }
0x6f: {  	v8 =	vmul.f32 v8, v5;
	v7 =	vadd.f32 $4.166666790e-02, v7;
	v6 =	vadd.f32 $-4.166666790e-02, v6;
	_ =	sdelay $0x1  }
0x70: {  	v8 =	vadd.f32 $-1.666666720e-01, v8;
	v7 =	vmul.f32 v7, v5;
	v6 =	vmul.f32 v6, v5;
	_ =	sdelay $0x1  }
0x71: {  	v8 =	vmul.f32 v8, v5;
	v7 =	vadd.f32 $-5.000000000e-01, v7;
	v6 =	vadd.f32 $5.000000000e-01, v6;
	_ =	sdelay $0x1  }
0x72: {  	v48 =	vadd.f32 $1.000000000e+00, v8;
	v5 =	vmul.f32 v7, v5;
	v49 =	vmul.f32 v6, v3;
	_ =	sdelay $0x1  }
0x73: {  	v50 =	vmul.f32 v48, v4;
	v5 =	vadd.f32 $1.000000000e+00, v5;
	v51 =	vmul.f32 v49, v3  }
0x74: {  	v52 =	vmul.f32 v48, v2;
	v53 =	vmul.f32 v49, v4  }
0x75: {  	v54 =	vmul.f32 v6, v4;
	v8 =	vmul.f32 v49, v2;
	v10 =	vadd.f32 v51, v5  }
0x76: {  	v55 =	vsub.f32 v53, v52  }
0x77: {  	v4 =	vmul.f32 v54, v4;
	v56 =	vadd.f32 v8, v50;
	[tilespmem:s18+$0xFFFFF700] =	vst v10  }
0x78: {  	v3 =	vmul.f32 v48, v3;
	v58 =	vmul.f32 v54, v2;
	v57 =	vadd.f32 v53, v52;
	[tilespmem:s18+$0xFFFFF780] =	vst v55  }
0x79: {  	v6 =	vmul.f32 v6, v2;
	v4 =	vadd.f32 v4, v5;
	[tilespmem:s18+$0xFFFFF800] =	vst v56  }
0x7a: {  	v59 =	vsub.f32 v58, v3;
	[tilespmem:s18+$0xFFFFF880] =	vst v57  }
0x7b: {  	v61 =	vor.u32 $0x9, v1;
	v2 =	vmul.f32 v6, v2;
	v60 =	vsub.f32 v8, v50;
	[tilespmem:s18+$0xFFFFF900] =	vst v4  }
0x7c: {  	v62 =	vor.u32 $0xA, v1;
	v3 =	vadd.f32 v58, v3;
	[tilespmem:s18+$0xFFFFF980] =	vst v59  }
0x7d: {  	v2 =	vadd.f32 v2, v5;
	[tilespmem:s18+$0xFFFFFA00] =	vst v60  }
0x7e: {  	[tilespmem:s18+$0xFFFFFA80] =	vst v3;
	v3 =	vor.u32 $0xB, v1  }
0x7f: {  	[tilespmem:s18+$0xFFFFFB00] =	vst v2  }
0x80: {  	v2 =	vld.idx.msk [tilespmem:v61+s12+$0x0], $0xffff  }
0x81: {  	v63 =	vld.idx.msk [tilespmem:v62+s12+$0x0], $0xffff;
	_ =	sdelay $0x1  }
0x82: {  	v3 =	vld.idx.msk [tilespmem:v3+s12+$0x0], $0xffff;
	_ =	sdelay $0x2  }
0x83: {  	v16 =	vmul.f32 v2, v2;
	v6 =	vmul.f32 v63, v63;
	_ =	sdelay $0x1  }
0x84: {  	v5 =	vadd.f32 v6, v16;
	v17 =	vmul.f32 v3, v3;
	_ =	sdelay $0x1  }
0x85: {  	v5 =	vadd.f32 v17, v5;
	_ =	sdelay $0x1  }
0x86: {  	v6 =	vmul.f32 $1.147074540e-11, v5;
	_ =	sdelay $0x1  }
0x87: {  	v19 =	vmul.f32 $1.605904440e-10, v5;
	v18 =	vsub.f32 $2.087675590e-09, v6;
	v6 =	vadd.f32 $-2.087675590e-09, v6;
	_ =	sdelay $0x1  }
0x88: {  	v8 =	vadd.f32 $-2.505210790e-08, v19;
	v7 =	vmul.f32 v18, v5;
	v6 =	vmul.f32 v6, v5;
	_ =	sdelay $0x1  }
0x89: {  	v8 =	vmul.f32 v8, v5;
	v7 =	vadd.f32 $-2.755732000e-07, v7;
	v6 =	vadd.f32 $2.755732000e-07, v6;
	_ =	sdelay $0x1  }
0x8a: {  	v8 =	vadd.f32 $2.755731880e-06, v8;
	v7 =	vmul.f32 v7, v5;
	v6 =	vmul.f32 v6, v5;
	_ =	sdelay $0x1  }
0x8b: {  	v8 =	vmul.f32 v8, v5;
	v7 =	vadd.f32 $2.480158760e-05, v7;
	v6 =	vadd.f32 $-2.480158760e-05, v6;
	_ =	sdelay $0x1  }
0x8c: {  	v8 =	vadd.f32 $-1.984127010e-04, v8;
	v7 =	vmul.f32 v7, v5;
	v6 =	vmul.f32 v6, v5;
	_ =	sdelay $0x1  }
0x8d: {  	v8 =	vmul.f32 v8, v5;
	v7 =	vadd.f32 $-1.388888920e-03, v7;
	v6 =	vadd.f32 $1.388888920e-03, v6;
	_ =	sdelay $0x1  }
0x8e: {  	v8 =	vadd.f32 $8.333333770e-03, v8;
	v7 =	vmul.f32 v7, v5;
	v6 =	vmul.f32 v6, v5;
	_ =	sdelay $0x1  }
0x8f: {  	v8 =	vmul.f32 v8, v5;
	v7 =	vadd.f32 $4.166666790e-02, v7;
	v6 =	vadd.f32 $-4.166666790e-02, v6;
	_ =	sdelay $0x1  }
0x90: {  	v8 =	vadd.f32 $-1.666666720e-01, v8;
	v7 =	vmul.f32 v7, v5;
	v6 =	vmul.f32 v6, v5;
	_ =	sdelay $0x1  }
0x91: {  	v8 =	vmul.f32 v8, v5;
	v7 =	vadd.f32 $-5.000000000e-01, v7;
	v6 =	vadd.f32 $5.000000000e-01, v6;
	_ =	sdelay $0x1  }
0x92: {  	v20 =	vadd.f32 $1.000000000e+00, v8;
	v5 =	vmul.f32 v7, v5;
	v21 =	vmul.f32 v6, v2;
	_ =	sdelay $0x1  }
0x93: {  	v22 =	vmul.f32 v20, v63;
	v5 =	vadd.f32 $1.000000000e+00, v5;
	v23 =	vmul.f32 v21, v2  }
0x94: {  	v24 =	vmul.f32 v20, v3;
	v25 =	vmul.f32 v21, v63  }
0x95: {  	v26 =	vmul.f32 v6, v63;
	v8 =	vmul.f32 v21, v3;
	v10 =	vadd.f32 v23, v5  }
0x96: {  	v27 =	vsub.f32 v25, v24  }
0x97: {  	v4 =	vmul.f32 v26, v63;
	v28 =	vadd.f32 v8, v22;
	[tilespmem:s18+$0xFFFFFB80] =	vst v10  }
0x98: {  	v2 =	vmul.f32 v20, v2;
	v30 =	vmul.f32 v26, v3;
	v29 =	vadd.f32 v25, v24;
	[tilespmem:s18+$0xFFFFFC00] =	vst v27  }
0x99: {  	v6 =	vmul.f32 v6, v3;
	v4 =	vadd.f32 v4, v5;
	[tilespmem:s18+$0xFFFFFC80] =	vst v28  }
0x9a: {  	v31 =	vsub.f32 v30, v2;
	[tilespmem:s18+$0xFFFFFD00] =	vst v29  }
0x9b: {  	v33 =	vor.u32 $0xC, v1;
	v3 =	vmul.f32 v6, v3;
	v32 =	vsub.f32 v8, v22;
	[tilespmem:s18+$0xFFFFFD80] =	vst v4  }
0x9c: {  	v34 =	vor.u32 $0xD, v1;
	v2 =	vadd.f32 v30, v2;
	[tilespmem:s18+$0xFFFFFE00] =	vst v31  }
0x9d: {  	v3 =	vadd.f32 v3, v5;
	[tilespmem:s18+$0xFFFFFE80] =	vst v32  }
0x9e: {  	[tilespmem:s18+$0xFFFFFF00] =	vst v2;
	v2 =	vor.u32 $0xE, v1  }
0x9f: {  	[tilespmem:s18+$0xFFFFFF80] =	vst v3  }
0xa0: {  	v3 =	vld.idx.msk [tilespmem:v33+s12+$0x0], $0xffff  }
0xa1: {  	v35 =	vld.idx.msk [tilespmem:v34+s12+$0x0], $0xffff;
	_ =	sdelay $0x1  }
0xa2: {  	v2 =	vld.idx.msk [tilespmem:v2+s12+$0x0], $0xffff;
	_ =	sdelay $0x2  }
0xa3: {  	v36 =	vmul.f32 v3, v3;
	v6 =	vmul.f32 v35, v35;
	_ =	sdelay $0x1  }
0xa4: {  	v5 =	vadd.f32 v6, v36;
	v37 =	vmul.f32 v2, v2;
	_ =	sdelay $0x1  }
0xa5: {  	v5 =	vadd.f32 v37, v5;
	_ =	sdelay $0x1  }
0xa6: {  	v6 =	vmul.f32 $1.147074540e-11, v5;
	_ =	sdelay $0x1  }
0xa7: {  	v39 =	vmul.f32 $1.605904440e-10, v5;
	v38 =	vsub.f32 $2.087675590e-09, v6;
	v6 =	vadd.f32 $-2.087675590e-09, v6;
	_ =	sdelay $0x1  }
0xa8: {  	v8 =	vadd.f32 $-2.505210790e-08, v39;
	v7 =	vmul.f32 v38, v5;
	v6 =	vmul.f32 v6, v5;
	_ =	sdelay $0x1  }
0xa9: {  	v8 =	vmul.f32 v8, v5;
	v7 =	vadd.f32 $-2.755732000e-07, v7;
	v6 =	vadd.f32 $2.755732000e-07, v6;
	_ =	sdelay $0x1  }
0xaa: {  	v8 =	vadd.f32 $2.755731880e-06, v8;
	v7 =	vmul.f32 v7, v5;
	v6 =	vmul.f32 v6, v5;
	_ =	sdelay $0x1  }
0xab: {  	v8 =	vmul.f32 v8, v5;
	v7 =	vadd.f32 $2.480158760e-05, v7;
	v6 =	vadd.f32 $-2.480158760e-05, v6;
	_ =	sdelay $0x1  }
0xac: {  	v8 =	vadd.f32 $-1.984127010e-04, v8;
	v7 =	vmul.f32 v7, v5;
	v6 =	vmul.f32 v6, v5;
	_ =	sdelay $0x1  }
0xad: {  	v8 =	vmul.f32 v8, v5;
	v7 =	vadd.f32 $-1.388888920e-03, v7;
	v6 =	vadd.f32 $1.388888920e-03, v6;
	_ =	sdelay $0x1  }
0xae: {  	v8 =	vadd.f32 $8.333333770e-03, v8;
	v7 =	vmul.f32 v7, v5;
	v6 =	vmul.f32 v6, v5;
	_ =	sdelay $0x1  }
0xaf: {  	v8 =	vmul.f32 v8, v5;
	v7 =	vadd.f32 $4.166666790e-02, v7;
	v6 =	vadd.f32 $-4.166666790e-02, v6;
	_ =	sdelay $0x1  }
0xb0: {  	v8 =	vadd.f32 $-1.666666720e-01, v8;
	v7 =	vmul.f32 v7, v5;
	v6 =	vmul.f32 v6, v5;
	_ =	sdelay $0x1  }
0xb1: {  	v8 =	vmul.f32 v8, v5;
	v7 =	vadd.f32 $-5.000000000e-01, v7;
	v6 =	vadd.f32 $5.000000000e-01, v6;
	_ =	sdelay $0x1  }
0xb2: {  	v40 =	vadd.f32 $1.000000000e+00, v8;
	v5 =	vmul.f32 v7, v5;
	v41 =	vmul.f32 v6, v3;
	_ =	sdelay $0x1  }
0xb3: {  	v42 =	vmul.f32 v40, v35;
	v5 =	vadd.f32 $1.000000000e+00, v5;
	v43 =	vmul.f32 v41, v3  }
0xb4: {  	v44 =	vmul.f32 v40, v2;
	v45 =	vmul.f32 v41, v35  }
0xb5: {  	v46 =	vmul.f32 v6, v35;
	v8 =	vmul.f32 v41, v2;
	v10 =	vadd.f32 v43, v5  }
0xb6: {  	v47 =	vsub.f32 v45, v44  }
0xb7: {  	v4 =	vmul.f32 v46, v35;
	v48 =	vadd.f32 v8, v42;
	[tilespmem:s18+$0x0] =	vst v10  }
0xb8: {  	v3 =	vmul.f32 v40, v3;
	v50 =	vmul.f32 v46, v2;
	v49 =	vadd.f32 v45, v44;
	[tilespmem:s18+$0x80] =	vst v47  }
0xb9: {  	v6 =	vmul.f32 v6, v2;
	v4 =	vadd.f32 v4, v5;
	[tilespmem:s18+$0x100] =	vst v48  }
0xba: {  	v51 =	vsub.f32 v50, v3;
	[tilespmem:s18+$0x180] =	vst v49  }
0xbb: {  	v53 =	vor.u32 $0xF, v1;
	v2 =	vmul.f32 v6, v2;
	v52 =	vsub.f32 v8, v42;
	[tilespmem:s18+$0x200] =	vst v4  }
0xbc: {  	v54 =	vor.u32 $0x10, v1;
	v3 =	vadd.f32 v50, v3;
	[tilespmem:s18+$0x280] =	vst v51  }
0xbd: {  	v2 =	vadd.f32 v2, v5;
	[tilespmem:s18+$0x300] =	vst v52  }
0xbe: {  	[tilespmem:s18+$0x380] =	vst v3;
	v3 =	vor.u32 $0x11, v1  }
0xbf: {  	[tilespmem:s18+$0x400] =	vst v2  }
0xc0: {  	v2 =	vld.idx.msk [tilespmem:v53+s12+$0x0], $0xffff  }
0xc1: {  	v55 =	vld.idx.msk [tilespmem:v54+s12+$0x0], $0xffff;
	_ =	sdelay $0x1  }
0xc2: {  	v3 =	vld.idx.msk [tilespmem:v3+s12+$0x0], $0xffff;
	_ =	sdelay $0x2  }
0xc3: {  	v56 =	vmul.f32 v2, v2;
	v6 =	vmul.f32 v55, v55;
	_ =	sdelay $0x1  }
0xc4: {  	v5 =	vadd.f32 v6, v56;
	v57 =	vmul.f32 v3, v3;
	_ =	sdelay $0x1  }
0xc5: {  	v5 =	vadd.f32 v57, v5;
	_ =	sdelay $0x1  }
0xc6: {  	v6 =	vmul.f32 $1.147074540e-11, v5;
	_ =	sdelay $0x1  }
0xc7: {  	v59 =	vmul.f32 $1.605904440e-10, v5;
	v58 =	vsub.f32 $2.087675590e-09, v6;
	v6 =	vadd.f32 $-2.087675590e-09, v6;
	_ =	sdelay $0x1  }
0xc8: {  	v8 =	vadd.f32 $-2.505210790e-08, v59;
	v7 =	vmul.f32 v58, v5;
	v6 =	vmul.f32 v6, v5;
	_ =	sdelay $0x1  }
0xc9: {  	v8 =	vmul.f32 v8, v5;
	v7 =	vadd.f32 $-2.755732000e-07, v7;
	v6 =	vadd.f32 $2.755732000e-07, v6;
	_ =	sdelay $0x1  }
0xca: {  	v8 =	vadd.f32 $2.755731880e-06, v8;
	v7 =	vmul.f32 v7, v5;
	v6 =	vmul.f32 v6, v5;
	_ =	sdelay $0x1  }
0xcb: {  	v8 =	vmul.f32 v8, v5;
	v7 =	vadd.f32 $2.480158760e-05, v7;
	v6 =	vadd.f32 $-2.480158760e-05, v6;
	_ =	sdelay $0x1  }
0xcc: {  	v8 =	vadd.f32 $-1.984127010e-04, v8;
	v7 =	vmul.f32 v7, v5;
	v6 =	vmul.f32 v6, v5;
	_ =	sdelay $0x1  }
0xcd: {  	v8 =	vmul.f32 v8, v5;
	v7 =	vadd.f32 $-1.388888920e-03, v7;
	v6 =	vadd.f32 $1.388888920e-03, v6;
	_ =	sdelay $0x1  }
0xce: {  	v8 =	vadd.f32 $8.333333770e-03, v8;
	v7 =	vmul.f32 v7, v5;
	v6 =	vmul.f32 v6, v5;
	_ =	sdelay $0x1  }
0xcf: {  	v8 =	vmul.f32 v8, v5;
	v7 =	vadd.f32 $4.166666790e-02, v7;
	v6 =	vadd.f32 $-4.166666790e-02, v6;
	_ =	sdelay $0x1  }
0xd0: {  	v8 =	vadd.f32 $-1.666666720e-01, v8;
	v7 =	vmul.f32 v7, v5;
	v6 =	vmul.f32 v6, v5;
	_ =	sdelay $0x1  }
0xd1: {  	v8 =	vmul.f32 v8, v5;
	v7 =	vadd.f32 $-5.000000000e-01, v7;
	v6 =	vadd.f32 $5.000000000e-01, v6;
	_ =	sdelay $0x1  }
0xd2: {  	v60 =	vadd.f32 $1.000000000e+00, v8;
	v5 =	vmul.f32 v7, v5;
	v61 =	vmul.f32 v6, v2;
	_ =	sdelay $0x1  }
0xd3: {  	v62 =	vmul.f32 v60, v55;
	v5 =	vadd.f32 $1.000000000e+00, v5;
	v63 =	vmul.f32 v61, v2  }
0xd4: {  	v16 =	vmul.f32 v60, v3;
	v17 =	vmul.f32 v61, v55  }
0xd5: {  	v18 =	vmul.f32 v6, v55;
	v8 =	vmul.f32 v61, v3;
	v10 =	vadd.f32 v63, v5  }
0xd6: {  	v19 =	vsub.f32 v17, v16  }
0xd7: {  	v4 =	vmul.f32 v18, v55;
	v20 =	vadd.f32 v8, v62;
	[tilespmem:s18+$0x480] =	vst v10  }
0xd8: {  	v2 =	vmul.f32 v60, v2;
	v22 =	vmul.f32 v18, v3;
	v21 =	vadd.f32 v17, v16;
	[tilespmem:s18+$0x500] =	vst v19  }
0xd9: {  	v6 =	vmul.f32 v6, v3;
	v4 =	vadd.f32 v4, v5;
	[tilespmem:s18+$0x580] =	vst v20  }
0xda: {  	v23 =	vsub.f32 v22, v2;
	[tilespmem:s18+$0x600] =	vst v21  }
0xdb: {  	v25 =	vor.u32 $0x12, v1;
	v3 =	vmul.f32 v6, v3;
	v24 =	vsub.f32 v8, v62;
	[tilespmem:s18+$0x680] =	vst v4  }
0xdc: {  	v26 =	vor.u32 $0x13, v1;
	v2 =	vadd.f32 v22, v2;
	[tilespmem:s18+$0x700] =	vst v23  }
0xdd: {  	v3 =	vadd.f32 v3, v5;
	[tilespmem:s18+$0x780] =	vst v24  }
0xde: {  	[tilespmem:s18+$0x800] =	vst v2;
	v2 =	vor.u32 $0x14, v1  }
0xdf: {  	[tilespmem:s18+$0x880] =	vst v3  }
0xe0: {  	v3 =	vld.idx.msk [tilespmem:v25+s12+$0x0], $0xffff  }
0xe1: {  	v27 =	vld.idx.msk [tilespmem:v26+s12+$0x0], $0xffff;
	_ =	sdelay $0x1  }
0xe2: {  	v2 =	vld.idx.msk [tilespmem:v2+s12+$0x0], $0xffff;
	_ =	sdelay $0x2  }
0xe3: {  	v28 =	vmul.f32 v3, v3;
	v6 =	vmul.f32 v27, v27;
	_ =	sdelay $0x1  }
0xe4: {  	v5 =	vadd.f32 v6, v28;
	v29 =	vmul.f32 v2, v2;
	_ =	sdelay $0x1  }
0xe5: {  	v5 =	vadd.f32 v29, v5;
	_ =	sdelay $0x1  }
0xe6: {  	v6 =	vmul.f32 $1.147074540e-11, v5;
	_ =	sdelay $0x1  }
0xe7: {  	v31 =	vmul.f32 $1.605904440e-10, v5;
	v30 =	vsub.f32 $2.087675590e-09, v6;
	v6 =	vadd.f32 $-2.087675590e-09, v6;
	_ =	sdelay $0x1  }
0xe8: {  	v8 =	vadd.f32 $-2.505210790e-08, v31;
	v7 =	vmul.f32 v30, v5;
	v6 =	vmul.f32 v6, v5;
	_ =	sdelay $0x1  }
0xe9: {  	v8 =	vmul.f32 v8, v5;
	v7 =	vadd.f32 $-2.755732000e-07, v7;
	v6 =	vadd.f32 $2.755732000e-07, v6;
	_ =	sdelay $0x1  }
0xea: {  	v8 =	vadd.f32 $2.755731880e-06, v8;
	v7 =	vmul.f32 v7, v5;
	v6 =	vmul.f32 v6, v5;
	_ =	sdelay $0x1  }
0xeb: {  	v8 =	vmul.f32 v8, v5;
	v7 =	vadd.f32 $2.480158760e-05, v7;
	v6 =	vadd.f32 $-2.480158760e-05, v6;
	_ =	sdelay $0x1  }
0xec: {  	v8 =	vadd.f32 $-1.984127010e-04, v8;
	v7 =	vmul.f32 v7, v5;
	v6 =	vmul.f32 v6, v5;
	_ =	sdelay $0x1  }
0xed: {  	v8 =	vmul.f32 v8, v5;
	v7 =	vadd.f32 $-1.388888920e-03, v7;
	v6 =	vadd.f32 $1.388888920e-03, v6;
	_ =	sdelay $0x1  }
0xee: {  	v8 =	vadd.f32 $8.333333770e-03, v8;
	v7 =	vmul.f32 v7, v5;
	v6 =	vmul.f32 v6, v5;
	_ =	sdelay $0x1  }
0xef: {  	v8 =	vmul.f32 v8, v5;
	v7 =	vadd.f32 $4.166666790e-02, v7;
	v6 =	vadd.f32 $-4.166666790e-02, v6;
	_ =	sdelay $0x1  }
0xf0: {  	v8 =	vadd.f32 $-1.666666720e-01, v8;
	v7 =	vmul.f32 v7, v5;
	v6 =	vmul.f32 v6, v5;
	_ =	sdelay $0x1  }
0xf1: {  	v8 =	vmul.f32 v8, v5;
	v7 =	vadd.f32 $-5.000000000e-01, v7;
	v6 =	vadd.f32 $5.000000000e-01, v6;
	_ =	sdelay $0x1  }
0xf2: {  	v32 =	vadd.f32 $1.000000000e+00, v8;
	v5 =	vmul.f32 v7, v5;
	v33 =	vmul.f32 v6, v3;
	_ =	sdelay $0x1  }
0xf3: {  	v34 =	vmul.f32 v32, v27;
	v5 =	vadd.f32 $1.000000000e+00, v5;
	v35 =	vmul.f32 v33, v3  }
0xf4: {  	v36 =	vmul.f32 v32, v2;
	v37 =	vmul.f32 v33, v27  }
0xf5: {  	v38 =	vmul.f32 v6, v27;
	v8 =	vmul.f32 v33, v2;
	v10 =	vadd.f32 v35, v5  }
0xf6: {  	v39 =	vsub.f32 v37, v36  }
0xf7: {  	v4 =	vmul.f32 v38, v27;
	v40 =	vadd.f32 v8, v34;
	[tilespmem:s18+$0x900] =	vst v10  }
0xf8: {  	v3 =	vmul.f32 v32, v3;
	v42 =	vmul.f32 v38, v2;
	v41 =	vadd.f32 v37, v36;
	[tilespmem:s18+$0x980] =	vst v39  }
0xf9: {  	v6 =	vmul.f32 v6, v2;
	v4 =	vadd.f32 v4, v5;
	[tilespmem:s18+$0xA00] =	vst v40  }
0xfa: {  	v43 =	vsub.f32 v42, v3;
	[tilespmem:s18+$0xA80] =	vst v41  }
0xfb: {  	v45 =	vor.u32 $0x15, v1;
	v2 =	vmul.f32 v6, v2;
	v44 =	vsub.f32 v8, v34;
	[tilespmem:s18+$0xB00] =	vst v4  }
0xfc: {  	v46 =	vor.u32 $0x16, v1;
	v3 =	vadd.f32 v42, v3;
	[tilespmem:s18+$0xB80] =	vst v43  }
0xfd: {  	v2 =	vadd.f32 v2, v5;
	[tilespmem:s18+$0xC00] =	vst v44  }
0xfe: {  	v1 =	vor.u32 $0x17, v1;
	[tilespmem:s18+$0xC80] =	vst v3  }
0xff: {  	[tilespmem:s18+$0xD00] =	vst v2  }
0x100: {  	v2 =	vld.idx.msk [tilespmem:v45+s12+$0x0], $0xffff  }
0x101: {  	v3 =	vld.idx.msk [tilespmem:v46+s12+$0x0], $0xffff;
	_ =	sdelay $0x1  }
0x102: {  	v1 =	vld.idx.msk [tilespmem:v1+s12+$0x0], $0xffff;
	_ =	sdelay $0x2  }
0x103: {  	v4 =	vmul.f32 v2, v2;
	v47 =	vmul.f32 v3, v3;
	_ =	sdelay $0x1  }
0x104: {  	v48 =	vmul.f32 v1, v1;
	v4 =	vadd.f32 v47, v4;
	_ =	sdelay $0x1  }
0x105: {  	v4 =	vadd.f32 v48, v4;
	_ =	sdelay $0x1  }
0x106: {  	v5 =	vmul.f32 $1.147074540e-11, v4;
	_ =	sdelay $0x1  }
0x107: {  	v50 =	vmul.f32 $1.605904440e-10, v4;
	v49 =	vsub.f32 $2.087675590e-09, v5;
	v5 =	vadd.f32 $-2.087675590e-09, v5;
	_ =	sdelay $0x1  }
0x108: {  	v7 =	vadd.f32 $-2.505210790e-08, v50;
	v6 =	vmul.f32 v49, v4;
	v5 =	vmul.f32 v5, v4;
	_ =	sdelay $0x1  }
0x109: {  	v7 =	vmul.f32 v7, v4;
	v6 =	vadd.f32 $-2.755732000e-07, v6;
	v5 =	vadd.f32 $2.755732000e-07, v5;
	_ =	sdelay $0x1  }
0x10a: {  	v7 =	vadd.f32 $2.755731880e-06, v7;
	v6 =	vmul.f32 v6, v4;
	v5 =	vmul.f32 v5, v4;
	_ =	sdelay $0x1  }
0x10b: {  	v7 =	vmul.f32 v7, v4;
	v6 =	vadd.f32 $2.480158760e-05, v6;
	v5 =	vadd.f32 $-2.480158760e-05, v5;
	_ =	sdelay $0x1  }
0x10c: {  	v7 =	vadd.f32 $-1.984127010e-04, v7;
	v6 =	vmul.f32 v6, v4;
	v5 =	vmul.f32 v5, v4;
	_ =	sdelay $0x1  }
0x10d: {  	v7 =	vmul.f32 v7, v4;
	v6 =	vadd.f32 $-1.388888920e-03, v6;
	v5 =	vadd.f32 $1.388888920e-03, v5;
	_ =	sdelay $0x1  }
0x10e: {  	v7 =	vadd.f32 $8.333333770e-03, v7;
	v6 =	vmul.f32 v6, v4;
	v5 =	vmul.f32 v5, v4;
	_ =	sdelay $0x1  }
0x10f: {  	v7 =	vmul.f32 v7, v4;
	v6 =	vadd.f32 $4.166666790e-02, v6;
	v5 =	vadd.f32 $-4.166666790e-02, v5;
	_ =	sdelay $0x1  }
0x110: {  	v7 =	vadd.f32 $-1.666666720e-01, v7;
	v6 =	vmul.f32 v6, v4;
	v5 =	vmul.f32 v5, v4;
	_ =	sdelay $0x1  }
0x111: {  	v7 =	vmul.f32 v7, v4;
	v6 =	vadd.f32 $-5.000000000e-01, v6;
	v5 =	vadd.f32 $5.000000000e-01, v5;
	_ =	sdelay $0x1  }
0x112: {  	v51 =	vadd.f32 $1.000000000e+00, v7;
	v4 =	vmul.f32 v6, v4;
	v52 =	vmul.f32 v5, v2;
	_ =	sdelay $0x1  }
0x113: {  	v53 =	vmul.f32 v51, v3;
	v4 =	vadd.f32 $1.000000000e+00, v4;
	v54 =	vmul.f32 v52, v2  }
0x114: {  	v55 =	vmul.f32 v51, v1;
	v56 =	vmul.f32 v52, v3  }
0x115: {  	v57 =	vmul.f32 v5, v3;
	v7 =	vmul.f32 v52, v1;
	v9 =	vadd.f32 v54, v4  }
0x116: {  	v58 =	vsub.f32 v56, v55  }
0x117: {  	v3 =	vmul.f32 v57, v3;
	v59 =	vadd.f32 v7, v53;
	[tilespmem:s18+$0xD80] =	vst v9  }
0x118: {  	v2 =	vmul.f32 v51, v2;
	v61 =	vmul.f32 v57, v1;
	v60 =	vadd.f32 v56, v55;
	[tilespmem:s18+$0xE00] =	vst v58  }
0x119: {  	v5 =	vmul.f32 v5, v1;
	v3 =	vadd.f32 v3, v4;
	[tilespmem:s18+$0xE80] =	vst v59  }
0x11a: {  	p0 =	sne.s32 s19, $0x70;
	v62 =	vsub.f32 v61, v2;
	[tilespmem:s18+$0xF00] =	vst v60  }
.Ltmp0:
0x11b: {  	v1 =	vmul.f32 v5, v1;
	v63 =	vsub.f32 v7, v53;
	[tilespmem:s18+$0xF80] =	vst v3;
	(pc) =	sbr.rel @p0 .LBB2_2-.Ltmp0, $4  }
0x11c: {  	v2 =	vadd.f32 v61, v2;
	[tilespmem:s18+$0x1000] =	vst v62  }
0x11d: {  	v1 =	vadd.f32 v1, v4;
	[tilespmem:s18+$0x1080] =	vst v63  }
0x11e: {  	[tilespmem:s18+$0x1100] =	vst v2  }
0x11f: {  	s19 =	sadd.s32 $0x10, s19;
	[tilespmem:s18+$0x1180] =	vst v1;
	s18 =	sadd.s32 $0x10, s18  }
0x120: {  	s18 =	simm.s32 $0x0  }
0x121: {  	[hbm4b:s6+s18] =	stream.linear.scatter [tilespmem:s15], [sflag:$0x3], $0x2400, $0x38;
	[tilespmem:$0x7880] =	vst v63  }
0x122: {  	_ =	swait.ge [sflag:s11], $0x2400  }
0x123: {  	s19 =	simm.s32 $0x1;
	s21 =	sadd.s32 $0x0, s7;
	[sflag:s11] =	ssyncset.done $0x0  }
0x124: {  	s20 =	simm.s32 $0xD8;
	s18 =	simm.s32 $0x98;
	[sflag:s11] =	ssyncadd.s32 $0xFFFFDC00  }
.LBB2_4:
0x125: {  	[hbm4b:s21+s2] =	stream.linear.scatter [tilespmem:s18], [sflag:$0x3], $0x8, $0x38;
	[tilespmem:$0x7880] =	vst v63  }
0x126: {  	s21 =	smov.u32 s19;
	s18 =	smov.u32 s20;
	p0 =	sne.s32 s19, $0x7F  }
.Ltmp1:
0x127: {  	s19 =	sadd.s32 $0x1, s19;
	(pc) =	sbr.rel @p0 .LBB2_4-.Ltmp1, $2  }
0x128: {  	_ =	sdelay $0x2  }
0x129: {  	s20 =	sadd.s32 $0x40, s20;
	s21 =	sadd.s32 s21, s7  }
0x12a: {  	[hbm4b:s21+s2] =	stream.linear.scatter [tilespmem:s18], [sflag:$0x3], $0x8, $0x38;
	[tilespmem:$0x7880] =	vst v63  }
0x12b: {  	_ =	swait.ge [sflag:s11], $0x400  }
0x12c: {  	s18 =	simm.s32 $0xA0;
	s19 =	simm.s32 $0x4;
	[sflag:s11] =	ssyncset.done $0x0  }
0x12d: {  	s21 =	sadd.s32 $0x0, s8;
	s20 =	simm.s32 $0xE0;
	[sflag:s11] =	ssyncadd.s32 $0xFFFFFC00  }
.LBB2_6:
0x12e: {  	[hbm4b:s21+s2] =	stream.linear.scatter [tilespmem:s18], [sflag:$0x3], $0x20, $0x38;
	[tilespmem:$0x7880] =	vst v63  }
0x12f: {  	s21 =	smov.u32 s19;
	s18 =	smov.u32 s20;
	p0 =	sne.s32 s19, $0x1FC  }
.Ltmp2:
0x130: {  	s19 =	sadd.s32 $0x4, s19;
	(pc) =	sbr.rel @p0 .LBB2_6-.Ltmp2, $2  }
0x131: {  	_ =	sdelay $0x2  }
0x132: {  	s20 =	sadd.s32 $0x40, s20;
	s21 =	sadd.s32 s21, s8  }
0x133: {  	[hbm4b:s21+s2] =	stream.linear.scatter [tilespmem:s18], [sflag:$0x3], $0x20, $0x38;
	[tilespmem:$0x7880] =	vst v63  }
0x134: {  	_ =	swait.ge [sflag:s11], $0x1000  }
0x135: {  	[sflag:s11] =	ssyncset.done $0x0  }
0x136: {  	[sflag:s11] =	ssyncadd.s32 $0xFFFFF000  }
0x137: {  	s17 =	sadd.s32 $0x1, s17;
	_ =	swait.ge [sflag:s16], $0x3400  }
0x138: {  	p0 =	sne.s32 s17, s10;
	[sflag:s16] =	ssyncset.done $0x0  }
.Ltmp3:
0x139: {  	[sflag:s16] =	ssyncadd.s32 $0xFFFFCC00;
	(pc) =	sbr.rel @p0 .LBB2_1-.Ltmp3, $4  }
0x13a: {  	[hbm4b:s9+s2] =	stream.linear.scatter [tilespmem:s13], [sflag:$0x3], $0x3400, $0x38;
	[tilespmem:$0x7880] =	vst v63  }
0x13b: {  	_ =	swait.ge [sflag:s11], $0x3400  }
0x13c: {  	[sflag:s11] =	ssyncset.done $0x0  }
0x13d: {  	[sflag:s11] =	ssyncadd.s32 $0xFFFFCC00  }
0x13e: {  	_ =	sfence.sel $0x180000  }
0x13f: {  	[bflag:$0x0] =	sbarrier.arrive $0xFFFF  }
0x140: {  	p0 =	sne.s32 s1, $0x0;
	_ =	strace $0x90000047  }
0x141: {  	s0 =	sadd.s32 @!p0 $0x100000, s0;
	[bflag:$0x2] =	sbarrier.arrive $0xFFFF  }
0x142: {  	[sflag:s0] =	ssyncadd.tile.s32 @!p0 $0x1;
	_ =	shalt  }
.Lfunc_end2:
_tile_overlayer_lowered:
.L_overlay_start_2:
0x143: {  	(tag) =	ssettag $0x2  }
0x144: {  	s0 =	rddreg [dreg:$0x0];
	s2 =	stileid.u32  }
0x145: {  	s1 =	rddreg [dreg:$0x1];
	p0 =	sne.s32 s2, $0x0  }
0x146: {  	s3 =	rddreg [dreg:$0x2];
	[bflag:$0x3] =	sbarrier.arrive $0xFFFF;
	s2 =	simm.s32 @!p0 $0x1C03  }
0x147: {  	[timem:s3], [sflag:s2] =	dma.local @!p0 [hbm:s0], s1  }
0x148: {  	s0 =	simm.s32 @!p0 $0x3  }
0x149: {  	_ =	swait.ge @!p0 [sflag:s0], s1  }
0x14a: {  	s1 =	ssub.s32 @!p0 $0x0, s1;
	[sflag:s0] =	ssyncset.done @!p0 $0x0  }
0x14b: {  	[sflag:s0] =	ssyncadd.s32 @!p0 s1  }
0x14c: {  	[bflag:$0x3] =	sbarrier.arrive $0xFFFF  }
0x14d: {  	_ =	shalt  }

</sc_bundles>
